<compile_context>
chip_gen: v7x
topology: tpu7x:2x2x1
jax: 0.10.2.dev20260603
libtpu: 0.0.44.dev20260713+nightly
codegen_flags: <defaults>
</compile_context>

<pallas_src>
import jax
import jax.numpy as jnp
from jax import lax
from jax.experimental import pallas as pl
from jax.experimental.pallas import tpu as pltpu
from jax.experimental.pallas import tpu_sc as plsc

N_NODES = 100000
FEAT = 128
B = 50000
S = 10
SLOTS = 12
LG = FEAT // 16

NC = 2
NS = 16
NW = NC * NS

B_PAD = 51200
B_PER_W = B_PAD // NW
C = 32
NCHUNK = B_PER_W // C
GROWS = SLOTS * C
NSTREAM = GROWS // 128


def _sc_body(idx_hbm, feat_hbm, self_hbm, nsum_hbm,
             idx_c0, idx_c1, gbuf0, gbuf1, nout,
             gsem0, gsem1, osem0, osem1, isem0, isem1):
    cc = lax.axis_index("c")
    s = lax.axis_index("s")
    wid = s * NC + cc

    def fire_gathers(idx_c, gbuf, gsem):
        for j in range(NSTREAM):
            pltpu.async_copy(feat_hbm.at[idx_c.at[j]],
                             gbuf.at[pl.ds(j * 128, 128)], gsem)

    def drain_reduce(ci, idx_c, gbuf, gsem, p, osem, isem, first):
        base = wid * B_PER_W + ci * C
        for j in range(NSTREAM):
            pltpu.make_async_copy(
                feat_hbm.at[pl.ds(0, 128)],
                gbuf.at[pl.ds(j * 128, 128)], gsem).wait()
        @pl.when(ci + 2 < NCHUNK)
        def _():
            pltpu.async_copy(idx_hbm.at[wid, ci + 2], idx_c, isem)
        @pl.when(jnp.logical_not(first))
        def _():
            pltpu.make_async_copy(
                feat_hbm.at[pl.ds(0, C)], gbuf.at[pl.ds(0, C)], osem).wait()
        pltpu.async_copy(gbuf.at[pl.ds(0, C)], self_hbm.at[pl.ds(base, C)],
                         osem)

        def seed_body(i, carry):
            for g in range(LG):
                acc = gbuf[C + i, pl.ds(16 * g, 16)]
                for t in range(2, SLOTS - 1):
                    acc = acc + gbuf[t * C + i, pl.ds(16 * g, 16)]
                nout[p, i, pl.ds(16 * g, 16)] = acc
            return carry

        lax.fori_loop(0, C, seed_body, 0)

        pltpu.make_async_copy(
            feat_hbm.at[pl.ds(0, C)], gbuf.at[pl.ds(0, C)], osem).wait()
        pltpu.async_copy(nout.at[p], nsum_hbm.at[pl.ds(base, C)], osem)

        @pl.when(ci + 2 < NCHUNK)
        def _():
            pltpu.make_async_copy(
                idx_hbm.at[wid, 0], idx_c, isem).wait()
            fire_gathers(idx_c, gbuf, gsem)

    pltpu.sync_copy(idx_hbm.at[wid, 0], idx_c0)
    pltpu.sync_copy(idx_hbm.at[wid, 1], idx_c1)
    fire_gathers(idx_c0, gbuf0, gsem0)
    fire_gathers(idx_c1, gbuf1, gsem1)

    def body(k, carry):
        drain_reduce(2 * k, idx_c0, gbuf0, gsem0, 0, osem0, isem0, k == 0)
        drain_reduce(2 * k + 1, idx_c1, gbuf1, gsem1, 1, osem1, isem1,
                     k == 0)
        return carry

    lax.fori_loop(0, NCHUNK // 2, body, 0)

    pltpu.make_async_copy(
        feat_hbm.at[pl.ds(0, C)], gbuf0.at[pl.ds(0, C)], osem0).wait()
    pltpu.make_async_copy(
        feat_hbm.at[pl.ds(0, C)], gbuf1.at[pl.ds(0, C)], osem1).wait()


def _tc_body(self_ref, nsum_ref, ws_ref, wn_ref, w1s_ref, w1n_ref, o_ref):
    xs = self_ref[...]
    xn = nsum_ref[...] * jnp.float32(1.0 / S)
    comb = jnp.tanh(
        jnp.dot(xs, ws_ref[...], preferred_element_type=jnp.float32)
        + jnp.dot(xn, wn_ref[...], preferred_element_type=jnp.float32)
    )
    att = jax.nn.sigmoid(
        jnp.dot(xs, w1s_ref[...], preferred_element_type=jnp.float32)
        + jnp.dot(xn, w1n_ref[...], preferred_element_type=jnp.float32)
    )
    o_ref[...] = att * (comb + jnp.tanh(xn))


_sc_gather = pl.kernel(
    _sc_body,
    out_type=[
        jax.ShapeDtypeStruct((B_PAD, FEAT), jnp.float32),
        jax.ShapeDtypeStruct((B_PAD, FEAT), jnp.float32),
    ],
    mesh=plsc.VectorSubcoreMesh(core_axis_name="c", subcore_axis_name="s"),
    scratch_types=[
        pltpu.VMEM((NSTREAM, 128), jnp.int32),
        pltpu.VMEM((NSTREAM, 128), jnp.int32),
        pltpu.VMEM((GROWS, FEAT), jnp.float32),
        pltpu.VMEM((GROWS, FEAT), jnp.float32),
        pltpu.VMEM((2, C, FEAT), jnp.float32),
        pltpu.SemaphoreType.DMA,
        pltpu.SemaphoreType.DMA,
        pltpu.SemaphoreType.DMA,
        pltpu.SemaphoreType.DMA,
        pltpu.SemaphoreType.DMA,
        pltpu.SemaphoreType.DMA,
    ],
)

_TC_R = 2000


@jax.jit
def _run(nodes, neigh_idx, features, weight, weight1):
    pad = B_PAD - B
    nodes_p = jnp.concatenate(
        [nodes, jnp.arange(pad, dtype=jnp.int32) % N_NODES])
    neigh_p = jnp.concatenate(
        [neigh_idx,
         (jnp.arange(pad * S, dtype=jnp.int32) % N_NODES).reshape(pad, S)])
    self_i = nodes_p.reshape(NW, NCHUNK, 1, C)
    neigh_i = neigh_p.reshape(NW, NCHUNK, C, S).transpose(0, 1, 3, 2)
    dummy_i = (jnp.arange(NW * NCHUNK * C, dtype=jnp.int32)
               % N_NODES).reshape(NW, NCHUNK, 1, C)
    idx_all = jnp.concatenate([self_i, neigh_i, dummy_i], axis=2)
    idx_all = idx_all.reshape(NW, NCHUNK, NSTREAM, 128)

    self_f, nsum_f = _sc_gather(idx_all, features)

    ws = weight[:, :FEAT].T
    wn = weight[:, FEAT:].T
    w1s = weight1[:, :FEAT].T
    w1n = weight1[:, FEAT:].T

    wspec = pl.BlockSpec((FEAT, FEAT), lambda i: (0, 0))
    out = pl.pallas_call(
        _tc_body,
        grid=(B // _TC_R,),
        in_specs=[
            pl.BlockSpec((_TC_R, FEAT), lambda i: (i, 0)),
            pl.BlockSpec((_TC_R, FEAT), lambda i: (i, 0)),
            wspec, wspec, wspec, wspec,
        ],
        out_specs=pl.BlockSpec((_TC_R, FEAT), lambda i: (i, 0)),
        out_shape=jax.ShapeDtypeStruct((B, FEAT), jnp.float32),
    )(self_f, nsum_f, ws, wn, w1s, w1n)
    return out


def kernel(nodes, neigh_idx, features, weight, weight1):
    return _run(nodes, neigh_idx, features, weight, weight1)

# --- scband reference (transcript-rebuilt; emitter-appended) ---
"""Pipeline reference for scband-encoder1-20538533610159 (READ-ONLY COPY).

The authoritative reference and input builder live on the scoring server;
editing this copy changes nothing except your own understanding.
"""

import jax, jax.numpy as jnp
import numpy as np

N_NODES = 100000
FEAT = 128
EMBED = 128
B = 50000
S = 10  # num_sample


def setup_inputs(seed: int = 0) -> dict:
    key = jax.random.key(seed)
    k1, k2, k3, k4, k5 = jax.random.split(key, 5)
    nodes = jax.random.randint(k1, (B,), 0, N_NODES, dtype=jnp.int32)
    neigh_idx = jax.random.randint(k2, (B, S), 0, N_NODES, dtype=jnp.int32)
    features = jax.random.normal(k3, (N_NODES, FEAT), dtype=jnp.float32)
    # xavier-uniform-like scaling for the two [embed_dim, 2*feat_dim] weights
    lim = float(np.sqrt(6.0 / (EMBED + 2 * FEAT)))
    weight = jax.random.uniform(k4, (EMBED, 2 * FEAT), minval=-lim, maxval=lim, dtype=jnp.float32)
    weight1 = jax.random.uniform(k5, (EMBED, 2 * FEAT), minval=-lim, maxval=lim, dtype=jnp.float32)
    return {"nodes": nodes, "neigh_idx": neigh_idx, "features": features, "weight": weight, "weight1": weight1}


def reference(nodes, neigh_idx, features, weight, weight1):
    # self features: gather rows of the feature table for the seed nodes
    self_feats = jnp.take(features, nodes, axis=0)               # [B, FEAT]
    # mean aggregator over sampled neighbors (GraphSage mean aggregation)
    neigh_feats = jnp.mean(jnp.take(features, neigh_idx, axis=0), axis=1)  # [B, FEAT]
    # gcn=False branch: concat self and neighbor features
    combined = jnp.concatenate([self_feats, neigh_feats], axis=1)  # [B, 2*FEAT]
    # combine = tanh(W @ combined.T); attention = sigmoid(W1 @ combined.T)
    combine = jnp.tanh(combined @ weight.T)                      # [B, EMBED] == tanh(W @ C.T).T
    attention = jax.nn.sigmoid(combined @ weight1.T)             # [B, EMBED]
    # combine = att.T * combine.T + att.T * tanh(neigh_feats); return combine.t()
    out = attention * combine + attention * jnp.tanh(neigh_feats)
    return out

if __name__ == "__main__":
    import jax
    _d = setup_inputs()
    print(jax.jit(kernel)(*tuple(_d.values())))

</pallas_src>

<mosaic_0001>
#map = affine_map<(d0, d1) -> (0, 0, 0, 0)>
#map1 = affine_map<(d0, d1) -> (0, 0)>
module attributes {stable_mosaic.version = 14 : i64} {
  func.func @_sc_body(%arg0: i32, %arg1: i32, %arg2: memref<32x50x3x128xi32, #tpu.memory_space<hbm>>, %arg3: memref<100000x128xf32, #tpu.memory_space<hbm>>, %arg4: memref<51200x128xf32, #tpu.memory_space<hbm>>, %arg5: memref<51200x128xf32, #tpu.memory_space<hbm>>, %arg6: memref<3x128xi32, #tpu.memory_space<vmem>>, %arg7: memref<3x128xi32, #tpu.memory_space<vmem>>, %arg8: memref<384x128xf32, #tpu.memory_space<vmem>>, %arg9: memref<384x128xf32, #tpu.memory_space<vmem>>, %arg10: memref<2x32x128xf32, #tpu.memory_space<vmem>>, %arg11: memref<!tpu.dma_semaphore, #tpu.memory_space<semaphore_mem>>, %arg12: memref<!tpu.dma_semaphore, #tpu.memory_space<semaphore_mem>>, %arg13: memref<!tpu.dma_semaphore, #tpu.memory_space<semaphore_mem>>, %arg14: memref<!tpu.dma_semaphore, #tpu.memory_space<semaphore_mem>>, %arg15: memref<!tpu.dma_semaphore, #tpu.memory_space<semaphore_mem>>, %arg16: memref<!tpu.dma_semaphore, #tpu.memory_space<semaphore_mem>>) attributes {dimension_semantics = [#tpu.dimension_semantics<core_parallel>, #tpu.dimension_semantics<subcore_parallel>], iteration_bounds = array<i64: 2, 16>, scalar_prefetch = 0 : i64, scratch_operands = 11 : i64, tpu.core_type = #tpu.core_type<sc_vector_subcore>, window_params = [{transform_indices = #map}, {transform_indices = #map1}, {transform_indices = #map1}, {transform_indices = #map1}]} {
    %mul3A = arith.constant 2 : i32
    %mul3A_0 = arith.muli %arg1, %mul3A : i32
    %add3A = arith.addi %mul3A_0, %arg0 : i32
    %run_scoped3A = arith.constant 0 : i32
    "tpu.region"() ({
      %run_scoped3A_89 = tpu.sem_alloc : memref<!tpu.dma_semaphore, #tpu.memory_space<semaphore_mem>>
      %dma_start3A_90 = arith.constant 0 : i32
      %dma_start3A_91 = arith.constant 0 : i32
      %dma_start3A_92 = tpu.memref_slice %arg2[%add3A, %run_scoped3A, %dma_start3A_90, %dma_start3A_91] : memref<32x50x3x128xi32, #tpu.memory_space<hbm>> -> memref<1x1x3x128xi32, #tpu.memory_space<hbm>>
      %dma_start3A_93 = tpu.memref_squeeze %dma_start3A_92 : memref<1x1x3x128xi32, #tpu.memory_space<hbm>> -> memref<3x128xi32, #tpu.memory_space<hbm>>
      %dma_start3A_94 = arith.constant 0 : i32
      %dma_start3A_95 = arith.constant 0 : i32
      %dma_start3A_96 = tpu.memref_slice %arg2[%add3A, %run_scoped3A, %dma_start3A_94, %dma_start3A_95] : memref<32x50x3x128xi32, #tpu.memory_space<hbm>> -> memref<1x1x3x128xi32, #tpu.memory_space<hbm>>
      %dma_start3A_97 = tpu.memref_squeeze %dma_start3A_96 : memref<1x1x3x128xi32, #tpu.memory_space<hbm>> -> memref<3x128xi32, #tpu.memory_space<hbm>>
      tpu.enqueue_dma source(%dma_start3A_97 : memref<3x128xi32, #tpu.memory_space<hbm>>) target(%arg6 : memref<3x128xi32, #tpu.memory_space<vmem>>) target_semaphore(%run_scoped3A_89 : memref<!tpu.dma_semaphore, #tpu.memory_space<semaphore_mem>>)
      %dma_wait3A_98 = arith.constant 0 : i32
      %dma_wait3A_99 = arith.constant 0 : i32
      %dma_wait3A_100 = tpu.memref_slice %arg2[%add3A, %run_scoped3A, %dma_wait3A_98, %dma_wait3A_99] : memref<32x50x3x128xi32, #tpu.memory_space<hbm>> -> memref<1x1x3x128xi32, #tpu.memory_space<hbm>>
      %dma_wait3A_101 = tpu.memref_squeeze %dma_wait3A_100 : memref<1x1x3x128xi32, #tpu.memory_space<hbm>> -> memref<3x128xi32, #tpu.memory_space<hbm>>
      %dma_wait3A_102 = arith.constant 0 : i32
      %dma_wait3A_103 = arith.constant 0 : i32
      %dma_wait3A_104 = tpu.memref_slice %arg2[%add3A, %run_scoped3A, %dma_wait3A_102, %dma_wait3A_103] : memref<32x50x3x128xi32, #tpu.memory_space<hbm>> -> memref<1x1x3x128xi32, #tpu.memory_space<hbm>>
      %dma_wait3A_105 = tpu.memref_squeeze %dma_wait3A_104 : memref<1x1x3x128xi32, #tpu.memory_space<hbm>> -> memref<3x128xi32, #tpu.memory_space<hbm>>
      tpu.wait_dma2 semaphore(%run_scoped3A_89 : memref<!tpu.dma_semaphore, #tpu.memory_space<semaphore_mem>>) src(%dma_wait3A_105 : memref<3x128xi32, #tpu.memory_space<hbm>>) dst(%arg6 : memref<3x128xi32, #tpu.memory_space<vmem>>)
      tpu.yield
    }) : () -> ()
    %run_scoped3A_1 = arith.constant 1 : i32
    "tpu.region"() ({
      %run_scoped3A_89 = tpu.sem_alloc : memref<!tpu.dma_semaphore, #tpu.memory_space<semaphore_mem>>
      %dma_start3A_90 = arith.constant 0 : i32
      %dma_start3A_91 = arith.constant 0 : i32
      %dma_start3A_92 = tpu.memref_slice %arg2[%add3A, %run_scoped3A_1, %dma_start3A_90, %dma_start3A_91] : memref<32x50x3x128xi32, #tpu.memory_space<hbm>> -> memref<1x1x3x128xi32, #tpu.memory_space<hbm>>
      %dma_start3A_93 = tpu.memref_squeeze %dma_start3A_92 : memref<1x1x3x128xi32, #tpu.memory_space<hbm>> -> memref<3x128xi32, #tpu.memory_space<hbm>>
      %dma_start3A_94 = arith.constant 0 : i32
      %dma_start3A_95 = arith.constant 0 : i32
      %dma_start3A_96 = tpu.memref_slice %arg2[%add3A, %run_scoped3A_1, %dma_start3A_94, %dma_start3A_95] : memref<32x50x3x128xi32, #tpu.memory_space<hbm>> -> memref<1x1x3x128xi32, #tpu.memory_space<hbm>>
      %dma_start3A_97 = tpu.memref_squeeze %dma_start3A_96 : memref<1x1x3x128xi32, #tpu.memory_space<hbm>> -> memref<3x128xi32, #tpu.memory_space<hbm>>
      tpu.enqueue_dma source(%dma_start3A_97 : memref<3x128xi32, #tpu.memory_space<hbm>>) target(%arg7 : memref<3x128xi32, #tpu.memory_space<vmem>>) target_semaphore(%run_scoped3A_89 : memref<!tpu.dma_semaphore, #tpu.memory_space<semaphore_mem>>)
      %dma_wait3A_98 = arith.constant 0 : i32
      %dma_wait3A_99 = arith.constant 0 : i32
      %dma_wait3A_100 = tpu.memref_slice %arg2[%add3A, %run_scoped3A_1, %dma_wait3A_98, %dma_wait3A_99] : memref<32x50x3x128xi32, #tpu.memory_space<hbm>> -> memref<1x1x3x128xi32, #tpu.memory_space<hbm>>
      %dma_wait3A_101 = tpu.memref_squeeze %dma_wait3A_100 : memref<1x1x3x128xi32, #tpu.memory_space<hbm>> -> memref<3x128xi32, #tpu.memory_space<hbm>>
      %dma_wait3A_102 = arith.constant 0 : i32
      %dma_wait3A_103 = arith.constant 0 : i32
      %dma_wait3A_104 = tpu.memref_slice %arg2[%add3A, %run_scoped3A_1, %dma_wait3A_102, %dma_wait3A_103] : memref<32x50x3x128xi32, #tpu.memory_space<hbm>> -> memref<1x1x3x128xi32, #tpu.memory_space<hbm>>
      %dma_wait3A_105 = tpu.memref_squeeze %dma_wait3A_104 : memref<1x1x3x128xi32, #tpu.memory_space<hbm>> -> memref<3x128xi32, #tpu.memory_space<hbm>>
      tpu.wait_dma2 semaphore(%run_scoped3A_89 : memref<!tpu.dma_semaphore, #tpu.memory_space<semaphore_mem>>) src(%dma_wait3A_105 : memref<3x128xi32, #tpu.memory_space<hbm>>) dst(%arg7 : memref<3x128xi32, #tpu.memory_space<vmem>>)
      tpu.yield
    }) : () -> ()
    %dma_start3A = arith.constant 0 : i32
    %dma_start3A_2 = arith.constant 0 : i32
    %dma_start3A_3 = arith.constant 0 : i32
    %dma_start3A_4 = tpu.memref_slice %arg8[%dma_start3A_2, %dma_start3A_3] : memref<384x128xf32, #tpu.memory_space<vmem>> -> memref<128x128xf32, #tpu.memory_space<vmem>>
    %dma_start3A_5 = arith.constant 0 : i32
    %dma_start3A_6 = tpu.memref_slice %arg6[%dma_start3A, %dma_start3A_5] : memref<3x128xi32, #tpu.memory_space<vmem>> -> memref<1x128xi32, #tpu.memory_space<vmem>>
    %dma_start3A_7 = tpu.memref_squeeze %dma_start3A_6 : memref<1x128xi32, #tpu.memory_space<vmem>> -> memref<128xi32, #tpu.memory_space<vmem>>
    %dma_start3A_8 = arith.constant 0 : i32
    %dma_start3A_9 = arith.constant 0 : i32
    %dma_start3A_10 = tpu.memref_slice %arg3[%dma_start3A_8, %dma_start3A_9] : memref<100000x128xf32, #tpu.memory_space<hbm>> -> memref<100000x128xf32, #tpu.memory_space<hbm>>
    tpu.enqueue_indirect_dma source(%dma_start3A_10 : memref<100000x128xf32, #tpu.memory_space<hbm>>) target(%dma_start3A_4 : memref<128x128xf32, #tpu.memory_space<vmem>>) offsets(%dma_start3A_7 : memref<128xi32, #tpu.memory_space<vmem>>) semaphore(%arg11 : memref<!tpu.dma_semaphore, #tpu.memory_space<semaphore_mem>>)
    %dma_start3A_11 = arith.constant 1 : i32
    %dma_start3A_12 = arith.constant 128 : i32
    %dma_start3A_13 = arith.constant 0 : i32
    %dma_start3A_14 = tpu.memref_slice %arg8[%dma_start3A_12, %dma_start3A_13] : memref<384x128xf32, #tpu.memory_space<vmem>> -> memref<128x128xf32, #tpu.memory_space<vmem>>
    %dma_start3A_15 = arith.constant 0 : i32
    %dma_start3A_16 = tpu.memref_slice %arg6[%dma_start3A_11, %dma_start3A_15] : memref<3x128xi32, #tpu.memory_space<vmem>> -> memref<1x128xi32, #tpu.memory_space<vmem>>
    %dma_start3A_17 = tpu.memref_squeeze %dma_start3A_16 : memref<1x128xi32, #tpu.memory_space<vmem>> -> memref<128xi32, #tpu.memory_space<vmem>>
    %dma_start3A_18 = arith.constant 0 : i32
    %dma_start3A_19 = arith.constant 0 : i32
    %dma_start3A_20 = tpu.memref_slice %arg3[%dma_start3A_18, %dma_start3A_19] : memref<100000x128xf32, #tpu.memory_space<hbm>> -> memref<100000x128xf32, #tpu.memory_space<hbm>>
    tpu.enqueue_indirect_dma source(%dma_start3A_20 : memref<100000x128xf32, #tpu.memory_space<hbm>>) target(%dma_start3A_14 : memref<128x128xf32, #tpu.memory_space<vmem>>) offsets(%dma_start3A_17 : memref<128xi32, #tpu.memory_space<vmem>>) semaphore(%arg11 : memref<!tpu.dma_semaphore, #tpu.memory_space<semaphore_mem>>)
    %dma_start3A_21 = arith.constant 2 : i32
    %dma_start3A_22 = arith.constant 256 : i32
    %dma_start3A_23 = arith.constant 0 : i32
    %dma_start3A_24 = tpu.memref_slice %arg8[%dma_start3A_22, %dma_start3A_23] : memref<384x128xf32, #tpu.memory_space<vmem>> -> memref<128x128xf32, #tpu.memory_space<vmem>>
    %dma_start3A_25 = arith.constant 0 : i32
    %dma_start3A_26 = tpu.memref_slice %arg6[%dma_start3A_21, %dma_start3A_25] : memref<3x128xi32, #tpu.memory_space<vmem>> -> memref<1x128xi32, #tpu.memory_space<vmem>>
    %dma_start3A_27 = tpu.memref_squeeze %dma_start3A_26 : memref<1x128xi32, #tpu.memory_space<vmem>> -> memref<128xi32, #tpu.memory_space<vmem>>
    %dma_start3A_28 = arith.constant 0 : i32
    %dma_start3A_29 = arith.constant 0 : i32
    %dma_start3A_30 = tpu.memref_slice %arg3[%dma_start3A_28, %dma_start3A_29] : memref<100000x128xf32, #tpu.memory_space<hbm>> -> memref<100000x128xf32, #tpu.memory_space<hbm>>
    tpu.enqueue_indirect_dma source(%dma_start3A_30 : memref<100000x128xf32, #tpu.memory_space<hbm>>) target(%dma_start3A_24 : memref<128x128xf32, #tpu.memory_space<vmem>>) offsets(%dma_start3A_27 : memref<128xi32, #tpu.memory_space<vmem>>) semaphore(%arg11 : memref<!tpu.dma_semaphore, #tpu.memory_space<semaphore_mem>>)
    %dma_start3A_31 = arith.constant 0 : i32
    %dma_start3A_32 = arith.constant 0 : i32
    %dma_start3A_33 = arith.constant 0 : i32
    %dma_start3A_34 = tpu.memref_slice %arg9[%dma_start3A_32, %dma_start3A_33] : memref<384x128xf32, #tpu.memory_space<vmem>> -> memref<128x128xf32, #tpu.memory_space<vmem>>
    %dma_start3A_35 = arith.constant 0 : i32
    %dma_start3A_36 = tpu.memref_slice %arg7[%dma_start3A_31, %dma_start3A_35] : memref<3x128xi32, #tpu.memory_space<vmem>> -> memref<1x128xi32, #tpu.memory_space<vmem>>
    %dma_start3A_37 = tpu.memref_squeeze %dma_start3A_36 : memref<1x128xi32, #tpu.memory_space<vmem>> -> memref<128xi32, #tpu.memory_space<vmem>>
    %dma_start3A_38 = arith.constant 0 : i32
    %dma_start3A_39 = arith.constant 0 : i32
    %dma_start3A_40 = tpu.memref_slice %arg3[%dma_start3A_38, %dma_start3A_39] : memref<100000x128xf32, #tpu.memory_space<hbm>> -> memref<100000x128xf32, #tpu.memory_space<hbm>>
    tpu.enqueue_indirect_dma source(%dma_start3A_40 : memref<100000x128xf32, #tpu.memory_space<hbm>>) target(%dma_start3A_34 : memref<128x128xf32, #tpu.memory_space<vmem>>) offsets(%dma_start3A_37 : memref<128xi32, #tpu.memory_space<vmem>>) semaphore(%arg12 : memref<!tpu.dma_semaphore, #tpu.memory_space<semaphore_mem>>)
    %dma_start3A_41 = arith.constant 1 : i32
    %dma_start3A_42 = arith.constant 128 : i32
    %dma_start3A_43 = arith.constant 0 : i32
    %dma_start3A_44 = tpu.memref_slice %arg9[%dma_start3A_42, %dma_start3A_43] : memref<384x128xf32, #tpu.memory_space<vmem>> -> memref<128x128xf32, #tpu.memory_space<vmem>>
    %dma_start3A_45 = arith.constant 0 : i32
    %dma_start3A_46 = tpu.memref_slice %arg7[%dma_start3A_41, %dma_start3A_45] : memref<3x128xi32, #tpu.memory_space<vmem>> -> memref<1x128xi32, #tpu.memory_space<vmem>>
    %dma_start3A_47 = tpu.memref_squeeze %dma_start3A_46 : memref<1x128xi32, #tpu.memory_space<vmem>> -> memref<128xi32, #tpu.memory_space<vmem>>
    %dma_start3A_48 = arith.constant 0 : i32
    %dma_start3A_49 = arith.constant 0 : i32
    %dma_start3A_50 = tpu.memref_slice %arg3[%dma_start3A_48, %dma_start3A_49] : memref<100000x128xf32, #tpu.memory_space<hbm>> -> memref<100000x128xf32, #tpu.memory_space<hbm>>
    tpu.enqueue_indirect_dma source(%dma_start3A_50 : memref<100000x128xf32, #tpu.memory_space<hbm>>) target(%dma_start3A_44 : memref<128x128xf32, #tpu.memory_space<vmem>>) offsets(%dma_start3A_47 : memref<128xi32, #tpu.memory_space<vmem>>) semaphore(%arg12 : memref<!tpu.dma_semaphore, #tpu.memory_space<semaphore_mem>>)
    %dma_start3A_51 = arith.constant 2 : i32
    %dma_start3A_52 = arith.constant 256 : i32
    %dma_start3A_53 = arith.constant 0 : i32
    %dma_start3A_54 = tpu.memref_slice %arg9[%dma_start3A_52, %dma_start3A_53] : memref<384x128xf32, #tpu.memory_space<vmem>> -> memref<128x128xf32, #tpu.memory_space<vmem>>
    %dma_start3A_55 = arith.constant 0 : i32
    %dma_start3A_56 = tpu.memref_slice %arg7[%dma_start3A_51, %dma_start3A_55] : memref<3x128xi32, #tpu.memory_space<vmem>> -> memref<1x128xi32, #tpu.memory_space<vmem>>
    %dma_start3A_57 = tpu.memref_squeeze %dma_start3A_56 : memref<1x128xi32, #tpu.memory_space<vmem>> -> memref<128xi32, #tpu.memory_space<vmem>>
    %dma_start3A_58 = arith.constant 0 : i32
    %dma_start3A_59 = arith.constant 0 : i32
    %dma_start3A_60 = tpu.memref_slice %arg3[%dma_start3A_58, %dma_start3A_59] : memref<100000x128xf32, #tpu.memory_space<hbm>> -> memref<100000x128xf32, #tpu.memory_space<hbm>>
    tpu.enqueue_indirect_dma source(%dma_start3A_60 : memref<100000x128xf32, #tpu.memory_space<hbm>>) target(%dma_start3A_54 : memref<128x128xf32, #tpu.memory_space<vmem>>) offsets(%dma_start3A_57 : memref<128xi32, #tpu.memory_space<vmem>>) semaphore(%arg12 : memref<!tpu.dma_semaphore, #tpu.memory_space<semaphore_mem>>)
    %scan3A = arith.constant 0 : i32
    %scan3A_61 = arith.constant 0 : i32
    %scan3A_62 = arith.constant 25 : i32
    %scan3A_63 = arith.addi %scan3A_61, %scan3A_62 : i32
    %scan3A_64 = arith.constant 1 : i32
    scf.for %scan3A_89 = %scan3A_61 to %scan3A_63 step %scan3A_64  : i32 {
      %mul3A_90 = arith.constant 2 : i32
      %mul3A_91 = arith.muli %mul3A_90, %scan3A_89 : i32
      %eq3A = arith.constant 0 : i32
      %eq3A_92 = arith.cmpi eq, %scan3A_89, %eq3A : i32
      %mul3A_93 = arith.constant 1600 : i32
      %mul3A_94 = arith.muli %add3A, %mul3A_93 : i32
      %mul3A_95 = arith.constant 32 : i32
      %mul3A_96 = arith.muli %mul3A_91, %mul3A_95 : i32
      %add3A_97 = arith.addi %mul3A_94, %mul3A_96 : i32
      %dma_wait3A_98 = arith.constant 0 : i32
      %dma_wait3A_99 = arith.constant 0 : i32
      %dma_wait3A_100 = tpu.memref_slice %arg8[%dma_wait3A_98, %dma_wait3A_99] : memref<384x128xf32, #tpu.memory_space<vmem>> -> memref<128x128xf32, #tpu.memory_space<vmem>>
      %dma_wait3A_101 = arith.constant 0 : i32
      %dma_wait3A_102 = arith.constant 0 : i32
      %dma_wait3A_103 = tpu.memref_slice %arg3[%dma_wait3A_101, %dma_wait3A_102] : memref<100000x128xf32, #tpu.memory_space<hbm>> -> memref<128x128xf32, #tpu.memory_space<hbm>>
      %dma_wait3A_104 = arith.constant 0 : i32
      %dma_wait3A_105 = arith.constant 0 : i32
      %dma_wait3A_106 = tpu.memref_slice %arg8[%dma_wait3A_104, %dma_wait3A_105] : memref<384x128xf32, #tpu.memory_space<vmem>> -> memref<128x128xf32, #tpu.memory_space<vmem>>
      %dma_wait3A_107 = arith.constant 0 : i32
      %dma_wait3A_108 = arith.constant 0 : i32
      %dma_wait3A_109 = tpu.memref_slice %arg3[%dma_wait3A_107, %dma_wait3A_108] : memref<100000x128xf32, #tpu.memory_space<hbm>> -> memref<128x128xf32, #tpu.memory_space<hbm>>
      tpu.wait_dma2 semaphore(%arg11 : memref<!tpu.dma_semaphore, #tpu.memory_space<semaphore_mem>>) src(%dma_wait3A_109 : memref<128x128xf32, #tpu.memory_space<hbm>>) dst(%dma_wait3A_106 : memref<128x128xf32, #tpu.memory_space<vmem>>)
      %dma_wait3A_110 = arith.constant 128 : i32
      %dma_wait3A_111 = arith.constant 0 : i32
      %dma_wait3A_112 = tpu.memref_slice %arg8[%dma_wait3A_110, %dma_wait3A_111] : memref<384x128xf32, #tpu.memory_space<vmem>> -> memref<128x128xf32, #tpu.memory_space<vmem>>
      %dma_wait3A_113 = arith.constant 0 : i32
      %dma_wait3A_114 = arith.constant 0 : i32
      %dma_wait3A_115 = tpu.memref_slice %arg3[%dma_wait3A_113, %dma_wait3A_114] : memref<100000x128xf32, #tpu.memory_space<hbm>> -> memref<128x128xf32, #tpu.memory_space<hbm>>
      %dma_wait3A_116 = arith.constant 128 : i32
      %dma_wait3A_117 = arith.constant 0 : i32
      %dma_wait3A_118 = tpu.memref_slice %arg8[%dma_wait3A_116, %dma_wait3A_117] : memref<384x128xf32, #tpu.memory_space<vmem>> -> memref<128x128xf32, #tpu.memory_space<vmem>>
      %dma_wait3A_119 = arith.constant 0 : i32
      %dma_wait3A_120 = arith.constant 0 : i32
      %dma_wait3A_121 = tpu.memref_slice %arg3[%dma_wait3A_119, %dma_wait3A_120] : memref<100000x128xf32, #tpu.memory_space<hbm>> -> memref<128x128xf32, #tpu.memory_space<hbm>>
      tpu.wait_dma2 semaphore(%arg11 : memref<!tpu.dma_semaphore, #tpu.memory_space<semaphore_mem>>) src(%dma_wait3A_121 : memref<128x128xf32, #tpu.memory_space<hbm>>) dst(%dma_wait3A_118 : memref<128x128xf32, #tpu.memory_space<vmem>>)
      %dma_wait3A_122 = arith.constant 256 : i32
      %dma_wait3A_123 = arith.constant 0 : i32
      %dma_wait3A_124 = tpu.memref_slice %arg8[%dma_wait3A_122, %dma_wait3A_123] : memref<384x128xf32, #tpu.memory_space<vmem>> -> memref<128x128xf32, #tpu.memory_space<vmem>>
      %dma_wait3A_125 = arith.constant 0 : i32
      %dma_wait3A_126 = arith.constant 0 : i32
      %dma_wait3A_127 = tpu.memref_slice %arg3[%dma_wait3A_125, %dma_wait3A_126] : memref<100000x128xf32, #tpu.memory_space<hbm>> -> memref<128x128xf32, #tpu.memory_space<hbm>>
      %dma_wait3A_128 = arith.constant 256 : i32
      %dma_wait3A_129 = arith.constant 0 : i32
      %dma_wait3A_130 = tpu.memref_slice %arg8[%dma_wait3A_128, %dma_wait3A_129] : memref<384x128xf32, #tpu.memory_space<vmem>> -> memref<128x128xf32, #tpu.memory_space<vmem>>
      %dma_wait3A_131 = arith.constant 0 : i32
      %dma_wait3A_132 = arith.constant 0 : i32
      %dma_wait3A_133 = tpu.memref_slice %arg3[%dma_wait3A_131, %dma_wait3A_132] : memref<100000x128xf32, #tpu.memory_space<hbm>> -> memref<128x128xf32, #tpu.memory_space<hbm>>
      tpu.wait_dma2 semaphore(%arg11 : memref<!tpu.dma_semaphore, #tpu.memory_space<semaphore_mem>>) src(%dma_wait3A_133 : memref<128x128xf32, #tpu.memory_space<hbm>>) dst(%dma_wait3A_130 : memref<128x128xf32, #tpu.memory_space<vmem>>)
      %add3A_134 = arith.constant 2 : i32
      %add3A_135 = arith.addi %mul3A_91, %add3A_134 : i32
      %lt3A = arith.constant 50 : i32
      %lt3A_136 = arith.cmpi slt, %add3A_135, %lt3A : i32
      %convert_element_type3A = arith.extui %lt3A_136 : i1 to i32
      %cond3A = arith.constant 0 : i32
      %cond3A_137 = arith.cmpi ne, %convert_element_type3A, %cond3A : i32
      scf.if %cond3A_137 {
        %add3A_297 = arith.constant 2 : i32
        %add3A_298 = arith.addi %mul3A_91, %add3A_297 : i32
        %dma_start3A_299 = arith.constant 0 : i32
        %dma_start3A_300 = arith.constant 0 : i32
        %dma_start3A_301 = tpu.memref_slice %arg2[%add3A, %add3A_298, %dma_start3A_299, %dma_start3A_300] : memref<32x50x3x128xi32, #tpu.memory_space<hbm>> -> memref<1x1x3x128xi32, #tpu.memory_space<hbm>>
        %dma_start3A_302 = tpu.memref_squeeze %dma_start3A_301 : memref<1x1x3x128xi32, #tpu.memory_space<hbm>> -> memref<3x128xi32, #tpu.memory_space<hbm>>
        %dma_start3A_303 = arith.constant 0 : i32
        %dma_start3A_304 = arith.constant 0 : i32
        %dma_start3A_305 = tpu.memref_slice %arg2[%add3A, %add3A_298, %dma_start3A_303, %dma_start3A_304] : memref<32x50x3x128xi32, #tpu.memory_space<hbm>> -> memref<1x1x3x128xi32, #tpu.memory_space<hbm>>
        %dma_start3A_306 = tpu.memref_squeeze %dma_start3A_305 : memref<1x1x3x128xi32, #tpu.memory_space<hbm>> -> memref<3x128xi32, #tpu.memory_space<hbm>>
        tpu.enqueue_dma source(%dma_start3A_306 : memref<3x128xi32, #tpu.memory_space<hbm>>) target(%arg6 : memref<3x128xi32, #tpu.memory_space<vmem>>) target_semaphore(%arg15 : memref<!tpu.dma_semaphore, #tpu.memory_space<semaphore_mem>>)
      } else {
      }
      %not3A = arith.constant true
      %not3A_138 = arith.xori %eq3A_92, %not3A : i1
      %convert_element_type3A_139 = arith.extui %not3A_138 : i1 to i32
      %cond3A_140 = arith.constant 0 : i32
      %cond3A_141 = arith.cmpi ne, %convert_element_type3A_139, %cond3A_140 : i32
      scf.if %cond3A_141 {
        %dma_wait3A_297 = arith.constant 0 : i32
        %dma_wait3A_298 = arith.constant 0 : i32
        %dma_wait3A_299 = tpu.memref_slice %arg8[%dma_wait3A_297, %dma_wait3A_298] : memref<384x128xf32, #tpu.memory_space<vmem>> -> memref<32x128xf32, #tpu.memory_space<vmem>>
        %dma_wait3A_300 = arith.constant 0 : i32
        %dma_wait3A_301 = arith.constant 0 : i32
        %dma_wait3A_302 = tpu.memref_slice %arg3[%dma_wait3A_300, %dma_wait3A_301] : memref<100000x128xf32, #tpu.memory_space<hbm>> -> memref<32x128xf32, #tpu.memory_space<hbm>>
        %dma_wait3A_303 = arith.constant 0 : i32
        %dma_wait3A_304 = arith.constant 0 : i32
        %dma_wait3A_305 = tpu.memref_slice %arg8[%dma_wait3A_303, %dma_wait3A_304] : memref<384x128xf32, #tpu.memory_space<vmem>> -> memref<32x128xf32, #tpu.memory_space<vmem>>
        %dma_wait3A_306 = arith.constant 0 : i32
        %dma_wait3A_307 = arith.constant 0 : i32
        %dma_wait3A_308 = tpu.memref_slice %arg3[%dma_wait3A_306, %dma_wait3A_307] : memref<100000x128xf32, #tpu.memory_space<hbm>> -> memref<32x128xf32, #tpu.memory_space<hbm>>
        tpu.wait_dma2 semaphore(%arg13 : memref<!tpu.dma_semaphore, #tpu.memory_space<semaphore_mem>>) src(%dma_wait3A_308 : memref<32x128xf32, #tpu.memory_space<hbm>>) dst(%dma_wait3A_305 : memref<32x128xf32, #tpu.memory_space<vmem>>)
      } else {
      }
      %dma_start3A_142 = arith.constant 0 : i32
      %dma_start3A_143 = arith.constant 0 : i32
      %dma_start3A_144 = tpu.memref_slice %arg8[%dma_start3A_142, %dma_start3A_143] : memref<384x128xf32, #tpu.memory_space<vmem>> -> memref<32x128xf32, #tpu.memory_space<vmem>>
      %dma_start3A_145 = arith.constant 0 : i32
      %dma_start3A_146 = tpu.memref_slice %arg4[%add3A_97, %dma_start3A_145] : memref<51200x128xf32, #tpu.memory_space<hbm>> -> memref<32x128xf32, #tpu.memory_space<hbm>>
      %dma_start3A_147 = arith.constant 0 : i32
      %dma_start3A_148 = tpu.memref_slice %arg4[%add3A_97, %dma_start3A_147] : memref<51200x128xf32, #tpu.memory_space<hbm>> -> memref<32x128xf32, #tpu.memory_space<hbm>>
      %dma_start3A_149 = arith.constant 0 : i32
      %dma_start3A_150 = arith.constant 0 : i32
      %dma_start3A_151 = tpu.memref_slice %arg8[%dma_start3A_149, %dma_start3A_150] : memref<384x128xf32, #tpu.memory_space<vmem>> -> memref<32x128xf32, #tpu.memory_space<vmem>>
      tpu.enqueue_dma source(%dma_start3A_151 : memref<32x128xf32, #tpu.memory_space<vmem>>) target(%dma_start3A_148 : memref<32x128xf32, #tpu.memory_space<hbm>>) target_semaphore(%arg13 : memref<!tpu.dma_semaphore, #tpu.memory_space<semaphore_mem>>)
      %scan3A_152 = arith.constant 0 : i32
      %scan3A_153 = arith.constant 0 : i32
      %scan3A_154 = arith.constant 32 : i32
      %scan3A_155 = arith.addi %scan3A_153, %scan3A_154 : i32
      %scan3A_156 = arith.constant 1 : i32
      scf.for %scan3A_297 = %scan3A_153 to %scan3A_155 step %scan3A_156  : i32 {
        %add3A_298 = arith.constant 32 : i32
        %add3A_299 = arith.addi %add3A_298, %scan3A_297 : i32
        %get3A = arith.index_cast %add3A_299 : i32 to index
        %get3A_300 = arith.constant 0 : index
        %get3A_301 = tpu.vector_load %arg8[%get3A, %get3A_300] {strides = array<i32>} : memref<384x128xf32, #tpu.memory_space<vmem>>, vector<1x16xf32>,
        %get3A_302 = vector.shape_cast %get3A_301 : vector<1x16xf32> to vector<16xf32>
        %add3A_303 = arith.constant 64 : i32
        %add3A_304 = arith.addi %add3A_303, %scan3A_297 : i32
        %get3A_305 = arith.index_cast %add3A_304 : i32 to index
        %get3A_306 = arith.constant 0 : index
        %get3A_307 = tpu.vector_load %arg8[%get3A_305, %get3A_306] {strides = array<i32>} : memref<384x128xf32, #tpu.memory_space<vmem>>, vector<1x16xf32>,
        %get3A_308 = vector.shape_cast %get3A_307 : vector<1x16xf32> to vector<16xf32>
        %add3A_309 = arith.addf %get3A_302, %get3A_308 : vector<16xf32>
        %add3A_310 = arith.constant 96 : i32
        %add3A_311 = arith.addi %add3A_310, %scan3A_297 : i32
        %get3A_312 = arith.index_cast %add3A_311 : i32 to index
        %get3A_313 = arith.constant 0 : index
        %get3A_314 = tpu.vector_load %arg8[%get3A_312, %get3A_313] {strides = array<i32>} : memref<384x128xf32, #tpu.memory_space<vmem>>, vector<1x16xf32>,
        %get3A_315 = vector.shape_cast %get3A_314 : vector<1x16xf32> to vector<16xf32>
        %add3A_316 = arith.addf %add3A_309, %get3A_315 : vector<16xf32>
        %add3A_317 = arith.constant 128 : i32
        %add3A_318 = arith.addi %add3A_317, %scan3A_297 : i32
        %get3A_319 = arith.index_cast %add3A_318 : i32 to index
        %get3A_320 = arith.constant 0 : index
        %get3A_321 = tpu.vector_load %arg8[%get3A_319, %get3A_320] {strides = array<i32>} : memref<384x128xf32, #tpu.memory_space<vmem>>, vector<1x16xf32>,
        %get3A_322 = vector.shape_cast %get3A_321 : vector<1x16xf32> to vector<16xf32>
        %add3A_323 = arith.addf %add3A_316, %get3A_322 : vector<16xf32>
        %add3A_324 = arith.constant 160 : i32
        %add3A_325 = arith.addi %add3A_324, %scan3A_297 : i32
        %get3A_326 = arith.index_cast %add3A_325 : i32 to index
        %get3A_327 = arith.constant 0 : index
        %get3A_328 = tpu.vector_load %arg8[%get3A_326, %get3A_327] {strides = array<i32>} : memref<384x128xf32, #tpu.memory_space<vmem>>, vector<1x16xf32>,
        %get3A_329 = vector.shape_cast %get3A_328 : vector<1x16xf32> to vector<16xf32>
        %add3A_330 = arith.addf %add3A_323, %get3A_329 : vector<16xf32>
        %add3A_331 = arith.constant 192 : i32
        %add3A_332 = arith.addi %add3A_331, %scan3A_297 : i32
        %get3A_333 = arith.index_cast %add3A_332 : i32 to index
        %get3A_334 = arith.constant 0 : index
        %get3A_335 = tpu.vector_load %arg8[%get3A_333, %get3A_334] {strides = array<i32>} : memref<384x128xf32, #tpu.memory_space<vmem>>, vector<1x16xf32>,
        %get3A_336 = vector.shape_cast %get3A_335 : vector<1x16xf32> to vector<16xf32>
        %add3A_337 = arith.addf %add3A_330, %get3A_336 : vector<16xf32>
        %add3A_338 = arith.constant 224 : i32
        %add3A_339 = arith.addi %add3A_338, %scan3A_297 : i32
        %get3A_340 = arith.index_cast %add3A_339 : i32 to index
        %get3A_341 = arith.constant 0 : index
        %get3A_342 = tpu.vector_load %arg8[%get3A_340, %get3A_341] {strides = array<i32>} : memref<384x128xf32, #tpu.memory_space<vmem>>, vector<1x16xf32>,
        %get3A_343 = vector.shape_cast %get3A_342 : vector<1x16xf32> to vector<16xf32>
        %add3A_344 = arith.addf %add3A_337, %get3A_343 : vector<16xf32>
        %add3A_345 = arith.constant 256 : i32
        %add3A_346 = arith.addi %add3A_345, %scan3A_297 : i32
        %get3A_347 = arith.index_cast %add3A_346 : i32 to index
        %get3A_348 = arith.constant 0 : index
        %get3A_349 = tpu.vector_load %arg8[%get3A_347, %get3A_348] {strides = array<i32>} : memref<384x128xf32, #tpu.memory_space<vmem>>, vector<1x16xf32>,
        %get3A_350 = vector.shape_cast %get3A_349 : vector<1x16xf32> to vector<16xf32>
        %add3A_351 = arith.addf %add3A_344, %get3A_350 : vector<16xf32>
        %add3A_352 = arith.constant 288 : i32
        %add3A_353 = arith.addi %add3A_352, %scan3A_297 : i32
        %get3A_354 = arith.index_cast %add3A_353 : i32 to index
        %get3A_355 = arith.constant 0 : index
        %get3A_356 = tpu.vector_load %arg8[%get3A_354, %get3A_355] {strides = array<i32>} : memref<384x128xf32, #tpu.memory_space<vmem>>, vector<1x16xf32>,
        %get3A_357 = vector.shape_cast %get3A_356 : vector<1x16xf32> to vector<16xf32>
        %add3A_358 = arith.addf %add3A_351, %get3A_357 : vector<16xf32>
        %add3A_359 = arith.constant 320 : i32
        %add3A_360 = arith.addi %add3A_359, %scan3A_297 : i32
        %get3A_361 = arith.index_cast %add3A_360 : i32 to index
        %get3A_362 = arith.constant 0 : index
        %get3A_363 = tpu.vector_load %arg8[%get3A_361, %get3A_362] {strides = array<i32>} : memref<384x128xf32, #tpu.memory_space<vmem>>, vector<1x16xf32>,
        %get3A_364 = vector.shape_cast %get3A_363 : vector<1x16xf32> to vector<16xf32>
        %add3A_365 = arith.addf %add3A_358, %get3A_364 : vector<16xf32>
        %swap3A = arith.constant 0 : i32
        %swap3A_366 = arith.index_cast %swap3A : i32 to index
        %swap3A_367 = arith.index_cast %scan3A_297 : i32 to index
        %swap3A_368 = arith.constant 0 : index
        %swap3A_369 = tpu.vector_load %arg10[%swap3A_366, %swap3A_367, %swap3A_368] {strides = array<i32>} : memref<2x32x128xf32, #tpu.memory_space<vmem>>, vector<1x1x16xf32>,
        %swap3A_370 = vector.shape_cast %swap3A_369 : vector<1x1x16xf32> to vector<16xf32>
        %swap3A_371 = vector.shape_cast %add3A_365 : vector<16xf32> to vector<1x1x16xf32>
        tpu.vector_store %arg10[%swap3A_366, %swap3A_367, %swap3A_368], %swap3A_371 {strides = array<i32>} : memref<2x32x128xf32, #tpu.memory_space<vmem>>, vector<1x1x16xf32>,
        %add3A_372 = arith.constant 32 : i32
        %add3A_373 = arith.addi %add3A_372, %scan3A_297 : i32
        %get3A_374 = arith.index_cast %add3A_373 : i32 to index
        %get3A_375 = arith.constant 16 : index
        %get3A_376 = tpu.vector_load %arg8[%get3A_374, %get3A_375] {strides = array<i32>} : memref<384x128xf32, #tpu.memory_space<vmem>>, vector<1x16xf32>,
        %get3A_377 = vector.shape_cast %get3A_376 : vector<1x16xf32> to vector<16xf32>
        %add3A_378 = arith.constant 64 : i32
        %add3A_379 = arith.addi %add3A_378, %scan3A_297 : i32
        %get3A_380 = arith.index_cast %add3A_379 : i32 to index
        %get3A_381 = arith.constant 16 : index
        %get3A_382 = tpu.vector_load %arg8[%get3A_380, %get3A_381] {strides = array<i32>} : memref<384x128xf32, #tpu.memory_space<vmem>>, vector<1x16xf32>,
        %get3A_383 = vector.shape_cast %get3A_382 : vector<1x16xf32> to vector<16xf32>
        %add3A_384 = arith.addf %get3A_377, %get3A_383 : vector<16xf32>
        %add3A_385 = arith.constant 96 : i32
        %add3A_386 = arith.addi %add3A_385, %scan3A_297 : i32
        %get3A_387 = arith.index_cast %add3A_386 : i32 to index
        %get3A_388 = arith.constant 16 : index
        %get3A_389 = tpu.vector_load %arg8[%get3A_387, %get3A_388] {strides = array<i32>} : memref<384x128xf32, #tpu.memory_space<vmem>>, vector<1x16xf32>,
        %get3A_390 = vector.shape_cast %get3A_389 : vector<1x16xf32> to vector<16xf32>
        %add3A_391 = arith.addf %add3A_384, %get3A_390 : vector<16xf32>
        %add3A_392 = arith.constant 128 : i32
        %add3A_393 = arith.addi %add3A_392, %scan3A_297 : i32
        %get3A_394 = arith.index_cast %add3A_393 : i32 to index
        %get3A_395 = arith.constant 16 : index
        %get3A_396 = tpu.vector_load %arg8[%get3A_394, %get3A_395] {strides = array<i32>} : memref<384x128xf32, #tpu.memory_space<vmem>>, vector<1x16xf32>,
        %get3A_397 = vector.shape_cast %get3A_396 : vector<1x16xf32> to vector<16xf32>
        %add3A_398 = arith.addf %add3A_391, %get3A_397 : vector<16xf32>
        %add3A_399 = arith.constant 160 : i32
        %add3A_400 = arith.addi %add3A_399, %scan3A_297 : i32
        %get3A_401 = arith.index_cast %add3A_400 : i32 to index
        %get3A_402 = arith.constant 16 : index
        %get3A_403 = tpu.vector_load %arg8[%get3A_401, %get3A_402] {strides = array<i32>} : memref<384x128xf32, #tpu.memory_space<vmem>>, vector<1x16xf32>,
        %get3A_404 = vector.shape_cast %get3A_403 : vector<1x16xf32> to vector<16xf32>
        %add3A_405 = arith.addf %add3A_398, %get3A_404 : vector<16xf32>
        %add3A_406 = arith.constant 192 : i32
        %add3A_407 = arith.addi %add3A_406, %scan3A_297 : i32
        %get3A_408 = arith.index_cast %add3A_407 : i32 to index
        %get3A_409 = arith.constant 16 : index
        %get3A_410 = tpu.vector_load %arg8[%get3A_408, %get3A_409] {strides = array<i32>} : memref<384x128xf32, #tpu.memory_space<vmem>>, vector<1x16xf32>,
        %get3A_411 = vector.shape_cast %get3A_410 : vector<1x16xf32> to vector<16xf32>
        %add3A_412 = arith.addf %add3A_405, %get3A_411 : vector<16xf32>
        %add3A_413 = arith.constant 224 : i32
        %add3A_414 = arith.addi %add3A_413, %scan3A_297 : i32
        %get3A_415 = arith.index_cast %add3A_414 : i32 to index
        %get3A_416 = arith.constant 16 : index
        %get3A_417 = tpu.vector_load %arg8[%get3A_415, %get3A_416] {strides = array<i32>} : memref<384x128xf32, #tpu.memory_space<vmem>>, vector<1x16xf32>,
        %get3A_418 = vector.shape_cast %get3A_417 : vector<1x16xf32> to vector<16xf32>
        %add3A_419 = arith.addf %add3A_412, %get3A_418 : vector<16xf32>
        %add3A_420 = arith.constant 256 : i32
        %add3A_421 = arith.addi %add3A_420, %scan3A_297 : i32
        %get3A_422 = arith.index_cast %add3A_421 : i32 to index
        %get3A_423 = arith.constant 16 : index
        %get3A_424 = tpu.vector_load %arg8[%get3A_422, %get3A_423] {strides = array<i32>} : memref<384x128xf32, #tpu.memory_space<vmem>>, vector<1x16xf32>,
        %get3A_425 = vector.shape_cast %get3A_424 : vector<1x16xf32> to vector<16xf32>
        %add3A_426 = arith.addf %add3A_419, %get3A_425 : vector<16xf32>
        %add3A_427 = arith.constant 288 : i32
        %add3A_428 = arith.addi %add3A_427, %scan3A_297 : i32
        %get3A_429 = arith.index_cast %add3A_428 : i32 to index
        %get3A_430 = arith.constant 16 : index
        %get3A_431 = tpu.vector_load %arg8[%get3A_429, %get3A_430] {strides = array<i32>} : memref<384x128xf32, #tpu.memory_space<vmem>>, vector<1x16xf32>,
        %get3A_432 = vector.shape_cast %get3A_431 : vector<1x16xf32> to vector<16xf32>
        %add3A_433 = arith.addf %add3A_426, %get3A_432 : vector<16xf32>
        %add3A_434 = arith.constant 320 : i32
        %add3A_435 = arith.addi %add3A_434, %scan3A_297 : i32
        %get3A_436 = arith.index_cast %add3A_435 : i32 to index
        %get3A_437 = arith.constant 16 : index
        %get3A_438 = tpu.vector_load %arg8[%get3A_436, %get3A_437] {strides = array<i32>} : memref<384x128xf32, #tpu.memory_space<vmem>>, vector<1x16xf32>,
        %get3A_439 = vector.shape_cast %get3A_438 : vector<1x16xf32> to vector<16xf32>
        %add3A_440 = arith.addf %add3A_433, %get3A_439 : vector<16xf32>
        %swap3A_441 = arith.constant 0 : i32
        %swap3A_442 = arith.index_cast %swap3A_441 : i32 to index
        %swap3A_443 = arith.index_cast %scan3A_297 : i32 to index
        %swap3A_444 = arith.constant 16 : index
        %swap3A_445 = tpu.vector_load %arg10[%swap3A_442, %swap3A_443, %swap3A_444] {strides = array<i32>} : memref<2x32x128xf32, #tpu.memory_space<vmem>>, vector<1x1x16xf32>,
        %swap3A_446 = vector.shape_cast %swap3A_445 : vector<1x1x16xf32> to vector<16xf32>
        %swap3A_447 = vector.shape_cast %add3A_440 : vector<16xf32> to vector<1x1x16xf32>
        tpu.vector_store %arg10[%swap3A_442, %swap3A_443, %swap3A_444], %swap3A_447 {strides = array<i32>} : memref<2x32x128xf32, #tpu.memory_space<vmem>>, vector<1x1x16xf32>,
        %add3A_448 = arith.constant 32 : i32
        %add3A_449 = arith.addi %add3A_448, %scan3A_297 : i32
        %get3A_450 = arith.index_cast %add3A_449 : i32 to index
        %get3A_451 = arith.constant 32 : index
        %get3A_452 = tpu.vector_load %arg8[%get3A_450, %get3A_451] {strides = array<i32>} : memref<384x128xf32, #tpu.memory_space<vmem>>, vector<1x16xf32>,
        %get3A_453 = vector.shape_cast %get3A_452 : vector<1x16xf32> to vector<16xf32>
        %add3A_454 = arith.constant 64 : i32
        %add3A_455 = arith.addi %add3A_454, %scan3A_297 : i32
        %get3A_456 = arith.index_cast %add3A_455 : i32 to index
        %get3A_457 = arith.constant 32 : index
        %get3A_458 = tpu.vector_load %arg8[%get3A_456, %get3A_457] {strides = array<i32>} : memref<384x128xf32, #tpu.memory_space<vmem>>, vector<1x16xf32>,
        %get3A_459 = vector.shape_cast %get3A_458 : vector<1x16xf32> to vector<16xf32>
        %add3A_460 = arith.addf %get3A_453, %get3A_459 : vector<16xf32>
        %add3A_461 = arith.constant 96 : i32
        %add3A_462 = arith.addi %add3A_461, %scan3A_297 : i32
        %get3A_463 = arith.index_cast %add3A_462 : i32 to index
        %get3A_464 = arith.constant 32 : index
        %get3A_465 = tpu.vector_load %arg8[%get3A_463, %get3A_464] {strides = array<i32>} : memref<384x128xf32, #tpu.memory_space<vmem>>, vector<1x16xf32>,
        %get3A_466 = vector.shape_cast %get3A_465 : vector<1x16xf32> to vector<16xf32>
        %add3A_467 = arith.addf %add3A_460, %get3A_466 : vector<16xf32>
        %add3A_468 = arith.constant 128 : i32
        %add3A_469 = arith.addi %add3A_468, %scan3A_297 : i32
        %get3A_470 = arith.index_cast %add3A_469 : i32 to index
        %get3A_471 = arith.constant 32 : index
        %get3A_472 = tpu.vector_load %arg8[%get3A_470, %get3A_471] {strides = array<i32>} : memref<384x128xf32, #tpu.memory_space<vmem>>, vector<1x16xf32>,
        %get3A_473 = vector.shape_cast %get3A_472 : vector<1x16xf32> to vector<16xf32>
        %add3A_474 = arith.addf %add3A_467, %get3A_473 : vector<16xf32>
        %add3A_475 = arith.constant 160 : i32
        %add3A_476 = arith.addi %add3A_475, %scan3A_297 : i32
        %get3A_477 = arith.index_cast %add3A_476 : i32 to index
        %get3A_478 = arith.constant 32 : index
        %get3A_479 = tpu.vector_load %arg8[%get3A_477, %get3A_478] {strides = array<i32>} : memref<384x128xf32, #tpu.memory_space<vmem>>, vector<1x16xf32>,
        %get3A_480 = vector.shape_cast %get3A_479 : vector<1x16xf32> to vector<16xf32>
        %add3A_481 = arith.addf %add3A_474, %get3A_480 : vector<16xf32>
        %add3A_482 = arith.constant 192 : i32
        %add3A_483 = arith.addi %add3A_482, %scan3A_297 : i32
        %get3A_484 = arith.index_cast %add3A_483 : i32 to index
        %get3A_485 = arith.constant 32 : index
        %get3A_486 = tpu.vector_load %arg8[%get3A_484, %get3A_485] {strides = array<i32>} : memref<384x128xf32, #tpu.memory_space<vmem>>, vector<1x16xf32>,
        %get3A_487 = vector.shape_cast %get3A_486 : vector<1x16xf32> to vector<16xf32>
        %add3A_488 = arith.addf %add3A_481, %get3A_487 : vector<16xf32>
        %add3A_489 = arith.constant 224 : i32
        %add3A_490 = arith.addi %add3A_489, %scan3A_297 : i32
        %get3A_491 = arith.index_cast %add3A_490 : i32 to index
        %get3A_492 = arith.constant 32 : index
        %get3A_493 = tpu.vector_load %arg8[%get3A_491, %get3A_492] {strides = array<i32>} : memref<384x128xf32, #tpu.memory_space<vmem>>, vector<1x16xf32>,
        %get3A_494 = vector.shape_cast %get3A_493 : vector<1x16xf32> to vector<16xf32>
        %add3A_495 = arith.addf %add3A_488, %get3A_494 : vector<16xf32>
        %add3A_496 = arith.constant 256 : i32
        %add3A_497 = arith.addi %add3A_496, %scan3A_297 : i32
        %get3A_498 = arith.index_cast %add3A_497 : i32 to index
        %get3A_499 = arith.constant 32 : index
        %get3A_500 = tpu.vector_load %arg8[%get3A_498, %get3A_499] {strides = array<i32>} : memref<384x128xf32, #tpu.memory_space<vmem>>, vector<1x16xf32>,
        %get3A_501 = vector.shape_cast %get3A_500 : vector<1x16xf32> to vector<16xf32>
        %add3A_502 = arith.addf %add3A_495, %get3A_501 : vector<16xf32>
        %add3A_503 = arith.constant 288 : i32
        %add3A_504 = arith.addi %add3A_503, %scan3A_297 : i32
        %get3A_505 = arith.index_cast %add3A_504 : i32 to index
        %get3A_506 = arith.constant 32 : index
        %get3A_507 = tpu.vector_load %arg8[%get3A_505, %get3A_506] {strides = array<i32>} : memref<384x128xf32, #tpu.memory_space<vmem>>, vector<1x16xf32>,
        %get3A_508 = vector.shape_cast %get3A_507 : vector<1x16xf32> to vector<16xf32>
        %add3A_509 = arith.addf %add3A_502, %get3A_508 : vector<16xf32>
        %add3A_510 = arith.constant 320 : i32
        %add3A_511 = arith.addi %add3A_510, %scan3A_297 : i32
        %get3A_512 = arith.index_cast %add3A_511 : i32 to index
        %get3A_513 = arith.constant 32 : index
        %get3A_514 = tpu.vector_load %arg8[%get3A_512, %get3A_513] {strides = array<i32>} : memref<384x128xf32, #tpu.memory_space<vmem>>, vector<1x16xf32>,
        %get3A_515 = vector.shape_cast %get3A_514 : vector<1x16xf32> to vector<16xf32>
        %add3A_516 = arith.addf %add3A_509, %get3A_515 : vector<16xf32>
        %swap3A_517 = arith.constant 0 : i32
        %swap3A_518 = arith.index_cast %swap3A_517 : i32 to index
        %swap3A_519 = arith.index_cast %scan3A_297 : i32 to index
        %swap3A_520 = arith.constant 32 : index
        %swap3A_521 = tpu.vector_load %arg10[%swap3A_518, %swap3A_519, %swap3A_520] {strides = array<i32>} : memref<2x32x128xf32, #tpu.memory_space<vmem>>, vector<1x1x16xf32>,
        %swap3A_522 = vector.shape_cast %swap3A_521 : vector<1x1x16xf32> to vector<16xf32>
        %swap3A_523 = vector.shape_cast %add3A_516 : vector<16xf32> to vector<1x1x16xf32>
        tpu.vector_store %arg10[%swap3A_518, %swap3A_519, %swap3A_520], %swap3A_523 {strides = array<i32>} : memref<2x32x128xf32, #tpu.memory_space<vmem>>, vector<1x1x16xf32>,
        %add3A_524 = arith.constant 32 : i32
        %add3A_525 = arith.addi %add3A_524, %scan3A_297 : i32
        %get3A_526 = arith.index_cast %add3A_525 : i32 to index
        %get3A_527 = arith.constant 48 : index
        %get3A_528 = tpu.vector_load %arg8[%get3A_526, %get3A_527] {strides = array<i32>} : memref<384x128xf32, #tpu.memory_space<vmem>>, vector<1x16xf32>,
        %get3A_529 = vector.shape_cast %get3A_528 : vector<1x16xf32> to vector<16xf32>
        %add3A_530 = arith.constant 64 : i32
        %add3A_531 = arith.addi %add3A_530, %scan3A_297 : i32
        %get3A_532 = arith.index_cast %add3A_531 : i32 to index
        %get3A_533 = arith.constant 48 : index
        %get3A_534 = tpu.vector_load %arg8[%get3A_532, %get3A_533] {strides = array<i32>} : memref<384x128xf32, #tpu.memory_space<vmem>>, vector<1x16xf32>,
        %get3A_535 = vector.shape_cast %get3A_534 : vector<1x16xf32> to vector<16xf32>
        %add3A_536 = arith.addf %get3A_529, %get3A_535 : vector<16xf32>
        %add3A_537 = arith.constant 96 : i32
        %add3A_538 = arith.addi %add3A_537, %scan3A_297 : i32
        %get3A_539 = arith.index_cast %add3A_538 : i32 to index
        %get3A_540 = arith.constant 48 : index
        %get3A_541 = tpu.vector_load %arg8[%get3A_539, %get3A_540] {strides = array<i32>} : memref<384x128xf32, #tpu.memory_space<vmem>>, vector<1x16xf32>,
        %get3A_542 = vector.shape_cast %get3A_541 : vector<1x16xf32> to vector<16xf32>
        %add3A_543 = arith.addf %add3A_536, %get3A_542 : vector<16xf32>
        %add3A_544 = arith.constant 128 : i32
        %add3A_545 = arith.addi %add3A_544, %scan3A_297 : i32
        %get3A_546 = arith.index_cast %add3A_545 : i32 to index
        %get3A_547 = arith.constant 48 : index
        %get3A_548 = tpu.vector_load %arg8[%get3A_546, %get3A_547] {strides = array<i32>} : memref<384x128xf32, #tpu.memory_space<vmem>>, vector<1x16xf32>,
        %get3A_549 = vector.shape_cast %get3A_548 : vector<1x16xf32> to vector<16xf32>
        %add3A_550 = arith.addf %add3A_543, %get3A_549 : vector<16xf32>
        %add3A_551 = arith.constant 160 : i32
        %add3A_552 = arith.addi %add3A_551, %scan3A_297 : i32
        %get3A_553 = arith.index_cast %add3A_552 : i32 to index
        %get3A_554 = arith.constant 48 : index
        %get3A_555 = tpu.vector_load %arg8[%get3A_553, %get3A_554] {strides = array<i32>} : memref<384x128xf32, #tpu.memory_space<vmem>>, vector<1x16xf32>,
        %get3A_556 = vector.shape_cast %get3A_555 : vector<1x16xf32> to vector<16xf32>
        %add3A_557 = arith.addf %add3A_550, %get3A_556 : vector<16xf32>
        %add3A_558 = arith.constant 192 : i32
        %add3A_559 = arith.addi %add3A_558, %scan3A_297 : i32
        %get3A_560 = arith.index_cast %add3A_559 : i32 to index
        %get3A_561 = arith.constant 48 : index
        %get3A_562 = tpu.vector_load %arg8[%get3A_560, %get3A_561] {strides = array<i32>} : memref<384x128xf32, #tpu.memory_space<vmem>>, vector<1x16xf32>,
        %get3A_563 = vector.shape_cast %get3A_562 : vector<1x16xf32> to vector<16xf32>
        %add3A_564 = arith.addf %add3A_557, %get3A_563 : vector<16xf32>
        %add3A_565 = arith.constant 224 : i32
        %add3A_566 = arith.addi %add3A_565, %scan3A_297 : i32
        %get3A_567 = arith.index_cast %add3A_566 : i32 to index
        %get3A_568 = arith.constant 48 : index
        %get3A_569 = tpu.vector_load %arg8[%get3A_567, %get3A_568] {strides = array<i32>} : memref<384x128xf32, #tpu.memory_space<vmem>>, vector<1x16xf32>,
        %get3A_570 = vector.shape_cast %get3A_569 : vector<1x16xf32> to vector<16xf32>
        %add3A_571 = arith.addf %add3A_564, %get3A_570 : vector<16xf32>
        %add3A_572 = arith.constant 256 : i32
        %add3A_573 = arith.addi %add3A_572, %scan3A_297 : i32
        %get3A_574 = arith.index_cast %add3A_573 : i32 to index
        %get3A_575 = arith.constant 48 : index
        %get3A_576 = tpu.vector_load %arg8[%get3A_574, %get3A_575] {strides = array<i32>} : memref<384x128xf32, #tpu.memory_space<vmem>>, vector<1x16xf32>,
        %get3A_577 = vector.shape_cast %get3A_576 : vector<1x16xf32> to vector<16xf32>
        %add3A_578 = arith.addf %add3A_571, %get3A_577 : vector<16xf32>
        %add3A_579 = arith.constant 288 : i32
        %add3A_580 = arith.addi %add3A_579, %scan3A_297 : i32
        %get3A_581 = arith.index_cast %add3A_580 : i32 to index
        %get3A_582 = arith.constant 48 : index
        %get3A_583 = tpu.vector_load %arg8[%get3A_581, %get3A_582] {strides = array<i32>} : memref<384x128xf32, #tpu.memory_space<vmem>>, vector<1x16xf32>,
        %get3A_584 = vector.shape_cast %get3A_583 : vector<1x16xf32> to vector<16xf32>
        %add3A_585 = arith.addf %add3A_578, %get3A_584 : vector<16xf32>
        %add3A_586 = arith.constant 320 : i32
        %add3A_587 = arith.addi %add3A_586, %scan3A_297 : i32
        %get3A_588 = arith.index_cast %add3A_587 : i32 to index
        %get3A_589 = arith.constant 48 : index
        %get3A_590 = tpu.vector_load %arg8[%get3A_588, %get3A_589] {strides = array<i32>} : memref<384x128xf32, #tpu.memory_space<vmem>>, vector<1x16xf32>,
        %get3A_591 = vector.shape_cast %get3A_590 : vector<1x16xf32> to vector<16xf32>
        %add3A_592 = arith.addf %add3A_585, %get3A_591 : vector<16xf32>
        %swap3A_593 = arith.constant 0 : i32
        %swap3A_594 = arith.index_cast %swap3A_593 : i32 to index
        %swap3A_595 = arith.index_cast %scan3A_297 : i32 to index
        %swap3A_596 = arith.constant 48 : index
        %swap3A_597 = tpu.vector_load %arg10[%swap3A_594, %swap3A_595, %swap3A_596] {strides = array<i32>} : memref<2x32x128xf32, #tpu.memory_space<vmem>>, vector<1x1x16xf32>,
        %swap3A_598 = vector.shape_cast %swap3A_597 : vector<1x1x16xf32> to vector<16xf32>
        %swap3A_599 = vector.shape_cast %add3A_592 : vector<16xf32> to vector<1x1x16xf32>
        tpu.vector_store %arg10[%swap3A_594, %swap3A_595, %swap3A_596], %swap3A_599 {strides = array<i32>} : memref<2x32x128xf32, #tpu.memory_space<vmem>>, vector<1x1x16xf32>,
        %add3A_600 = arith.constant 32 : i32
        %add3A_601 = arith.addi %add3A_600, %scan3A_297 : i32
        %get3A_602 = arith.index_cast %add3A_601 : i32 to index
        %get3A_603 = arith.constant 64 : index
        %get3A_604 = tpu.vector_load %arg8[%get3A_602, %get3A_603] {strides = array<i32>} : memref<384x128xf32, #tpu.memory_space<vmem>>, vector<1x16xf32>,
        %get3A_605 = vector.shape_cast %get3A_604 : vector<1x16xf32> to vector<16xf32>
        %add3A_606 = arith.constant 64 : i32
        %add3A_607 = arith.addi %add3A_606, %scan3A_297 : i32
        %get3A_608 = arith.index_cast %add3A_607 : i32 to index
        %get3A_609 = arith.constant 64 : index
        %get3A_610 = tpu.vector_load %arg8[%get3A_608, %get3A_609] {strides = array<i32>} : memref<384x128xf32, #tpu.memory_space<vmem>>, vector<1x16xf32>,
        %get3A_611 = vector.shape_cast %get3A_610 : vector<1x16xf32> to vector<16xf32>
        %add3A_612 = arith.addf %get3A_605, %get3A_611 : vector<16xf32>
        %add3A_613 = arith.constant 96 : i32
        %add3A_614 = arith.addi %add3A_613, %scan3A_297 : i32
        %get3A_615 = arith.index_cast %add3A_614 : i32 to index
        %get3A_616 = arith.constant 64 : index
        %get3A_617 = tpu.vector_load %arg8[%get3A_615, %get3A_616] {strides = array<i32>} : memref<384x128xf32, #tpu.memory_space<vmem>>, vector<1x16xf32>,
        %get3A_618 = vector.shape_cast %get3A_617 : vector<1x16xf32> to vector<16xf32>
        %add3A_619 = arith.addf %add3A_612, %get3A_618 : vector<16xf32>
        %add3A_620 = arith.constant 128 : i32
        %add3A_621 = arith.addi %add3A_620, %scan3A_297 : i32
        %get3A_622 = arith.index_cast %add3A_621 : i32 to index
        %get3A_623 = arith.constant 64 : index
        %get3A_624 = tpu.vector_load %arg8[%get3A_622, %get3A_623] {strides = array<i32>} : memref<384x128xf32, #tpu.memory_space<vmem>>, vector<1x16xf32>,
        %get3A_625 = vector.shape_cast %get3A_624 : vector<1x16xf32> to vector<16xf32>
        %add3A_626 = arith.addf %add3A_619, %get3A_625 : vector<16xf32>
        %add3A_627 = arith.constant 160 : i32
        %add3A_628 = arith.addi %add3A_627, %scan3A_297 : i32
        %get3A_629 = arith.index_cast %add3A_628 : i32 to index
        %get3A_630 = arith.constant 64 : index
        %get3A_631 = tpu.vector_load %arg8[%get3A_629, %get3A_630] {strides = array<i32>} : memref<384x128xf32, #tpu.memory_space<vmem>>, vector<1x16xf32>,
        %get3A_632 = vector.shape_cast %get3A_631 : vector<1x16xf32> to vector<16xf32>
        %add3A_633 = arith.addf %add3A_626, %get3A_632 : vector<16xf32>
        %add3A_634 = arith.constant 192 : i32
        %add3A_635 = arith.addi %add3A_634, %scan3A_297 : i32
        %get3A_636 = arith.index_cast %add3A_635 : i32 to index
        %get3A_637 = arith.constant 64 : index
        %get3A_638 = tpu.vector_load %arg8[%get3A_636, %get3A_637] {strides = array<i32>} : memref<384x128xf32, #tpu.memory_space<vmem>>, vector<1x16xf32>,
        %get3A_639 = vector.shape_cast %get3A_638 : vector<1x16xf32> to vector<16xf32>
        %add3A_640 = arith.addf %add3A_633, %get3A_639 : vector<16xf32>
        %add3A_641 = arith.constant 224 : i32
        %add3A_642 = arith.addi %add3A_641, %scan3A_297 : i32
        %get3A_643 = arith.index_cast %add3A_642 : i32 to index
        %get3A_644 = arith.constant 64 : index
        %get3A_645 = tpu.vector_load %arg8[%get3A_643, %get3A_644] {strides = array<i32>} : memref<384x128xf32, #tpu.memory_space<vmem>>, vector<1x16xf32>,
        %get3A_646 = vector.shape_cast %get3A_645 : vector<1x16xf32> to vector<16xf32>
        %add3A_647 = arith.addf %add3A_640, %get3A_646 : vector<16xf32>
        %add3A_648 = arith.constant 256 : i32
        %add3A_649 = arith.addi %add3A_648, %scan3A_297 : i32
        %get3A_650 = arith.index_cast %add3A_649 : i32 to index
        %get3A_651 = arith.constant 64 : index
        %get3A_652 = tpu.vector_load %arg8[%get3A_650, %get3A_651] {strides = array<i32>} : memref<384x128xf32, #tpu.memory_space<vmem>>, vector<1x16xf32>,
        %get3A_653 = vector.shape_cast %get3A_652 : vector<1x16xf32> to vector<16xf32>
        %add3A_654 = arith.addf %add3A_647, %get3A_653 : vector<16xf32>
        %add3A_655 = arith.constant 288 : i32
        %add3A_656 = arith.addi %add3A_655, %scan3A_297 : i32
        %get3A_657 = arith.index_cast %add3A_656 : i32 to index
        %get3A_658 = arith.constant 64 : index
        %get3A_659 = tpu.vector_load %arg8[%get3A_657, %get3A_658] {strides = array<i32>} : memref<384x128xf32, #tpu.memory_space<vmem>>, vector<1x16xf32>,
        %get3A_660 = vector.shape_cast %get3A_659 : vector<1x16xf32> to vector<16xf32>
        %add3A_661 = arith.addf %add3A_654, %get3A_660 : vector<16xf32>
        %add3A_662 = arith.constant 320 : i32
        %add3A_663 = arith.addi %add3A_662, %scan3A_297 : i32
        %get3A_664 = arith.index_cast %add3A_663 : i32 to index
        %get3A_665 = arith.constant 64 : index
        %get3A_666 = tpu.vector_load %arg8[%get3A_664, %get3A_665] {strides = array<i32>} : memref<384x128xf32, #tpu.memory_space<vmem>>, vector<1x16xf32>,
        %get3A_667 = vector.shape_cast %get3A_666 : vector<1x16xf32> to vector<16xf32>
        %add3A_668 = arith.addf %add3A_661, %get3A_667 : vector<16xf32>
        %swap3A_669 = arith.constant 0 : i32
        %swap3A_670 = arith.index_cast %swap3A_669 : i32 to index
        %swap3A_671 = arith.index_cast %scan3A_297 : i32 to index
        %swap3A_672 = arith.constant 64 : index
        %swap3A_673 = tpu.vector_load %arg10[%swap3A_670, %swap3A_671, %swap3A_672] {strides = array<i32>} : memref<2x32x128xf32, #tpu.memory_space<vmem>>, vector<1x1x16xf32>,
        %swap3A_674 = vector.shape_cast %swap3A_673 : vector<1x1x16xf32> to vector<16xf32>
        %swap3A_675 = vector.shape_cast %add3A_668 : vector<16xf32> to vector<1x1x16xf32>
        tpu.vector_store %arg10[%swap3A_670, %swap3A_671, %swap3A_672], %swap3A_675 {strides = array<i32>} : memref<2x32x128xf32, #tpu.memory_space<vmem>>, vector<1x1x16xf32>,
        %add3A_676 = arith.constant 32 : i32
        %add3A_677 = arith.addi %add3A_676, %scan3A_297 : i32
        %get3A_678 = arith.index_cast %add3A_677 : i32 to index
        %get3A_679 = arith.constant 80 : index
        %get3A_680 = tpu.vector_load %arg8[%get3A_678, %get3A_679] {strides = array<i32>} : memref<384x128xf32, #tpu.memory_space<vmem>>, vector<1x16xf32>,
        %get3A_681 = vector.shape_cast %get3A_680 : vector<1x16xf32> to vector<16xf32>
        %add3A_682 = arith.constant 64 : i32
        %add3A_683 = arith.addi %add3A_682, %scan3A_297 : i32
        %get3A_684 = arith.index_cast %add3A_683 : i32 to index
        %get3A_685 = arith.constant 80 : index
        %get3A_686 = tpu.vector_load %arg8[%get3A_684, %get3A_685] {strides = array<i32>} : memref<384x128xf32, #tpu.memory_space<vmem>>, vector<1x16xf32>,
        %get3A_687 = vector.shape_cast %get3A_686 : vector<1x16xf32> to vector<16xf32>
        %add3A_688 = arith.addf %get3A_681, %get3A_687 : vector<16xf32>
        %add3A_689 = arith.constant 96 : i32
        %add3A_690 = arith.addi %add3A_689, %scan3A_297 : i32
        %get3A_691 = arith.index_cast %add3A_690 : i32 to index
        %get3A_692 = arith.constant 80 : index
        %get3A_693 = tpu.vector_load %arg8[%get3A_691, %get3A_692] {strides = array<i32>} : memref<384x128xf32, #tpu.memory_space<vmem>>, vector<1x16xf32>,
        %get3A_694 = vector.shape_cast %get3A_693 : vector<1x16xf32> to vector<16xf32>
        %add3A_695 = arith.addf %add3A_688, %get3A_694 : vector<16xf32>
        %add3A_696 = arith.constant 128 : i32
        %add3A_697 = arith.addi %add3A_696, %scan3A_297 : i32
        %get3A_698 = arith.index_cast %add3A_697 : i32 to index
        %get3A_699 = arith.constant 80 : index
        %get3A_700 = tpu.vector_load %arg8[%get3A_698, %get3A_699] {strides = array<i32>} : memref<384x128xf32, #tpu.memory_space<vmem>>, vector<1x16xf32>,
        %get3A_701 = vector.shape_cast %get3A_700 : vector<1x16xf32> to vector<16xf32>
        %add3A_702 = arith.addf %add3A_695, %get3A_701 : vector<16xf32>
        %add3A_703 = arith.constant 160 : i32
        %add3A_704 = arith.addi %add3A_703, %scan3A_297 : i32
        %get3A_705 = arith.index_cast %add3A_704 : i32 to index
        %get3A_706 = arith.constant 80 : index
        %get3A_707 = tpu.vector_load %arg8[%get3A_705, %get3A_706] {strides = array<i32>} : memref<384x128xf32, #tpu.memory_space<vmem>>, vector<1x16xf32>,
        %get3A_708 = vector.shape_cast %get3A_707 : vector<1x16xf32> to vector<16xf32>
        %add3A_709 = arith.addf %add3A_702, %get3A_708 : vector<16xf32>
        %add3A_710 = arith.constant 192 : i32
        %add3A_711 = arith.addi %add3A_710, %scan3A_297 : i32
        %get3A_712 = arith.index_cast %add3A_711 : i32 to index
        %get3A_713 = arith.constant 80 : index
        %get3A_714 = tpu.vector_load %arg8[%get3A_712, %get3A_713] {strides = array<i32>} : memref<384x128xf32, #tpu.memory_space<vmem>>, vector<1x16xf32>,
        %get3A_715 = vector.shape_cast %get3A_714 : vector<1x16xf32> to vector<16xf32>
        %add3A_716 = arith.addf %add3A_709, %get3A_715 : vector<16xf32>
        %add3A_717 = arith.constant 224 : i32
        %add3A_718 = arith.addi %add3A_717, %scan3A_297 : i32
        %get3A_719 = arith.index_cast %add3A_718 : i32 to index
        %get3A_720 = arith.constant 80 : index
        %get3A_721 = tpu.vector_load %arg8[%get3A_719, %get3A_720] {strides = array<i32>} : memref<384x128xf32, #tpu.memory_space<vmem>>, vector<1x16xf32>,
        %get3A_722 = vector.shape_cast %get3A_721 : vector<1x16xf32> to vector<16xf32>
        %add3A_723 = arith.addf %add3A_716, %get3A_722 : vector<16xf32>
        %add3A_724 = arith.constant 256 : i32
        %add3A_725 = arith.addi %add3A_724, %scan3A_297 : i32
        %get3A_726 = arith.index_cast %add3A_725 : i32 to index
        %get3A_727 = arith.constant 80 : index
        %get3A_728 = tpu.vector_load %arg8[%get3A_726, %get3A_727] {strides = array<i32>} : memref<384x128xf32, #tpu.memory_space<vmem>>, vector<1x16xf32>,
        %get3A_729 = vector.shape_cast %get3A_728 : vector<1x16xf32> to vector<16xf32>
        %add3A_730 = arith.addf %add3A_723, %get3A_729 : vector<16xf32>
        %add3A_731 = arith.constant 288 : i32
        %add3A_732 = arith.addi %add3A_731, %scan3A_297 : i32
        %get3A_733 = arith.index_cast %add3A_732 : i32 to index
        %get3A_734 = arith.constant 80 : index
        %get3A_735 = tpu.vector_load %arg8[%get3A_733, %get3A_734] {strides = array<i32>} : memref<384x128xf32, #tpu.memory_space<vmem>>, vector<1x16xf32>,
        %get3A_736 = vector.shape_cast %get3A_735 : vector<1x16xf32> to vector<16xf32>
        %add3A_737 = arith.addf %add3A_730, %get3A_736 : vector<16xf32>
        %add3A_738 = arith.constant 320 : i32
        %add3A_739 = arith.addi %add3A_738, %scan3A_297 : i32
        %get3A_740 = arith.index_cast %add3A_739 : i32 to index
        %get3A_741 = arith.constant 80 : index
        %get3A_742 = tpu.vector_load %arg8[%get3A_740, %get3A_741] {strides = array<i32>} : memref<384x128xf32, #tpu.memory_space<vmem>>, vector<1x16xf32>,
        %get3A_743 = vector.shape_cast %get3A_742 : vector<1x16xf32> to vector<16xf32>
        %add3A_744 = arith.addf %add3A_737, %get3A_743 : vector<16xf32>
        %swap3A_745 = arith.constant 0 : i32
        %swap3A_746 = arith.index_cast %swap3A_745 : i32 to index
        %swap3A_747 = arith.index_cast %scan3A_297 : i32 to index
        %swap3A_748 = arith.constant 80 : index
        %swap3A_749 = tpu.vector_load %arg10[%swap3A_746, %swap3A_747, %swap3A_748] {strides = array<i32>} : memref<2x32x128xf32, #tpu.memory_space<vmem>>, vector<1x1x16xf32>,
        %swap3A_750 = vector.shape_cast %swap3A_749 : vector<1x1x16xf32> to vector<16xf32>
        %swap3A_751 = vector.shape_cast %add3A_744 : vector<16xf32> to vector<1x1x16xf32>
        tpu.vector_store %arg10[%swap3A_746, %swap3A_747, %swap3A_748], %swap3A_751 {strides = array<i32>} : memref<2x32x128xf32, #tpu.memory_space<vmem>>, vector<1x1x16xf32>,
        %add3A_752 = arith.constant 32 : i32
        %add3A_753 = arith.addi %add3A_752, %scan3A_297 : i32
        %get3A_754 = arith.index_cast %add3A_753 : i32 to index
        %get3A_755 = arith.constant 96 : index
        %get3A_756 = tpu.vector_load %arg8[%get3A_754, %get3A_755] {strides = array<i32>} : memref<384x128xf32, #tpu.memory_space<vmem>>, vector<1x16xf32>,
        %get3A_757 = vector.shape_cast %get3A_756 : vector<1x16xf32> to vector<16xf32>
        %add3A_758 = arith.constant 64 : i32
        %add3A_759 = arith.addi %add3A_758, %scan3A_297 : i32
        %get3A_760 = arith.index_cast %add3A_759 : i32 to index
        %get3A_761 = arith.constant 96 : index
        %get3A_762 = tpu.vector_load %arg8[%get3A_760, %get3A_761] {strides = array<i32>} : memref<384x128xf32, #tpu.memory_space<vmem>>, vector<1x16xf32>,
        %get3A_763 = vector.shape_cast %get3A_762 : vector<1x16xf32> to vector<16xf32>
        %add3A_764 = arith.addf %get3A_757, %get3A_763 : vector<16xf32>
        %add3A_765 = arith.constant 96 : i32
        %add3A_766 = arith.addi %add3A_765, %scan3A_297 : i32
        %get3A_767 = arith.index_cast %add3A_766 : i32 to index
        %get3A_768 = arith.constant 96 : index
        %get3A_769 = tpu.vector_load %arg8[%get3A_767, %get3A_768] {strides = array<i32>} : memref<384x128xf32, #tpu.memory_space<vmem>>, vector<1x16xf32>,
        %get3A_770 = vector.shape_cast %get3A_769 : vector<1x16xf32> to vector<16xf32>
        %add3A_771 = arith.addf %add3A_764, %get3A_770 : vector<16xf32>
        %add3A_772 = arith.constant 128 : i32
        %add3A_773 = arith.addi %add3A_772, %scan3A_297 : i32
        %get3A_774 = arith.index_cast %add3A_773 : i32 to index
        %get3A_775 = arith.constant 96 : index
        %get3A_776 = tpu.vector_load %arg8[%get3A_774, %get3A_775] {strides = array<i32>} : memref<384x128xf32, #tpu.memory_space<vmem>>, vector<1x16xf32>,
        %get3A_777 = vector.shape_cast %get3A_776 : vector<1x16xf32> to vector<16xf32>
        %add3A_778 = arith.addf %add3A_771, %get3A_777 : vector<16xf32>
        %add3A_779 = arith.constant 160 : i32
        %add3A_780 = arith.addi %add3A_779, %scan3A_297 : i32
        %get3A_781 = arith.index_cast %add3A_780 : i32 to index
        %get3A_782 = arith.constant 96 : index
        %get3A_783 = tpu.vector_load %arg8[%get3A_781, %get3A_782] {strides = array<i32>} : memref<384x128xf32, #tpu.memory_space<vmem>>, vector<1x16xf32>,
        %get3A_784 = vector.shape_cast %get3A_783 : vector<1x16xf32> to vector<16xf32>
        %add3A_785 = arith.addf %add3A_778, %get3A_784 : vector<16xf32>
        %add3A_786 = arith.constant 192 : i32
        %add3A_787 = arith.addi %add3A_786, %scan3A_297 : i32
        %get3A_788 = arith.index_cast %add3A_787 : i32 to index
        %get3A_789 = arith.constant 96 : index
        %get3A_790 = tpu.vector_load %arg8[%get3A_788, %get3A_789] {strides = array<i32>} : memref<384x128xf32, #tpu.memory_space<vmem>>, vector<1x16xf32>,
        %get3A_791 = vector.shape_cast %get3A_790 : vector<1x16xf32> to vector<16xf32>
        %add3A_792 = arith.addf %add3A_785, %get3A_791 : vector<16xf32>
        %add3A_793 = arith.constant 224 : i32
        %add3A_794 = arith.addi %add3A_793, %scan3A_297 : i32
        %get3A_795 = arith.index_cast %add3A_794 : i32 to index
        %get3A_796 = arith.constant 96 : index
        %get3A_797 = tpu.vector_load %arg8[%get3A_795, %get3A_796] {strides = array<i32>} : memref<384x128xf32, #tpu.memory_space<vmem>>, vector<1x16xf32>,
        %get3A_798 = vector.shape_cast %get3A_797 : vector<1x16xf32> to vector<16xf32>
        %add3A_799 = arith.addf %add3A_792, %get3A_798 : vector<16xf32>
        %add3A_800 = arith.constant 256 : i32
        %add3A_801 = arith.addi %add3A_800, %scan3A_297 : i32
        %get3A_802 = arith.index_cast %add3A_801 : i32 to index
        %get3A_803 = arith.constant 96 : index
        %get3A_804 = tpu.vector_load %arg8[%get3A_802, %get3A_803] {strides = array<i32>} : memref<384x128xf32, #tpu.memory_space<vmem>>, vector<1x16xf32>,
        %get3A_805 = vector.shape_cast %get3A_804 : vector<1x16xf32> to vector<16xf32>
        %add3A_806 = arith.addf %add3A_799, %get3A_805 : vector<16xf32>
        %add3A_807 = arith.constant 288 : i32
        %add3A_808 = arith.addi %add3A_807, %scan3A_297 : i32
        %get3A_809 = arith.index_cast %add3A_808 : i32 to index
        %get3A_810 = arith.constant 96 : index
        %get3A_811 = tpu.vector_load %arg8[%get3A_809, %get3A_810] {strides = array<i32>} : memref<384x128xf32, #tpu.memory_space<vmem>>, vector<1x16xf32>,
        %get3A_812 = vector.shape_cast %get3A_811 : vector<1x16xf32> to vector<16xf32>
        %add3A_813 = arith.addf %add3A_806, %get3A_812 : vector<16xf32>
        %add3A_814 = arith.constant 320 : i32
        %add3A_815 = arith.addi %add3A_814, %scan3A_297 : i32
        %get3A_816 = arith.index_cast %add3A_815 : i32 to index
        %get3A_817 = arith.constant 96 : index
        %get3A_818 = tpu.vector_load %arg8[%get3A_816, %get3A_817] {strides = array<i32>} : memref<384x128xf32, #tpu.memory_space<vmem>>, vector<1x16xf32>,
        %get3A_819 = vector.shape_cast %get3A_818 : vector<1x16xf32> to vector<16xf32>
        %add3A_820 = arith.addf %add3A_813, %get3A_819 : vector<16xf32>
        %swap3A_821 = arith.constant 0 : i32
        %swap3A_822 = arith.index_cast %swap3A_821 : i32 to index
        %swap3A_823 = arith.index_cast %scan3A_297 : i32 to index
        %swap3A_824 = arith.constant 96 : index
        %swap3A_825 = tpu.vector_load %arg10[%swap3A_822, %swap3A_823, %swap3A_824] {strides = array<i32>} : memref<2x32x128xf32, #tpu.memory_space<vmem>>, vector<1x1x16xf32>,
        %swap3A_826 = vector.shape_cast %swap3A_825 : vector<1x1x16xf32> to vector<16xf32>
        %swap3A_827 = vector.shape_cast %add3A_820 : vector<16xf32> to vector<1x1x16xf32>
        tpu.vector_store %arg10[%swap3A_822, %swap3A_823, %swap3A_824], %swap3A_827 {strides = array<i32>} : memref<2x32x128xf32, #tpu.memory_space<vmem>>, vector<1x1x16xf32>,
        %add3A_828 = arith.constant 32 : i32
        %add3A_829 = arith.addi %add3A_828, %scan3A_297 : i32
        %get3A_830 = arith.index_cast %add3A_829 : i32 to index
        %get3A_831 = arith.constant 112 : index
        %get3A_832 = tpu.vector_load %arg8[%get3A_830, %get3A_831] {strides = array<i32>} : memref<384x128xf32, #tpu.memory_space<vmem>>, vector<1x16xf32>,
        %get3A_833 = vector.shape_cast %get3A_832 : vector<1x16xf32> to vector<16xf32>
        %add3A_834 = arith.constant 64 : i32
        %add3A_835 = arith.addi %add3A_834, %scan3A_297 : i32
        %get3A_836 = arith.index_cast %add3A_835 : i32 to index
        %get3A_837 = arith.constant 112 : index
        %get3A_838 = tpu.vector_load %arg8[%get3A_836, %get3A_837] {strides = array<i32>} : memref<384x128xf32, #tpu.memory_space<vmem>>, vector<1x16xf32>,
        %get3A_839 = vector.shape_cast %get3A_838 : vector<1x16xf32> to vector<16xf32>
        %add3A_840 = arith.addf %get3A_833, %get3A_839 : vector<16xf32>
        %add3A_841 = arith.constant 96 : i32
        %add3A_842 = arith.addi %add3A_841, %scan3A_297 : i32
        %get3A_843 = arith.index_cast %add3A_842 : i32 to index
        %get3A_844 = arith.constant 112 : index
        %get3A_845 = tpu.vector_load %arg8[%get3A_843, %get3A_844] {strides = array<i32>} : memref<384x128xf32, #tpu.memory_space<vmem>>, vector<1x16xf32>,
        %get3A_846 = vector.shape_cast %get3A_845 : vector<1x16xf32> to vector<16xf32>
        %add3A_847 = arith.addf %add3A_840, %get3A_846 : vector<16xf32>
        %add3A_848 = arith.constant 128 : i32
        %add3A_849 = arith.addi %add3A_848, %scan3A_297 : i32
        %get3A_850 = arith.index_cast %add3A_849 : i32 to index
        %get3A_851 = arith.constant 112 : index
        %get3A_852 = tpu.vector_load %arg8[%get3A_850, %get3A_851] {strides = array<i32>} : memref<384x128xf32, #tpu.memory_space<vmem>>, vector<1x16xf32>,
        %get3A_853 = vector.shape_cast %get3A_852 : vector<1x16xf32> to vector<16xf32>
        %add3A_854 = arith.addf %add3A_847, %get3A_853 : vector<16xf32>
        %add3A_855 = arith.constant 160 : i32
        %add3A_856 = arith.addi %add3A_855, %scan3A_297 : i32
        %get3A_857 = arith.index_cast %add3A_856 : i32 to index
        %get3A_858 = arith.constant 112 : index
        %get3A_859 = tpu.vector_load %arg8[%get3A_857, %get3A_858] {strides = array<i32>} : memref<384x128xf32, #tpu.memory_space<vmem>>, vector<1x16xf32>,
        %get3A_860 = vector.shape_cast %get3A_859 : vector<1x16xf32> to vector<16xf32>
        %add3A_861 = arith.addf %add3A_854, %get3A_860 : vector<16xf32>
        %add3A_862 = arith.constant 192 : i32
        %add3A_863 = arith.addi %add3A_862, %scan3A_297 : i32
        %get3A_864 = arith.index_cast %add3A_863 : i32 to index
        %get3A_865 = arith.constant 112 : index
        %get3A_866 = tpu.vector_load %arg8[%get3A_864, %get3A_865] {strides = array<i32>} : memref<384x128xf32, #tpu.memory_space<vmem>>, vector<1x16xf32>,
        %get3A_867 = vector.shape_cast %get3A_866 : vector<1x16xf32> to vector<16xf32>
        %add3A_868 = arith.addf %add3A_861, %get3A_867 : vector<16xf32>
        %add3A_869 = arith.constant 224 : i32
        %add3A_870 = arith.addi %add3A_869, %scan3A_297 : i32
        %get3A_871 = arith.index_cast %add3A_870 : i32 to index
        %get3A_872 = arith.constant 112 : index
        %get3A_873 = tpu.vector_load %arg8[%get3A_871, %get3A_872] {strides = array<i32>} : memref<384x128xf32, #tpu.memory_space<vmem>>, vector<1x16xf32>,
        %get3A_874 = vector.shape_cast %get3A_873 : vector<1x16xf32> to vector<16xf32>
        %add3A_875 = arith.addf %add3A_868, %get3A_874 : vector<16xf32>
        %add3A_876 = arith.constant 256 : i32
        %add3A_877 = arith.addi %add3A_876, %scan3A_297 : i32
        %get3A_878 = arith.index_cast %add3A_877 : i32 to index
        %get3A_879 = arith.constant 112 : index
        %get3A_880 = tpu.vector_load %arg8[%get3A_878, %get3A_879] {strides = array<i32>} : memref<384x128xf32, #tpu.memory_space<vmem>>, vector<1x16xf32>,
        %get3A_881 = vector.shape_cast %get3A_880 : vector<1x16xf32> to vector<16xf32>
        %add3A_882 = arith.addf %add3A_875, %get3A_881 : vector<16xf32>
        %add3A_883 = arith.constant 288 : i32
        %add3A_884 = arith.addi %add3A_883, %scan3A_297 : i32
        %get3A_885 = arith.index_cast %add3A_884 : i32 to index
        %get3A_886 = arith.constant 112 : index
        %get3A_887 = tpu.vector_load %arg8[%get3A_885, %get3A_886] {strides = array<i32>} : memref<384x128xf32, #tpu.memory_space<vmem>>, vector<1x16xf32>,
        %get3A_888 = vector.shape_cast %get3A_887 : vector<1x16xf32> to vector<16xf32>
        %add3A_889 = arith.addf %add3A_882, %get3A_888 : vector<16xf32>
        %add3A_890 = arith.constant 320 : i32
        %add3A_891 = arith.addi %add3A_890, %scan3A_297 : i32
        %get3A_892 = arith.index_cast %add3A_891 : i32 to index
        %get3A_893 = arith.constant 112 : index
        %get3A_894 = tpu.vector_load %arg8[%get3A_892, %get3A_893] {strides = array<i32>} : memref<384x128xf32, #tpu.memory_space<vmem>>, vector<1x16xf32>,
        %get3A_895 = vector.shape_cast %get3A_894 : vector<1x16xf32> to vector<16xf32>
        %add3A_896 = arith.addf %add3A_889, %get3A_895 : vector<16xf32>
        %swap3A_897 = arith.constant 0 : i32
        %swap3A_898 = arith.index_cast %swap3A_897 : i32 to index
        %swap3A_899 = arith.index_cast %scan3A_297 : i32 to index
        %swap3A_900 = arith.constant 112 : index
        %swap3A_901 = tpu.vector_load %arg10[%swap3A_898, %swap3A_899, %swap3A_900] {strides = array<i32>} : memref<2x32x128xf32, #tpu.memory_space<vmem>>, vector<1x1x16xf32>,
        %swap3A_902 = vector.shape_cast %swap3A_901 : vector<1x1x16xf32> to vector<16xf32>
        %swap3A_903 = vector.shape_cast %add3A_896 : vector<16xf32> to vector<1x1x16xf32>
        tpu.vector_store %arg10[%swap3A_898, %swap3A_899, %swap3A_900], %swap3A_903 {strides = array<i32>} : memref<2x32x128xf32, #tpu.memory_space<vmem>>, vector<1x1x16xf32>,
      }
      %scan3A_157 = arith.constant 32 : i32
      %dma_wait3A_158 = arith.constant 0 : i32
      %dma_wait3A_159 = arith.constant 0 : i32
      %dma_wait3A_160 = tpu.memref_slice %arg8[%dma_wait3A_158, %dma_wait3A_159] : memref<384x128xf32, #tpu.memory_space<vmem>> -> memref<32x128xf32, #tpu.memory_space<vmem>>
      %dma_wait3A_161 = arith.constant 0 : i32
      %dma_wait3A_162 = arith.constant 0 : i32
      %dma_wait3A_163 = tpu.memref_slice %arg3[%dma_wait3A_161, %dma_wait3A_162] : memref<100000x128xf32, #tpu.memory_space<hbm>> -> memref<32x128xf32, #tpu.memory_space<hbm>>
      %dma_wait3A_164 = arith.constant 0 : i32
      %dma_wait3A_165 = arith.constant 0 : i32
      %dma_wait3A_166 = tpu.memref_slice %arg8[%dma_wait3A_164, %dma_wait3A_165] : memref<384x128xf32, #tpu.memory_space<vmem>> -> memref<32x128xf32, #tpu.memory_space<vmem>>
      %dma_wait3A_167 = arith.constant 0 : i32
      %dma_wait3A_168 = arith.constant 0 : i32
      %dma_wait3A_169 = tpu.memref_slice %arg3[%dma_wait3A_167, %dma_wait3A_168] : memref<100000x128xf32, #tpu.memory_space<hbm>> -> memref<32x128xf32, #tpu.memory_space<hbm>>
      tpu.wait_dma2 semaphore(%arg13 : memref<!tpu.dma_semaphore, #tpu.memory_space<semaphore_mem>>) src(%dma_wait3A_169 : memref<32x128xf32, #tpu.memory_space<hbm>>) dst(%dma_wait3A_166 : memref<32x128xf32, #tpu.memory_space<vmem>>)
      %dma_start3A_170 = arith.constant 0 : i32
      %dma_start3A_171 = arith.constant 0 : i32
      %dma_start3A_172 = arith.constant 0 : i32
      %dma_start3A_173 = tpu.memref_slice %arg10[%dma_start3A_170, %dma_start3A_171, %dma_start3A_172] : memref<2x32x128xf32, #tpu.memory_space<vmem>> -> memref<1x32x128xf32, #tpu.memory_space<vmem>>
      %dma_start3A_174 = tpu.memref_squeeze %dma_start3A_173 : memref<1x32x128xf32, #tpu.memory_space<vmem>> -> memref<32x128xf32, #tpu.memory_space<vmem>>
      %dma_start3A_175 = arith.constant 0 : i32
      %dma_start3A_176 = tpu.memref_slice %arg5[%add3A_97, %dma_start3A_175] : memref<51200x128xf32, #tpu.memory_space<hbm>> -> memref<32x128xf32, #tpu.memory_space<hbm>>
      %dma_start3A_177 = arith.constant 0 : i32
      %dma_start3A_178 = tpu.memref_slice %arg5[%add3A_97, %dma_start3A_177] : memref<51200x128xf32, #tpu.memory_space<hbm>> -> memref<32x128xf32, #tpu.memory_space<hbm>>
      %dma_start3A_179 = arith.constant 0 : i32
      %dma_start3A_180 = arith.constant 0 : i32
      %dma_start3A_181 = tpu.memref_slice %arg10[%dma_start3A_170, %dma_start3A_179, %dma_start3A_180] : memref<2x32x128xf32, #tpu.memory_space<vmem>> -> memref<1x32x128xf32, #tpu.memory_space<vmem>>
      %dma_start3A_182 = tpu.memref_squeeze %dma_start3A_181 : memref<1x32x128xf32, #tpu.memory_space<vmem>> -> memref<32x128xf32, #tpu.memory_space<vmem>>
      tpu.enqueue_dma source(%dma_start3A_182 : memref<32x128xf32, #tpu.memory_space<vmem>>) target(%dma_start3A_178 : memref<32x128xf32, #tpu.memory_space<hbm>>) target_semaphore(%arg13 : memref<!tpu.dma_semaphore, #tpu.memory_space<semaphore_mem>>)
      %add3A_183 = arith.constant 2 : i32
      %add3A_184 = arith.addi %mul3A_91, %add3A_183 : i32
      %lt3A_185 = arith.constant 50 : i32
      %lt3A_186 = arith.cmpi slt, %add3A_184, %lt3A_185 : i32
      %convert_element_type3A_187 = arith.extui %lt3A_186 : i1 to i32
      %cond3A_188 = arith.constant 0 : i32
      %cond3A_189 = arith.cmpi ne, %convert_element_type3A_187, %cond3A_188 : i32
      scf.if %cond3A_189 {
        %dma_wait3A_297 = arith.constant 0 : i32
        %dma_wait3A_298 = arith.constant 0 : i32
        %dma_wait3A_299 = arith.constant 0 : i32
        %dma_wait3A_300 = tpu.memref_slice %arg2[%add3A, %dma_wait3A_297, %dma_wait3A_298, %dma_wait3A_299] : memref<32x50x3x128xi32, #tpu.memory_space<hbm>> -> memref<1x1x3x128xi32, #tpu.memory_space<hbm>>
        %dma_wait3A_301 = tpu.memref_squeeze %dma_wait3A_300 : memref<1x1x3x128xi32, #tpu.memory_space<hbm>> -> memref<3x128xi32, #tpu.memory_space<hbm>>
        %dma_wait3A_302 = arith.constant 0 : i32
        %dma_wait3A_303 = arith.constant 0 : i32
        %dma_wait3A_304 = tpu.memref_slice %arg2[%add3A, %dma_wait3A_297, %dma_wait3A_302, %dma_wait3A_303] : memref<32x50x3x128xi32, #tpu.memory_space<hbm>> -> memref<1x1x3x128xi32, #tpu.memory_space<hbm>>
        %dma_wait3A_305 = tpu.memref_squeeze %dma_wait3A_304 : memref<1x1x3x128xi32, #tpu.memory_space<hbm>> -> memref<3x128xi32, #tpu.memory_space<hbm>>
        tpu.wait_dma2 semaphore(%arg15 : memref<!tpu.dma_semaphore, #tpu.memory_space<semaphore_mem>>) src(%dma_wait3A_305 : memref<3x128xi32, #tpu.memory_space<hbm>>) dst(%arg6 : memref<3x128xi32, #tpu.memory_space<vmem>>)
        %dma_start3A_306 = arith.constant 0 : i32
        %dma_start3A_307 = arith.constant 0 : i32
        %dma_start3A_308 = arith.constant 0 : i32
        %dma_start3A_309 = tpu.memref_slice %arg8[%dma_start3A_307, %dma_start3A_308] : memref<384x128xf32, #tpu.memory_space<vmem>> -> memref<128x128xf32, #tpu.memory_space<vmem>>
        %dma_start3A_310 = arith.constant 0 : i32
        %dma_start3A_311 = tpu.memref_slice %arg6[%dma_start3A_306, %dma_start3A_310] : memref<3x128xi32, #tpu.memory_space<vmem>> -> memref<1x128xi32, #tpu.memory_space<vmem>>
        %dma_start3A_312 = tpu.memref_squeeze %dma_start3A_311 : memref<1x128xi32, #tpu.memory_space<vmem>> -> memref<128xi32, #tpu.memory_space<vmem>>
        %dma_start3A_313 = arith.constant 0 : i32
        %dma_start3A_314 = arith.constant 0 : i32
        %dma_start3A_315 = tpu.memref_slice %arg3[%dma_start3A_313, %dma_start3A_314] : memref<100000x128xf32, #tpu.memory_space<hbm>> -> memref<100000x128xf32, #tpu.memory_space<hbm>>
        tpu.enqueue_indirect_dma source(%dma_start3A_315 : memref<100000x128xf32, #tpu.memory_space<hbm>>) target(%dma_start3A_309 : memref<128x128xf32, #tpu.memory_space<vmem>>) offsets(%dma_start3A_312 : memref<128xi32, #tpu.memory_space<vmem>>) semaphore(%arg11 : memref<!tpu.dma_semaphore, #tpu.memory_space<semaphore_mem>>)
        %dma_start3A_316 = arith.constant 1 : i32
        %dma_start3A_317 = arith.constant 128 : i32
        %dma_start3A_318 = arith.constant 0 : i32
        %dma_start3A_319 = tpu.memref_slice %arg8[%dma_start3A_317, %dma_start3A_318] : memref<384x128xf32, #tpu.memory_space<vmem>> -> memref<128x128xf32, #tpu.memory_space<vmem>>
        %dma_start3A_320 = arith.constant 0 : i32
        %dma_start3A_321 = tpu.memref_slice %arg6[%dma_start3A_316, %dma_start3A_320] : memref<3x128xi32, #tpu.memory_space<vmem>> -> memref<1x128xi32, #tpu.memory_space<vmem>>
        %dma_start3A_322 = tpu.memref_squeeze %dma_start3A_321 : memref<1x128xi32, #tpu.memory_space<vmem>> -> memref<128xi32, #tpu.memory_space<vmem>>
        %dma_start3A_323 = arith.constant 0 : i32
        %dma_start3A_324 = arith.constant 0 : i32
        %dma_start3A_325 = tpu.memref_slice %arg3[%dma_start3A_323, %dma_start3A_324] : memref<100000x128xf32, #tpu.memory_space<hbm>> -> memref<100000x128xf32, #tpu.memory_space<hbm>>
        tpu.enqueue_indirect_dma source(%dma_start3A_325 : memref<100000x128xf32, #tpu.memory_space<hbm>>) target(%dma_start3A_319 : memref<128x128xf32, #tpu.memory_space<vmem>>) offsets(%dma_start3A_322 : memref<128xi32, #tpu.memory_space<vmem>>) semaphore(%arg11 : memref<!tpu.dma_semaphore, #tpu.memory_space<semaphore_mem>>)
        %dma_start3A_326 = arith.constant 2 : i32
        %dma_start3A_327 = arith.constant 256 : i32
        %dma_start3A_328 = arith.constant 0 : i32
        %dma_start3A_329 = tpu.memref_slice %arg8[%dma_start3A_327, %dma_start3A_328] : memref<384x128xf32, #tpu.memory_space<vmem>> -> memref<128x128xf32, #tpu.memory_space<vmem>>
        %dma_start3A_330 = arith.constant 0 : i32
        %dma_start3A_331 = tpu.memref_slice %arg6[%dma_start3A_326, %dma_start3A_330] : memref<3x128xi32, #tpu.memory_space<vmem>> -> memref<1x128xi32, #tpu.memory_space<vmem>>
        %dma_start3A_332 = tpu.memref_squeeze %dma_start3A_331 : memref<1x128xi32, #tpu.memory_space<vmem>> -> memref<128xi32, #tpu.memory_space<vmem>>
        %dma_start3A_333 = arith.constant 0 : i32
        %dma_start3A_334 = arith.constant 0 : i32
        %dma_start3A_335 = tpu.memref_slice %arg3[%dma_start3A_333, %dma_start3A_334] : memref<100000x128xf32, #tpu.memory_space<hbm>> -> memref<100000x128xf32, #tpu.memory_space<hbm>>
        tpu.enqueue_indirect_dma source(%dma_start3A_335 : memref<100000x128xf32, #tpu.memory_space<hbm>>) target(%dma_start3A_329 : memref<128x128xf32, #tpu.memory_space<vmem>>) offsets(%dma_start3A_332 : memref<128xi32, #tpu.memory_space<vmem>>) semaphore(%arg11 : memref<!tpu.dma_semaphore, #tpu.memory_space<semaphore_mem>>)
      } else {
      }
      %mul3A_190 = arith.constant 2 : i32
      %mul3A_191 = arith.muli %mul3A_190, %scan3A_89 : i32
      %add3A_192 = arith.constant 1 : i32
      %add3A_193 = arith.addi %mul3A_191, %add3A_192 : i32
      %eq3A_194 = arith.constant 0 : i32
      %eq3A_195 = arith.cmpi eq, %scan3A_89, %eq3A_194 : i32
      %mul3A_196 = arith.constant 1600 : i32
      %mul3A_197 = arith.muli %add3A, %mul3A_196 : i32
      %mul3A_198 = arith.constant 32 : i32
      %mul3A_199 = arith.muli %add3A_193, %mul3A_198 : i32
      %add3A_200 = arith.addi %mul3A_197, %mul3A_199 : i32
      %dma_wait3A_201 = arith.constant 0 : i32
      %dma_wait3A_202 = arith.constant 0 : i32
      %dma_wait3A_203 = tpu.memref_slice %arg9[%dma_wait3A_201, %dma_wait3A_202] : memref<384x128xf32, #tpu.memory_space<vmem>> -> memref<128x128xf32, #tpu.memory_space<vmem>>
      %dma_wait3A_204 = arith.constant 0 : i32
      %dma_wait3A_205 = arith.constant 0 : i32
      %dma_wait3A_206 = tpu.memref_slice %arg3[%dma_wait3A_204, %dma_wait3A_205] : memref<100000x128xf32, #tpu.memory_space<hbm>> -> memref<128x128xf32, #tpu.memory_space<hbm>>
      %dma_wait3A_207 = arith.constant 0 : i32
      %dma_wait3A_208 = arith.constant 0 : i32
      %dma_wait3A_209 = tpu.memref_slice %arg9[%dma_wait3A_207, %dma_wait3A_208] : memref<384x128xf32, #tpu.memory_space<vmem>> -> memref<128x128xf32, #tpu.memory_space<vmem>>
      %dma_wait3A_210 = arith.constant 0 : i32
      %dma_wait3A_211 = arith.constant 0 : i32
      %dma_wait3A_212 = tpu.memref_slice %arg3[%dma_wait3A_210, %dma_wait3A_211] : memref<100000x128xf32, #tpu.memory_space<hbm>> -> memref<128x128xf32, #tpu.memory_space<hbm>>
      tpu.wait_dma2 semaphore(%arg12 : memref<!tpu.dma_semaphore, #tpu.memory_space<semaphore_mem>>) src(%dma_wait3A_212 : memref<128x128xf32, #tpu.memory_space<hbm>>) dst(%dma_wait3A_209 : memref<128x128xf32, #tpu.memory_space<vmem>>)
      %dma_wait3A_213 = arith.constant 128 : i32
      %dma_wait3A_214 = arith.constant 0 : i32
      %dma_wait3A_215 = tpu.memref_slice %arg9[%dma_wait3A_213, %dma_wait3A_214] : memref<384x128xf32, #tpu.memory_space<vmem>> -> memref<128x128xf32, #tpu.memory_space<vmem>>
      %dma_wait3A_216 = arith.constant 0 : i32
      %dma_wait3A_217 = arith.constant 0 : i32
      %dma_wait3A_218 = tpu.memref_slice %arg3[%dma_wait3A_216, %dma_wait3A_217] : memref<100000x128xf32, #tpu.memory_space<hbm>> -> memref<128x128xf32, #tpu.memory_space<hbm>>
      %dma_wait3A_219 = arith.constant 128 : i32
      %dma_wait3A_220 = arith.constant 0 : i32
      %dma_wait3A_221 = tpu.memref_slice %arg9[%dma_wait3A_219, %dma_wait3A_220] : memref<384x128xf32, #tpu.memory_space<vmem>> -> memref<128x128xf32, #tpu.memory_space<vmem>>
      %dma_wait3A_222 = arith.constant 0 : i32
      %dma_wait3A_223 = arith.constant 0 : i32
      %dma_wait3A_224 = tpu.memref_slice %arg3[%dma_wait3A_222, %dma_wait3A_223] : memref<100000x128xf32, #tpu.memory_space<hbm>> -> memref<128x128xf32, #tpu.memory_space<hbm>>
      tpu.wait_dma2 semaphore(%arg12 : memref<!tpu.dma_semaphore, #tpu.memory_space<semaphore_mem>>) src(%dma_wait3A_224 : memref<128x128xf32, #tpu.memory_space<hbm>>) dst(%dma_wait3A_221 : memref<128x128xf32, #tpu.memory_space<vmem>>)
      %dma_wait3A_225 = arith.constant 256 : i32
      %dma_wait3A_226 = arith.constant 0 : i32
      %dma_wait3A_227 = tpu.memref_slice %arg9[%dma_wait3A_225, %dma_wait3A_226] : memref<384x128xf32, #tpu.memory_space<vmem>> -> memref<128x128xf32, #tpu.memory_space<vmem>>
      %dma_wait3A_228 = arith.constant 0 : i32
      %dma_wait3A_229 = arith.constant 0 : i32
      %dma_wait3A_230 = tpu.memref_slice %arg3[%dma_wait3A_228, %dma_wait3A_229] : memref<100000x128xf32, #tpu.memory_space<hbm>> -> memref<128x128xf32, #tpu.memory_space<hbm>>
      %dma_wait3A_231 = arith.constant 256 : i32
      %dma_wait3A_232 = arith.constant 0 : i32
      %dma_wait3A_233 = tpu.memref_slice %arg9[%dma_wait3A_231, %dma_wait3A_232] : memref<384x128xf32, #tpu.memory_space<vmem>> -> memref<128x128xf32, #tpu.memory_space<vmem>>
      %dma_wait3A_234 = arith.constant 0 : i32
      %dma_wait3A_235 = arith.constant 0 : i32
      %dma_wait3A_236 = tpu.memref_slice %arg3[%dma_wait3A_234, %dma_wait3A_235] : memref<100000x128xf32, #tpu.memory_space<hbm>> -> memref<128x128xf32, #tpu.memory_space<hbm>>
      tpu.wait_dma2 semaphore(%arg12 : memref<!tpu.dma_semaphore, #tpu.memory_space<semaphore_mem>>) src(%dma_wait3A_236 : memref<128x128xf32, #tpu.memory_space<hbm>>) dst(%dma_wait3A_233 : memref<128x128xf32, #tpu.memory_space<vmem>>)
      %add3A_237 = arith.constant 2 : i32
      %add3A_238 = arith.addi %add3A_193, %add3A_237 : i32
      %lt3A_239 = arith.constant 50 : i32
      %lt3A_240 = arith.cmpi slt, %add3A_238, %lt3A_239 : i32
      %convert_element_type3A_241 = arith.extui %lt3A_240 : i1 to i32
      %cond3A_242 = arith.constant 0 : i32
      %cond3A_243 = arith.cmpi ne, %convert_element_type3A_241, %cond3A_242 : i32
      scf.if %cond3A_243 {
        %add3A_297 = arith.constant 2 : i32
        %add3A_298 = arith.addi %add3A_193, %add3A_297 : i32
        %dma_start3A_299 = arith.constant 0 : i32
        %dma_start3A_300 = arith.constant 0 : i32
        %dma_start3A_301 = tpu.memref_slice %arg2[%add3A, %add3A_298, %dma_start3A_299, %dma_start3A_300] : memref<32x50x3x128xi32, #tpu.memory_space<hbm>> -> memref<1x1x3x128xi32, #tpu.memory_space<hbm>>
        %dma_start3A_302 = tpu.memref_squeeze %dma_start3A_301 : memref<1x1x3x128xi32, #tpu.memory_space<hbm>> -> memref<3x128xi32, #tpu.memory_space<hbm>>
        %dma_start3A_303 = arith.constant 0 : i32
        %dma_start3A_304 = arith.constant 0 : i32
        %dma_start3A_305 = tpu.memref_slice %arg2[%add3A, %add3A_298, %dma_start3A_303, %dma_start3A_304] : memref<32x50x3x128xi32, #tpu.memory_space<hbm>> -> memref<1x1x3x128xi32, #tpu.memory_space<hbm>>
        %dma_start3A_306 = tpu.memref_squeeze %dma_start3A_305 : memref<1x1x3x128xi32, #tpu.memory_space<hbm>> -> memref<3x128xi32, #tpu.memory_space<hbm>>
        tpu.enqueue_dma source(%dma_start3A_306 : memref<3x128xi32, #tpu.memory_space<hbm>>) target(%arg7 : memref<3x128xi32, #tpu.memory_space<vmem>>) target_semaphore(%arg16 : memref<!tpu.dma_semaphore, #tpu.memory_space<semaphore_mem>>)
      } else {
      }
      %not3A_244 = arith.constant true
      %not3A_245 = arith.xori %eq3A_195, %not3A_244 : i1
      %convert_element_type3A_246 = arith.extui %not3A_245 : i1 to i32
      %cond3A_247 = arith.constant 0 : i32
      %cond3A_248 = arith.cmpi ne, %convert_element_type3A_246, %cond3A_247 : i32
      scf.if %cond3A_248 {
        %dma_wait3A_297 = arith.constant 0 : i32
        %dma_wait3A_298 = arith.constant 0 : i32
        %dma_wait3A_299 = tpu.memref_slice %arg9[%dma_wait3A_297, %dma_wait3A_298] : memref<384x128xf32, #tpu.memory_space<vmem>> -> memref<32x128xf32, #tpu.memory_space<vmem>>
        %dma_wait3A_300 = arith.constant 0 : i32
        %dma_wait3A_301 = arith.constant 0 : i32
        %dma_wait3A_302 = tpu.memref_slice %arg3[%dma_wait3A_300, %dma_wait3A_301] : memref<100000x128xf32, #tpu.memory_space<hbm>> -> memref<32x128xf32, #tpu.memory_space<hbm>>
        %dma_wait3A_303 = arith.constant 0 : i32
        %dma_wait3A_304 = arith.constant 0 : i32
        %dma_wait3A_305 = tpu.memref_slice %arg9[%dma_wait3A_303, %dma_wait3A_304] : memref<384x128xf32, #tpu.memory_space<vmem>> -> memref<32x128xf32, #tpu.memory_space<vmem>>
        %dma_wait3A_306 = arith.constant 0 : i32
        %dma_wait3A_307 = arith.constant 0 : i32
        %dma_wait3A_308 = tpu.memref_slice %arg3[%dma_wait3A_306, %dma_wait3A_307] : memref<100000x128xf32, #tpu.memory_space<hbm>> -> memref<32x128xf32, #tpu.memory_space<hbm>>
        tpu.wait_dma2 semaphore(%arg14 : memref<!tpu.dma_semaphore, #tpu.memory_space<semaphore_mem>>) src(%dma_wait3A_308 : memref<32x128xf32, #tpu.memory_space<hbm>>) dst(%dma_wait3A_305 : memref<32x128xf32, #tpu.memory_space<vmem>>)
      } else {
      }
      %dma_start3A_249 = arith.constant 0 : i32
      %dma_start3A_250 = arith.constant 0 : i32
      %dma_start3A_251 = tpu.memref_slice %arg9[%dma_start3A_249, %dma_start3A_250] : memref<384x128xf32, #tpu.memory_space<vmem>> -> memref<32x128xf32, #tpu.memory_space<vmem>>
      %dma_start3A_252 = arith.constant 0 : i32
      %dma_start3A_253 = tpu.memref_slice %arg4[%add3A_200, %dma_start3A_252] : memref<51200x128xf32, #tpu.memory_space<hbm>> -> memref<32x128xf32, #tpu.memory_space<hbm>>
      %dma_start3A_254 = arith.constant 0 : i32
      %dma_start3A_255 = tpu.memref_slice %arg4[%add3A_200, %dma_start3A_254] : memref<51200x128xf32, #tpu.memory_space<hbm>> -> memref<32x128xf32, #tpu.memory_space<hbm>>
      %dma_start3A_256 = arith.constant 0 : i32
      %dma_start3A_257 = arith.constant 0 : i32
      %dma_start3A_258 = tpu.memref_slice %arg9[%dma_start3A_256, %dma_start3A_257] : memref<384x128xf32, #tpu.memory_space<vmem>> -> memref<32x128xf32, #tpu.memory_space<vmem>>
      tpu.enqueue_dma source(%dma_start3A_258 : memref<32x128xf32, #tpu.memory_space<vmem>>) target(%dma_start3A_255 : memref<32x128xf32, #tpu.memory_space<hbm>>) target_semaphore(%arg14 : memref<!tpu.dma_semaphore, #tpu.memory_space<semaphore_mem>>)
      %scan3A_259 = arith.constant 0 : i32
      %scan3A_260 = arith.constant 0 : i32
      %scan3A_261 = arith.constant 32 : i32
      %scan3A_262 = arith.addi %scan3A_260, %scan3A_261 : i32
      %scan3A_263 = arith.constant 1 : i32
      scf.for %scan3A_297 = %scan3A_260 to %scan3A_262 step %scan3A_263  : i32 {
        %add3A_298 = arith.constant 32 : i32
        %add3A_299 = arith.addi %add3A_298, %scan3A_297 : i32
        %get3A = arith.index_cast %add3A_299 : i32 to index
        %get3A_300 = arith.constant 0 : index
        %get3A_301 = tpu.vector_load %arg9[%get3A, %get3A_300] {strides = array<i32>} : memref<384x128xf32, #tpu.memory_space<vmem>>, vector<1x16xf32>,
        %get3A_302 = vector.shape_cast %get3A_301 : vector<1x16xf32> to vector<16xf32>
        %add3A_303 = arith.constant 64 : i32
        %add3A_304 = arith.addi %add3A_303, %scan3A_297 : i32
        %get3A_305 = arith.index_cast %add3A_304 : i32 to index
        %get3A_306 = arith.constant 0 : index
        %get3A_307 = tpu.vector_load %arg9[%get3A_305, %get3A_306] {strides = array<i32>} : memref<384x128xf32, #tpu.memory_space<vmem>>, vector<1x16xf32>,
        %get3A_308 = vector.shape_cast %get3A_307 : vector<1x16xf32> to vector<16xf32>
        %add3A_309 = arith.addf %get3A_302, %get3A_308 : vector<16xf32>
        %add3A_310 = arith.constant 96 : i32
        %add3A_311 = arith.addi %add3A_310, %scan3A_297 : i32
        %get3A_312 = arith.index_cast %add3A_311 : i32 to index
        %get3A_313 = arith.constant 0 : index
        %get3A_314 = tpu.vector_load %arg9[%get3A_312, %get3A_313] {strides = array<i32>} : memref<384x128xf32, #tpu.memory_space<vmem>>, vector<1x16xf32>,
        %get3A_315 = vector.shape_cast %get3A_314 : vector<1x16xf32> to vector<16xf32>
        %add3A_316 = arith.addf %add3A_309, %get3A_315 : vector<16xf32>
        %add3A_317 = arith.constant 128 : i32
        %add3A_318 = arith.addi %add3A_317, %scan3A_297 : i32
        %get3A_319 = arith.index_cast %add3A_318 : i32 to index
        %get3A_320 = arith.constant 0 : index
        %get3A_321 = tpu.vector_load %arg9[%get3A_319, %get3A_320] {strides = array<i32>} : memref<384x128xf32, #tpu.memory_space<vmem>>, vector<1x16xf32>,
        %get3A_322 = vector.shape_cast %get3A_321 : vector<1x16xf32> to vector<16xf32>
        %add3A_323 = arith.addf %add3A_316, %get3A_322 : vector<16xf32>
        %add3A_324 = arith.constant 160 : i32
        %add3A_325 = arith.addi %add3A_324, %scan3A_297 : i32
        %get3A_326 = arith.index_cast %add3A_325 : i32 to index
        %get3A_327 = arith.constant 0 : index
        %get3A_328 = tpu.vector_load %arg9[%get3A_326, %get3A_327] {strides = array<i32>} : memref<384x128xf32, #tpu.memory_space<vmem>>, vector<1x16xf32>,
        %get3A_329 = vector.shape_cast %get3A_328 : vector<1x16xf32> to vector<16xf32>
        %add3A_330 = arith.addf %add3A_323, %get3A_329 : vector<16xf32>
        %add3A_331 = arith.constant 192 : i32
        %add3A_332 = arith.addi %add3A_331, %scan3A_297 : i32
        %get3A_333 = arith.index_cast %add3A_332 : i32 to index
        %get3A_334 = arith.constant 0 : index
        %get3A_335 = tpu.vector_load %arg9[%get3A_333, %get3A_334] {strides = array<i32>} : memref<384x128xf32, #tpu.memory_space<vmem>>, vector<1x16xf32>,
        %get3A_336 = vector.shape_cast %get3A_335 : vector<1x16xf32> to vector<16xf32>
        %add3A_337 = arith.addf %add3A_330, %get3A_336 : vector<16xf32>
        %add3A_338 = arith.constant 224 : i32
        %add3A_339 = arith.addi %add3A_338, %scan3A_297 : i32
        %get3A_340 = arith.index_cast %add3A_339 : i32 to index
        %get3A_341 = arith.constant 0 : index
        %get3A_342 = tpu.vector_load %arg9[%get3A_340, %get3A_341] {strides = array<i32>} : memref<384x128xf32, #tpu.memory_space<vmem>>, vector<1x16xf32>,
        %get3A_343 = vector.shape_cast %get3A_342 : vector<1x16xf32> to vector<16xf32>
        %add3A_344 = arith.addf %add3A_337, %get3A_343 : vector<16xf32>
        %add3A_345 = arith.constant 256 : i32
        %add3A_346 = arith.addi %add3A_345, %scan3A_297 : i32
        %get3A_347 = arith.index_cast %add3A_346 : i32 to index
        %get3A_348 = arith.constant 0 : index
        %get3A_349 = tpu.vector_load %arg9[%get3A_347, %get3A_348] {strides = array<i32>} : memref<384x128xf32, #tpu.memory_space<vmem>>, vector<1x16xf32>,
        %get3A_350 = vector.shape_cast %get3A_349 : vector<1x16xf32> to vector<16xf32>
        %add3A_351 = arith.addf %add3A_344, %get3A_350 : vector<16xf32>
        %add3A_352 = arith.constant 288 : i32
        %add3A_353 = arith.addi %add3A_352, %scan3A_297 : i32
        %get3A_354 = arith.index_cast %add3A_353 : i32 to index
        %get3A_355 = arith.constant 0 : index
        %get3A_356 = tpu.vector_load %arg9[%get3A_354, %get3A_355] {strides = array<i32>} : memref<384x128xf32, #tpu.memory_space<vmem>>, vector<1x16xf32>,
        %get3A_357 = vector.shape_cast %get3A_356 : vector<1x16xf32> to vector<16xf32>
        %add3A_358 = arith.addf %add3A_351, %get3A_357 : vector<16xf32>
        %add3A_359 = arith.constant 320 : i32
        %add3A_360 = arith.addi %add3A_359, %scan3A_297 : i32
        %get3A_361 = arith.index_cast %add3A_360 : i32 to index
        %get3A_362 = arith.constant 0 : index
        %get3A_363 = tpu.vector_load %arg9[%get3A_361, %get3A_362] {strides = array<i32>} : memref<384x128xf32, #tpu.memory_space<vmem>>, vector<1x16xf32>,
        %get3A_364 = vector.shape_cast %get3A_363 : vector<1x16xf32> to vector<16xf32>
        %add3A_365 = arith.addf %add3A_358, %get3A_364 : vector<16xf32>
        %swap3A = arith.constant 1 : i32
        %swap3A_366 = arith.index_cast %swap3A : i32 to index
        %swap3A_367 = arith.index_cast %scan3A_297 : i32 to index
        %swap3A_368 = arith.constant 0 : index
        %swap3A_369 = tpu.vector_load %arg10[%swap3A_366, %swap3A_367, %swap3A_368] {strides = array<i32>} : memref<2x32x128xf32, #tpu.memory_space<vmem>>, vector<1x1x16xf32>,
        %swap3A_370 = vector.shape_cast %swap3A_369 : vector<1x1x16xf32> to vector<16xf32>
        %swap3A_371 = vector.shape_cast %add3A_365 : vector<16xf32> to vector<1x1x16xf32>
        tpu.vector_store %arg10[%swap3A_366, %swap3A_367, %swap3A_368], %swap3A_371 {strides = array<i32>} : memref<2x32x128xf32, #tpu.memory_space<vmem>>, vector<1x1x16xf32>,
        %add3A_372 = arith.constant 32 : i32
        %add3A_373 = arith.addi %add3A_372, %scan3A_297 : i32
        %get3A_374 = arith.index_cast %add3A_373 : i32 to index
        %get3A_375 = arith.constant 16 : index
        %get3A_376 = tpu.vector_load %arg9[%get3A_374, %get3A_375] {strides = array<i32>} : memref<384x128xf32, #tpu.memory_space<vmem>>, vector<1x16xf32>,
        %get3A_377 = vector.shape_cast %get3A_376 : vector<1x16xf32> to vector<16xf32>
        %add3A_378 = arith.constant 64 : i32
        %add3A_379 = arith.addi %add3A_378, %scan3A_297 : i32
        %get3A_380 = arith.index_cast %add3A_379 : i32 to index
        %get3A_381 = arith.constant 16 : index
        %get3A_382 = tpu.vector_load %arg9[%get3A_380, %get3A_381] {strides = array<i32>} : memref<384x128xf32, #tpu.memory_space<vmem>>, vector<1x16xf32>,
        %get3A_383 = vector.shape_cast %get3A_382 : vector<1x16xf32> to vector<16xf32>
        %add3A_384 = arith.addf %get3A_377, %get3A_383 : vector<16xf32>
        %add3A_385 = arith.constant 96 : i32
        %add3A_386 = arith.addi %add3A_385, %scan3A_297 : i32
        %get3A_387 = arith.index_cast %add3A_386 : i32 to index
        %get3A_388 = arith.constant 16 : index
        %get3A_389 = tpu.vector_load %arg9[%get3A_387, %get3A_388] {strides = array<i32>} : memref<384x128xf32, #tpu.memory_space<vmem>>, vector<1x16xf32>,
        %get3A_390 = vector.shape_cast %get3A_389 : vector<1x16xf32> to vector<16xf32>
        %add3A_391 = arith.addf %add3A_384, %get3A_390 : vector<16xf32>
        %add3A_392 = arith.constant 128 : i32
        %add3A_393 = arith.addi %add3A_392, %scan3A_297 : i32
        %get3A_394 = arith.index_cast %add3A_393 : i32 to index
        %get3A_395 = arith.constant 16 : index
        %get3A_396 = tpu.vector_load %arg9[%get3A_394, %get3A_395] {strides = array<i32>} : memref<384x128xf32, #tpu.memory_space<vmem>>, vector<1x16xf32>,
        %get3A_397 = vector.shape_cast %get3A_396 : vector<1x16xf32> to vector<16xf32>
        %add3A_398 = arith.addf %add3A_391, %get3A_397 : vector<16xf32>
        %add3A_399 = arith.constant 160 : i32
        %add3A_400 = arith.addi %add3A_399, %scan3A_297 : i32
        %get3A_401 = arith.index_cast %add3A_400 : i32 to index
        %get3A_402 = arith.constant 16 : index
        %get3A_403 = tpu.vector_load %arg9[%get3A_401, %get3A_402] {strides = array<i32>} : memref<384x128xf32, #tpu.memory_space<vmem>>, vector<1x16xf32>,
        %get3A_404 = vector.shape_cast %get3A_403 : vector<1x16xf32> to vector<16xf32>
        %add3A_405 = arith.addf %add3A_398, %get3A_404 : vector<16xf32>
        %add3A_406 = arith.constant 192 : i32
        %add3A_407 = arith.addi %add3A_406, %scan3A_297 : i32
        %get3A_408 = arith.index_cast %add3A_407 : i32 to index
        %get3A_409 = arith.constant 16 : index
        %get3A_410 = tpu.vector_load %arg9[%get3A_408, %get3A_409] {strides = array<i32>} : memref<384x128xf32, #tpu.memory_space<vmem>>, vector<1x16xf32>,
        %get3A_411 = vector.shape_cast %get3A_410 : vector<1x16xf32> to vector<16xf32>
        %add3A_412 = arith.addf %add3A_405, %get3A_411 : vector<16xf32>
        %add3A_413 = arith.constant 224 : i32
        %add3A_414 = arith.addi %add3A_413, %scan3A_297 : i32
        %get3A_415 = arith.index_cast %add3A_414 : i32 to index
        %get3A_416 = arith.constant 16 : index
        %get3A_417 = tpu.vector_load %arg9[%get3A_415, %get3A_416] {strides = array<i32>} : memref<384x128xf32, #tpu.memory_space<vmem>>, vector<1x16xf32>,
        %get3A_418 = vector.shape_cast %get3A_417 : vector<1x16xf32> to vector<16xf32>
        %add3A_419 = arith.addf %add3A_412, %get3A_418 : vector<16xf32>
        %add3A_420 = arith.constant 256 : i32
        %add3A_421 = arith.addi %add3A_420, %scan3A_297 : i32
        %get3A_422 = arith.index_cast %add3A_421 : i32 to index
        %get3A_423 = arith.constant 16 : index
        %get3A_424 = tpu.vector_load %arg9[%get3A_422, %get3A_423] {strides = array<i32>} : memref<384x128xf32, #tpu.memory_space<vmem>>, vector<1x16xf32>,
        %get3A_425 = vector.shape_cast %get3A_424 : vector<1x16xf32> to vector<16xf32>
        %add3A_426 = arith.addf %add3A_419, %get3A_425 : vector<16xf32>
        %add3A_427 = arith.constant 288 : i32
        %add3A_428 = arith.addi %add3A_427, %scan3A_297 : i32
        %get3A_429 = arith.index_cast %add3A_428 : i32 to index
        %get3A_430 = arith.constant 16 : index
        %get3A_431 = tpu.vector_load %arg9[%get3A_429, %get3A_430] {strides = array<i32>} : memref<384x128xf32, #tpu.memory_space<vmem>>, vector<1x16xf32>,
        %get3A_432 = vector.shape_cast %get3A_431 : vector<1x16xf32> to vector<16xf32>
        %add3A_433 = arith.addf %add3A_426, %get3A_432 : vector<16xf32>
        %add3A_434 = arith.constant 320 : i32
        %add3A_435 = arith.addi %add3A_434, %scan3A_297 : i32
        %get3A_436 = arith.index_cast %add3A_435 : i32 to index
        %get3A_437 = arith.constant 16 : index
        %get3A_438 = tpu.vector_load %arg9[%get3A_436, %get3A_437] {strides = array<i32>} : memref<384x128xf32, #tpu.memory_space<vmem>>, vector<1x16xf32>,
        %get3A_439 = vector.shape_cast %get3A_438 : vector<1x16xf32> to vector<16xf32>
        %add3A_440 = arith.addf %add3A_433, %get3A_439 : vector<16xf32>
        %swap3A_441 = arith.constant 1 : i32
        %swap3A_442 = arith.index_cast %swap3A_441 : i32 to index
        %swap3A_443 = arith.index_cast %scan3A_297 : i32 to index
        %swap3A_444 = arith.constant 16 : index
        %swap3A_445 = tpu.vector_load %arg10[%swap3A_442, %swap3A_443, %swap3A_444] {strides = array<i32>} : memref<2x32x128xf32, #tpu.memory_space<vmem>>, vector<1x1x16xf32>,
        %swap3A_446 = vector.shape_cast %swap3A_445 : vector<1x1x16xf32> to vector<16xf32>
        %swap3A_447 = vector.shape_cast %add3A_440 : vector<16xf32> to vector<1x1x16xf32>
        tpu.vector_store %arg10[%swap3A_442, %swap3A_443, %swap3A_444], %swap3A_447 {strides = array<i32>} : memref<2x32x128xf32, #tpu.memory_space<vmem>>, vector<1x1x16xf32>,
        %add3A_448 = arith.constant 32 : i32
        %add3A_449 = arith.addi %add3A_448, %scan3A_297 : i32
        %get3A_450 = arith.index_cast %add3A_449 : i32 to index
        %get3A_451 = arith.constant 32 : index
        %get3A_452 = tpu.vector_load %arg9[%get3A_450, %get3A_451] {strides = array<i32>} : memref<384x128xf32, #tpu.memory_space<vmem>>, vector<1x16xf32>,
        %get3A_453 = vector.shape_cast %get3A_452 : vector<1x16xf32> to vector<16xf32>
        %add3A_454 = arith.constant 64 : i32
        %add3A_455 = arith.addi %add3A_454, %scan3A_297 : i32
        %get3A_456 = arith.index_cast %add3A_455 : i32 to index
        %get3A_457 = arith.constant 32 : index
        %get3A_458 = tpu.vector_load %arg9[%get3A_456, %get3A_457] {strides = array<i32>} : memref<384x128xf32, #tpu.memory_space<vmem>>, vector<1x16xf32>,
        %get3A_459 = vector.shape_cast %get3A_458 : vector<1x16xf32> to vector<16xf32>
        %add3A_460 = arith.addf %get3A_453, %get3A_459 : vector<16xf32>
        %add3A_461 = arith.constant 96 : i32
        %add3A_462 = arith.addi %add3A_461, %scan3A_297 : i32
        %get3A_463 = arith.index_cast %add3A_462 : i32 to index
        %get3A_464 = arith.constant 32 : index
        %get3A_465 = tpu.vector_load %arg9[%get3A_463, %get3A_464] {strides = array<i32>} : memref<384x128xf32, #tpu.memory_space<vmem>>, vector<1x16xf32>,
        %get3A_466 = vector.shape_cast %get3A_465 : vector<1x16xf32> to vector<16xf32>
        %add3A_467 = arith.addf %add3A_460, %get3A_466 : vector<16xf32>
        %add3A_468 = arith.constant 128 : i32
        %add3A_469 = arith.addi %add3A_468, %scan3A_297 : i32
        %get3A_470 = arith.index_cast %add3A_469 : i32 to index
        %get3A_471 = arith.constant 32 : index
        %get3A_472 = tpu.vector_load %arg9[%get3A_470, %get3A_471] {strides = array<i32>} : memref<384x128xf32, #tpu.memory_space<vmem>>, vector<1x16xf32>,
        %get3A_473 = vector.shape_cast %get3A_472 : vector<1x16xf32> to vector<16xf32>
        %add3A_474 = arith.addf %add3A_467, %get3A_473 : vector<16xf32>
        %add3A_475 = arith.constant 160 : i32
        %add3A_476 = arith.addi %add3A_475, %scan3A_297 : i32
        %get3A_477 = arith.index_cast %add3A_476 : i32 to index
        %get3A_478 = arith.constant 32 : index
        %get3A_479 = tpu.vector_load %arg9[%get3A_477, %get3A_478] {strides = array<i32>} : memref<384x128xf32, #tpu.memory_space<vmem>>, vector<1x16xf32>,
        %get3A_480 = vector.shape_cast %get3A_479 : vector<1x16xf32> to vector<16xf32>
        %add3A_481 = arith.addf %add3A_474, %get3A_480 : vector<16xf32>
        %add3A_482 = arith.constant 192 : i32
        %add3A_483 = arith.addi %add3A_482, %scan3A_297 : i32
        %get3A_484 = arith.index_cast %add3A_483 : i32 to index
        %get3A_485 = arith.constant 32 : index
        %get3A_486 = tpu.vector_load %arg9[%get3A_484, %get3A_485] {strides = array<i32>} : memref<384x128xf32, #tpu.memory_space<vmem>>, vector<1x16xf32>,
        %get3A_487 = vector.shape_cast %get3A_486 : vector<1x16xf32> to vector<16xf32>
        %add3A_488 = arith.addf %add3A_481, %get3A_487 : vector<16xf32>
        %add3A_489 = arith.constant 224 : i32
        %add3A_490 = arith.addi %add3A_489, %scan3A_297 : i32
        %get3A_491 = arith.index_cast %add3A_490 : i32 to index
        %get3A_492 = arith.constant 32 : index
        %get3A_493 = tpu.vector_load %arg9[%get3A_491, %get3A_492] {strides = array<i32>} : memref<384x128xf32, #tpu.memory_space<vmem>>, vector<1x16xf32>,
        %get3A_494 = vector.shape_cast %get3A_493 : vector<1x16xf32> to vector<16xf32>
        %add3A_495 = arith.addf %add3A_488, %get3A_494 : vector<16xf32>
        %add3A_496 = arith.constant 256 : i32
        %add3A_497 = arith.addi %add3A_496, %scan3A_297 : i32
        %get3A_498 = arith.index_cast %add3A_497 : i32 to index
        %get3A_499 = arith.constant 32 : index
        %get3A_500 = tpu.vector_load %arg9[%get3A_498, %get3A_499] {strides = array<i32>} : memref<384x128xf32, #tpu.memory_space<vmem>>, vector<1x16xf32>,
        %get3A_501 = vector.shape_cast %get3A_500 : vector<1x16xf32> to vector<16xf32>
        %add3A_502 = arith.addf %add3A_495, %get3A_501 : vector<16xf32>
        %add3A_503 = arith.constant 288 : i32
        %add3A_504 = arith.addi %add3A_503, %scan3A_297 : i32
        %get3A_505 = arith.index_cast %add3A_504 : i32 to index
        %get3A_506 = arith.constant 32 : index
        %get3A_507 = tpu.vector_load %arg9[%get3A_505, %get3A_506] {strides = array<i32>} : memref<384x128xf32, #tpu.memory_space<vmem>>, vector<1x16xf32>,
        %get3A_508 = vector.shape_cast %get3A_507 : vector<1x16xf32> to vector<16xf32>
        %add3A_509 = arith.addf %add3A_502, %get3A_508 : vector<16xf32>
        %add3A_510 = arith.constant 320 : i32
        %add3A_511 = arith.addi %add3A_510, %scan3A_297 : i32
        %get3A_512 = arith.index_cast %add3A_511 : i32 to index
        %get3A_513 = arith.constant 32 : index
        %get3A_514 = tpu.vector_load %arg9[%get3A_512, %get3A_513] {strides = array<i32>} : memref<384x128xf32, #tpu.memory_space<vmem>>, vector<1x16xf32>,
        %get3A_515 = vector.shape_cast %get3A_514 : vector<1x16xf32> to vector<16xf32>
        %add3A_516 = arith.addf %add3A_509, %get3A_515 : vector<16xf32>
        %swap3A_517 = arith.constant 1 : i32
        %swap3A_518 = arith.index_cast %swap3A_517 : i32 to index
        %swap3A_519 = arith.index_cast %scan3A_297 : i32 to index
        %swap3A_520 = arith.constant 32 : index
        %swap3A_521 = tpu.vector_load %arg10[%swap3A_518, %swap3A_519, %swap3A_520] {strides = array<i32>} : memref<2x32x128xf32, #tpu.memory_space<vmem>>, vector<1x1x16xf32>,
        %swap3A_522 = vector.shape_cast %swap3A_521 : vector<1x1x16xf32> to vector<16xf32>
        %swap3A_523 = vector.shape_cast %add3A_516 : vector<16xf32> to vector<1x1x16xf32>
        tpu.vector_store %arg10[%swap3A_518, %swap3A_519, %swap3A_520], %swap3A_523 {strides = array<i32>} : memref<2x32x128xf32, #tpu.memory_space<vmem>>, vector<1x1x16xf32>,
        %add3A_524 = arith.constant 32 : i32
        %add3A_525 = arith.addi %add3A_524, %scan3A_297 : i32
        %get3A_526 = arith.index_cast %add3A_525 : i32 to index
        %get3A_527 = arith.constant 48 : index
        %get3A_528 = tpu.vector_load %arg9[%get3A_526, %get3A_527] {strides = array<i32>} : memref<384x128xf32, #tpu.memory_space<vmem>>, vector<1x16xf32>,
        %get3A_529 = vector.shape_cast %get3A_528 : vector<1x16xf32> to vector<16xf32>
        %add3A_530 = arith.constant 64 : i32
        %add3A_531 = arith.addi %add3A_530, %scan3A_297 : i32
        %get3A_532 = arith.index_cast %add3A_531 : i32 to index
        %get3A_533 = arith.constant 48 : index
        %get3A_534 = tpu.vector_load %arg9[%get3A_532, %get3A_533] {strides = array<i32>} : memref<384x128xf32, #tpu.memory_space<vmem>>, vector<1x16xf32>,
        %get3A_535 = vector.shape_cast %get3A_534 : vector<1x16xf32> to vector<16xf32>
        %add3A_536 = arith.addf %get3A_529, %get3A_535 : vector<16xf32>
        %add3A_537 = arith.constant 96 : i32
        %add3A_538 = arith.addi %add3A_537, %scan3A_297 : i32
        %get3A_539 = arith.index_cast %add3A_538 : i32 to index
        %get3A_540 = arith.constant 48 : index
        %get3A_541 = tpu.vector_load %arg9[%get3A_539, %get3A_540] {strides = array<i32>} : memref<384x128xf32, #tpu.memory_space<vmem>>, vector<1x16xf32>,
        %get3A_542 = vector.shape_cast %get3A_541 : vector<1x16xf32> to vector<16xf32>
        %add3A_543 = arith.addf %add3A_536, %get3A_542 : vector<16xf32>
        %add3A_544 = arith.constant 128 : i32
        %add3A_545 = arith.addi %add3A_544, %scan3A_297 : i32
        %get3A_546 = arith.index_cast %add3A_545 : i32 to index
        %get3A_547 = arith.constant 48 : index
        %get3A_548 = tpu.vector_load %arg9[%get3A_546, %get3A_547] {strides = array<i32>} : memref<384x128xf32, #tpu.memory_space<vmem>>, vector<1x16xf32>,
        %get3A_549 = vector.shape_cast %get3A_548 : vector<1x16xf32> to vector<16xf32>
        %add3A_550 = arith.addf %add3A_543, %get3A_549 : vector<16xf32>
        %add3A_551 = arith.constant 160 : i32
        %add3A_552 = arith.addi %add3A_551, %scan3A_297 : i32
        %get3A_553 = arith.index_cast %add3A_552 : i32 to index
        %get3A_554 = arith.constant 48 : index
        %get3A_555 = tpu.vector_load %arg9[%get3A_553, %get3A_554] {strides = array<i32>} : memref<384x128xf32, #tpu.memory_space<vmem>>, vector<1x16xf32>,
        %get3A_556 = vector.shape_cast %get3A_555 : vector<1x16xf32> to vector<16xf32>
        %add3A_557 = arith.addf %add3A_550, %get3A_556 : vector<16xf32>
        %add3A_558 = arith.constant 192 : i32
        %add3A_559 = arith.addi %add3A_558, %scan3A_297 : i32
        %get3A_560 = arith.index_cast %add3A_559 : i32 to index
        %get3A_561 = arith.constant 48 : index
        %get3A_562 = tpu.vector_load %arg9[%get3A_560, %get3A_561] {strides = array<i32>} : memref<384x128xf32, #tpu.memory_space<vmem>>, vector<1x16xf32>,
        %get3A_563 = vector.shape_cast %get3A_562 : vector<1x16xf32> to vector<16xf32>
        %add3A_564 = arith.addf %add3A_557, %get3A_563 : vector<16xf32>
        %add3A_565 = arith.constant 224 : i32
        %add3A_566 = arith.addi %add3A_565, %scan3A_297 : i32
        %get3A_567 = arith.index_cast %add3A_566 : i32 to index
        %get3A_568 = arith.constant 48 : index
        %get3A_569 = tpu.vector_load %arg9[%get3A_567, %get3A_568] {strides = array<i32>} : memref<384x128xf32, #tpu.memory_space<vmem>>, vector<1x16xf32>,
        %get3A_570 = vector.shape_cast %get3A_569 : vector<1x16xf32> to vector<16xf32>
        %add3A_571 = arith.addf %add3A_564, %get3A_570 : vector<16xf32>
        %add3A_572 = arith.constant 256 : i32
        %add3A_573 = arith.addi %add3A_572, %scan3A_297 : i32
        %get3A_574 = arith.index_cast %add3A_573 : i32 to index
        %get3A_575 = arith.constant 48 : index
        %get3A_576 = tpu.vector_load %arg9[%get3A_574, %get3A_575] {strides = array<i32>} : memref<384x128xf32, #tpu.memory_space<vmem>>, vector<1x16xf32>,
        %get3A_577 = vector.shape_cast %get3A_576 : vector<1x16xf32> to vector<16xf32>
        %add3A_578 = arith.addf %add3A_571, %get3A_577 : vector<16xf32>
        %add3A_579 = arith.constant 288 : i32
        %add3A_580 = arith.addi %add3A_579, %scan3A_297 : i32
        %get3A_581 = arith.index_cast %add3A_580 : i32 to index
        %get3A_582 = arith.constant 48 : index
        %get3A_583 = tpu.vector_load %arg9[%get3A_581, %get3A_582] {strides = array<i32>} : memref<384x128xf32, #tpu.memory_space<vmem>>, vector<1x16xf32>,
        %get3A_584 = vector.shape_cast %get3A_583 : vector<1x16xf32> to vector<16xf32>
        %add3A_585 = arith.addf %add3A_578, %get3A_584 : vector<16xf32>
        %add3A_586 = arith.constant 320 : i32
        %add3A_587 = arith.addi %add3A_586, %scan3A_297 : i32
        %get3A_588 = arith.index_cast %add3A_587 : i32 to index
        %get3A_589 = arith.constant 48 : index
        %get3A_590 = tpu.vector_load %arg9[%get3A_588, %get3A_589] {strides = array<i32>} : memref<384x128xf32, #tpu.memory_space<vmem>>, vector<1x16xf32>,
        %get3A_591 = vector.shape_cast %get3A_590 : vector<1x16xf32> to vector<16xf32>
        %add3A_592 = arith.addf %add3A_585, %get3A_591 : vector<16xf32>
        %swap3A_593 = arith.constant 1 : i32
        %swap3A_594 = arith.index_cast %swap3A_593 : i32 to index
        %swap3A_595 = arith.index_cast %scan3A_297 : i32 to index
        %swap3A_596 = arith.constant 48 : index
        %swap3A_597 = tpu.vector_load %arg10[%swap3A_594, %swap3A_595, %swap3A_596] {strides = array<i32>} : memref<2x32x128xf32, #tpu.memory_space<vmem>>, vector<1x1x16xf32>,
        %swap3A_598 = vector.shape_cast %swap3A_597 : vector<1x1x16xf32> to vector<16xf32>
        %swap3A_599 = vector.shape_cast %add3A_592 : vector<16xf32> to vector<1x1x16xf32>
        tpu.vector_store %arg10[%swap3A_594, %swap3A_595, %swap3A_596], %swap3A_599 {strides = array<i32>} : memref<2x32x128xf32, #tpu.memory_space<vmem>>, vector<1x1x16xf32>,
        %add3A_600 = arith.constant 32 : i32
        %add3A_601 = arith.addi %add3A_600, %scan3A_297 : i32
        %get3A_602 = arith.index_cast %add3A_601 : i32 to index
        %get3A_603 = arith.constant 64 : index
        %get3A_604 = tpu.vector_load %arg9[%get3A_602, %get3A_603] {strides = array<i32>} : memref<384x128xf32, #tpu.memory_space<vmem>>, vector<1x16xf32>,
        %get3A_605 = vector.shape_cast %get3A_604 : vector<1x16xf32> to vector<16xf32>
        %add3A_606 = arith.constant 64 : i32
        %add3A_607 = arith.addi %add3A_606, %scan3A_297 : i32
        %get3A_608 = arith.index_cast %add3A_607 : i32 to index
        %get3A_609 = arith.constant 64 : index
        %get3A_610 = tpu.vector_load %arg9[%get3A_608, %get3A_609] {strides = array<i32>} : memref<384x128xf32, #tpu.memory_space<vmem>>, vector<1x16xf32>,
        %get3A_611 = vector.shape_cast %get3A_610 : vector<1x16xf32> to vector<16xf32>
        %add3A_612 = arith.addf %get3A_605, %get3A_611 : vector<16xf32>
        %add3A_613 = arith.constant 96 : i32
        %add3A_614 = arith.addi %add3A_613, %scan3A_297 : i32
        %get3A_615 = arith.index_cast %add3A_614 : i32 to index
        %get3A_616 = arith.constant 64 : index
        %get3A_617 = tpu.vector_load %arg9[%get3A_615, %get3A_616] {strides = array<i32>} : memref<384x128xf32, #tpu.memory_space<vmem>>, vector<1x16xf32>,
        %get3A_618 = vector.shape_cast %get3A_617 : vector<1x16xf32> to vector<16xf32>
        %add3A_619 = arith.addf %add3A_612, %get3A_618 : vector<16xf32>
        %add3A_620 = arith.constant 128 : i32
        %add3A_621 = arith.addi %add3A_620, %scan3A_297 : i32
        %get3A_622 = arith.index_cast %add3A_621 : i32 to index
        %get3A_623 = arith.constant 64 : index
        %get3A_624 = tpu.vector_load %arg9[%get3A_622, %get3A_623] {strides = array<i32>} : memref<384x128xf32, #tpu.memory_space<vmem>>, vector<1x16xf32>,
        %get3A_625 = vector.shape_cast %get3A_624 : vector<1x16xf32> to vector<16xf32>
        %add3A_626 = arith.addf %add3A_619, %get3A_625 : vector<16xf32>
        %add3A_627 = arith.constant 160 : i32
        %add3A_628 = arith.addi %add3A_627, %scan3A_297 : i32
        %get3A_629 = arith.index_cast %add3A_628 : i32 to index
        %get3A_630 = arith.constant 64 : index
        %get3A_631 = tpu.vector_load %arg9[%get3A_629, %get3A_630] {strides = array<i32>} : memref<384x128xf32, #tpu.memory_space<vmem>>, vector<1x16xf32>,
        %get3A_632 = vector.shape_cast %get3A_631 : vector<1x16xf32> to vector<16xf32>
        %add3A_633 = arith.addf %add3A_626, %get3A_632 : vector<16xf32>
        %add3A_634 = arith.constant 192 : i32
        %add3A_635 = arith.addi %add3A_634, %scan3A_297 : i32
        %get3A_636 = arith.index_cast %add3A_635 : i32 to index
        %get3A_637 = arith.constant 64 : index
        %get3A_638 = tpu.vector_load %arg9[%get3A_636, %get3A_637] {strides = array<i32>} : memref<384x128xf32, #tpu.memory_space<vmem>>, vector<1x16xf32>,
        %get3A_639 = vector.shape_cast %get3A_638 : vector<1x16xf32> to vector<16xf32>
        %add3A_640 = arith.addf %add3A_633, %get3A_639 : vector<16xf32>
        %add3A_641 = arith.constant 224 : i32
        %add3A_642 = arith.addi %add3A_641, %scan3A_297 : i32
        %get3A_643 = arith.index_cast %add3A_642 : i32 to index
        %get3A_644 = arith.constant 64 : index
        %get3A_645 = tpu.vector_load %arg9[%get3A_643, %get3A_644] {strides = array<i32>} : memref<384x128xf32, #tpu.memory_space<vmem>>, vector<1x16xf32>,
        %get3A_646 = vector.shape_cast %get3A_645 : vector<1x16xf32> to vector<16xf32>
        %add3A_647 = arith.addf %add3A_640, %get3A_646 : vector<16xf32>
        %add3A_648 = arith.constant 256 : i32
        %add3A_649 = arith.addi %add3A_648, %scan3A_297 : i32
        %get3A_650 = arith.index_cast %add3A_649 : i32 to index
        %get3A_651 = arith.constant 64 : index
        %get3A_652 = tpu.vector_load %arg9[%get3A_650, %get3A_651] {strides = array<i32>} : memref<384x128xf32, #tpu.memory_space<vmem>>, vector<1x16xf32>,
        %get3A_653 = vector.shape_cast %get3A_652 : vector<1x16xf32> to vector<16xf32>
        %add3A_654 = arith.addf %add3A_647, %get3A_653 : vector<16xf32>
        %add3A_655 = arith.constant 288 : i32
        %add3A_656 = arith.addi %add3A_655, %scan3A_297 : i32
        %get3A_657 = arith.index_cast %add3A_656 : i32 to index
        %get3A_658 = arith.constant 64 : index
        %get3A_659 = tpu.vector_load %arg9[%get3A_657, %get3A_658] {strides = array<i32>} : memref<384x128xf32, #tpu.memory_space<vmem>>, vector<1x16xf32>,
        %get3A_660 = vector.shape_cast %get3A_659 : vector<1x16xf32> to vector<16xf32>
        %add3A_661 = arith.addf %add3A_654, %get3A_660 : vector<16xf32>
        %add3A_662 = arith.constant 320 : i32
        %add3A_663 = arith.addi %add3A_662, %scan3A_297 : i32
        %get3A_664 = arith.index_cast %add3A_663 : i32 to index
        %get3A_665 = arith.constant 64 : index
        %get3A_666 = tpu.vector_load %arg9[%get3A_664, %get3A_665] {strides = array<i32>} : memref<384x128xf32, #tpu.memory_space<vmem>>, vector<1x16xf32>,
        %get3A_667 = vector.shape_cast %get3A_666 : vector<1x16xf32> to vector<16xf32>
        %add3A_668 = arith.addf %add3A_661, %get3A_667 : vector<16xf32>
        %swap3A_669 = arith.constant 1 : i32
        %swap3A_670 = arith.index_cast %swap3A_669 : i32 to index
        %swap3A_671 = arith.index_cast %scan3A_297 : i32 to index
        %swap3A_672 = arith.constant 64 : index
        %swap3A_673 = tpu.vector_load %arg10[%swap3A_670, %swap3A_671, %swap3A_672] {strides = array<i32>} : memref<2x32x128xf32, #tpu.memory_space<vmem>>, vector<1x1x16xf32>,
        %swap3A_674 = vector.shape_cast %swap3A_673 : vector<1x1x16xf32> to vector<16xf32>
        %swap3A_675 = vector.shape_cast %add3A_668 : vector<16xf32> to vector<1x1x16xf32>
        tpu.vector_store %arg10[%swap3A_670, %swap3A_671, %swap3A_672], %swap3A_675 {strides = array<i32>} : memref<2x32x128xf32, #tpu.memory_space<vmem>>, vector<1x1x16xf32>,
        %add3A_676 = arith.constant 32 : i32
        %add3A_677 = arith.addi %add3A_676, %scan3A_297 : i32
        %get3A_678 = arith.index_cast %add3A_677 : i32 to index
        %get3A_679 = arith.constant 80 : index
        %get3A_680 = tpu.vector_load %arg9[%get3A_678, %get3A_679] {strides = array<i32>} : memref<384x128xf32, #tpu.memory_space<vmem>>, vector<1x16xf32>,
        %get3A_681 = vector.shape_cast %get3A_680 : vector<1x16xf32> to vector<16xf32>
        %add3A_682 = arith.constant 64 : i32
        %add3A_683 = arith.addi %add3A_682, %scan3A_297 : i32
        %get3A_684 = arith.index_cast %add3A_683 : i32 to index
        %get3A_685 = arith.constant 80 : index
        %get3A_686 = tpu.vector_load %arg9[%get3A_684, %get3A_685] {strides = array<i32>} : memref<384x128xf32, #tpu.memory_space<vmem>>, vector<1x16xf32>,
        %get3A_687 = vector.shape_cast %get3A_686 : vector<1x16xf32> to vector<16xf32>
        %add3A_688 = arith.addf %get3A_681, %get3A_687 : vector<16xf32>
        %add3A_689 = arith.constant 96 : i32
        %add3A_690 = arith.addi %add3A_689, %scan3A_297 : i32
        %get3A_691 = arith.index_cast %add3A_690 : i32 to index
        %get3A_692 = arith.constant 80 : index
        %get3A_693 = tpu.vector_load %arg9[%get3A_691, %get3A_692] {strides = array<i32>} : memref<384x128xf32, #tpu.memory_space<vmem>>, vector<1x16xf32>,
        %get3A_694 = vector.shape_cast %get3A_693 : vector<1x16xf32> to vector<16xf32>
        %add3A_695 = arith.addf %add3A_688, %get3A_694 : vector<16xf32>
        %add3A_696 = arith.constant 128 : i32
        %add3A_697 = arith.addi %add3A_696, %scan3A_297 : i32
        %get3A_698 = arith.index_cast %add3A_697 : i32 to index
        %get3A_699 = arith.constant 80 : index
        %get3A_700 = tpu.vector_load %arg9[%get3A_698, %get3A_699] {strides = array<i32>} : memref<384x128xf32, #tpu.memory_space<vmem>>, vector<1x16xf32>,
        %get3A_701 = vector.shape_cast %get3A_700 : vector<1x16xf32> to vector<16xf32>
        %add3A_702 = arith.addf %add3A_695, %get3A_701 : vector<16xf32>
        %add3A_703 = arith.constant 160 : i32
        %add3A_704 = arith.addi %add3A_703, %scan3A_297 : i32
        %get3A_705 = arith.index_cast %add3A_704 : i32 to index
        %get3A_706 = arith.constant 80 : index
        %get3A_707 = tpu.vector_load %arg9[%get3A_705, %get3A_706] {strides = array<i32>} : memref<384x128xf32, #tpu.memory_space<vmem>>, vector<1x16xf32>,
        %get3A_708 = vector.shape_cast %get3A_707 : vector<1x16xf32> to vector<16xf32>
        %add3A_709 = arith.addf %add3A_702, %get3A_708 : vector<16xf32>
        %add3A_710 = arith.constant 192 : i32
        %add3A_711 = arith.addi %add3A_710, %scan3A_297 : i32
        %get3A_712 = arith.index_cast %add3A_711 : i32 to index
        %get3A_713 = arith.constant 80 : index
        %get3A_714 = tpu.vector_load %arg9[%get3A_712, %get3A_713] {strides = array<i32>} : memref<384x128xf32, #tpu.memory_space<vmem>>, vector<1x16xf32>,
        %get3A_715 = vector.shape_cast %get3A_714 : vector<1x16xf32> to vector<16xf32>
        %add3A_716 = arith.addf %add3A_709, %get3A_715 : vector<16xf32>
        %add3A_717 = arith.constant 224 : i32
        %add3A_718 = arith.addi %add3A_717, %scan3A_297 : i32
        %get3A_719 = arith.index_cast %add3A_718 : i32 to index
        %get3A_720 = arith.constant 80 : index
        %get3A_721 = tpu.vector_load %arg9[%get3A_719, %get3A_720] {strides = array<i32>} : memref<384x128xf32, #tpu.memory_space<vmem>>, vector<1x16xf32>,
        %get3A_722 = vector.shape_cast %get3A_721 : vector<1x16xf32> to vector<16xf32>
        %add3A_723 = arith.addf %add3A_716, %get3A_722 : vector<16xf32>
        %add3A_724 = arith.constant 256 : i32
        %add3A_725 = arith.addi %add3A_724, %scan3A_297 : i32
        %get3A_726 = arith.index_cast %add3A_725 : i32 to index
        %get3A_727 = arith.constant 80 : index
        %get3A_728 = tpu.vector_load %arg9[%get3A_726, %get3A_727] {strides = array<i32>} : memref<384x128xf32, #tpu.memory_space<vmem>>, vector<1x16xf32>,
        %get3A_729 = vector.shape_cast %get3A_728 : vector<1x16xf32> to vector<16xf32>
        %add3A_730 = arith.addf %add3A_723, %get3A_729 : vector<16xf32>
        %add3A_731 = arith.constant 288 : i32
        %add3A_732 = arith.addi %add3A_731, %scan3A_297 : i32
        %get3A_733 = arith.index_cast %add3A_732 : i32 to index
        %get3A_734 = arith.constant 80 : index
        %get3A_735 = tpu.vector_load %arg9[%get3A_733, %get3A_734] {strides = array<i32>} : memref<384x128xf32, #tpu.memory_space<vmem>>, vector<1x16xf32>,
        %get3A_736 = vector.shape_cast %get3A_735 : vector<1x16xf32> to vector<16xf32>
        %add3A_737 = arith.addf %add3A_730, %get3A_736 : vector<16xf32>
        %add3A_738 = arith.constant 320 : i32
        %add3A_739 = arith.addi %add3A_738, %scan3A_297 : i32
        %get3A_740 = arith.index_cast %add3A_739 : i32 to index
        %get3A_741 = arith.constant 80 : index
        %get3A_742 = tpu.vector_load %arg9[%get3A_740, %get3A_741] {strides = array<i32>} : memref<384x128xf32, #tpu.memory_space<vmem>>, vector<1x16xf32>,
        %get3A_743 = vector.shape_cast %get3A_742 : vector<1x16xf32> to vector<16xf32>
        %add3A_744 = arith.addf %add3A_737, %get3A_743 : vector<16xf32>
        %swap3A_745 = arith.constant 1 : i32
        %swap3A_746 = arith.index_cast %swap3A_745 : i32 to index
        %swap3A_747 = arith.index_cast %scan3A_297 : i32 to index
        %swap3A_748 = arith.constant 80 : index
        %swap3A_749 = tpu.vector_load %arg10[%swap3A_746, %swap3A_747, %swap3A_748] {strides = array<i32>} : memref<2x32x128xf32, #tpu.memory_space<vmem>>, vector<1x1x16xf32>,
        %swap3A_750 = vector.shape_cast %swap3A_749 : vector<1x1x16xf32> to vector<16xf32>
        %swap3A_751 = vector.shape_cast %add3A_744 : vector<16xf32> to vector<1x1x16xf32>
        tpu.vector_store %arg10[%swap3A_746, %swap3A_747, %swap3A_748], %swap3A_751 {strides = array<i32>} : memref<2x32x128xf32, #tpu.memory_space<vmem>>, vector<1x1x16xf32>,
        %add3A_752 = arith.constant 32 : i32
        %add3A_753 = arith.addi %add3A_752, %scan3A_297 : i32
        %get3A_754 = arith.index_cast %add3A_753 : i32 to index
        %get3A_755 = arith.constant 96 : index
        %get3A_756 = tpu.vector_load %arg9[%get3A_754, %get3A_755] {strides = array<i32>} : memref<384x128xf32, #tpu.memory_space<vmem>>, vector<1x16xf32>,
        %get3A_757 = vector.shape_cast %get3A_756 : vector<1x16xf32> to vector<16xf32>
        %add3A_758 = arith.constant 64 : i32
        %add3A_759 = arith.addi %add3A_758, %scan3A_297 : i32
        %get3A_760 = arith.index_cast %add3A_759 : i32 to index
        %get3A_761 = arith.constant 96 : index
        %get3A_762 = tpu.vector_load %arg9[%get3A_760, %get3A_761] {strides = array<i32>} : memref<384x128xf32, #tpu.memory_space<vmem>>, vector<1x16xf32>,
        %get3A_763 = vector.shape_cast %get3A_762 : vector<1x16xf32> to vector<16xf32>
        %add3A_764 = arith.addf %get3A_757, %get3A_763 : vector<16xf32>
        %add3A_765 = arith.constant 96 : i32
        %add3A_766 = arith.addi %add3A_765, %scan3A_297 : i32
        %get3A_767 = arith.index_cast %add3A_766 : i32 to index
        %get3A_768 = arith.constant 96 : index
        %get3A_769 = tpu.vector_load %arg9[%get3A_767, %get3A_768] {strides = array<i32>} : memref<384x128xf32, #tpu.memory_space<vmem>>, vector<1x16xf32>,
        %get3A_770 = vector.shape_cast %get3A_769 : vector<1x16xf32> to vector<16xf32>
        %add3A_771 = arith.addf %add3A_764, %get3A_770 : vector<16xf32>
        %add3A_772 = arith.constant 128 : i32
        %add3A_773 = arith.addi %add3A_772, %scan3A_297 : i32
        %get3A_774 = arith.index_cast %add3A_773 : i32 to index
        %get3A_775 = arith.constant 96 : index
        %get3A_776 = tpu.vector_load %arg9[%get3A_774, %get3A_775] {strides = array<i32>} : memref<384x128xf32, #tpu.memory_space<vmem>>, vector<1x16xf32>,
        %get3A_777 = vector.shape_cast %get3A_776 : vector<1x16xf32> to vector<16xf32>
        %add3A_778 = arith.addf %add3A_771, %get3A_777 : vector<16xf32>
        %add3A_779 = arith.constant 160 : i32
        %add3A_780 = arith.addi %add3A_779, %scan3A_297 : i32
        %get3A_781 = arith.index_cast %add3A_780 : i32 to index
        %get3A_782 = arith.constant 96 : index
        %get3A_783 = tpu.vector_load %arg9[%get3A_781, %get3A_782] {strides = array<i32>} : memref<384x128xf32, #tpu.memory_space<vmem>>, vector<1x16xf32>,
        %get3A_784 = vector.shape_cast %get3A_783 : vector<1x16xf32> to vector<16xf32>
        %add3A_785 = arith.addf %add3A_778, %get3A_784 : vector<16xf32>
        %add3A_786 = arith.constant 192 : i32
        %add3A_787 = arith.addi %add3A_786, %scan3A_297 : i32
        %get3A_788 = arith.index_cast %add3A_787 : i32 to index
        %get3A_789 = arith.constant 96 : index
        %get3A_790 = tpu.vector_load %arg9[%get3A_788, %get3A_789] {strides = array<i32>} : memref<384x128xf32, #tpu.memory_space<vmem>>, vector<1x16xf32>,
        %get3A_791 = vector.shape_cast %get3A_790 : vector<1x16xf32> to vector<16xf32>
        %add3A_792 = arith.addf %add3A_785, %get3A_791 : vector<16xf32>
        %add3A_793 = arith.constant 224 : i32
        %add3A_794 = arith.addi %add3A_793, %scan3A_297 : i32
        %get3A_795 = arith.index_cast %add3A_794 : i32 to index
        %get3A_796 = arith.constant 96 : index
        %get3A_797 = tpu.vector_load %arg9[%get3A_795, %get3A_796] {strides = array<i32>} : memref<384x128xf32, #tpu.memory_space<vmem>>, vector<1x16xf32>,
        %get3A_798 = vector.shape_cast %get3A_797 : vector<1x16xf32> to vector<16xf32>
        %add3A_799 = arith.addf %add3A_792, %get3A_798 : vector<16xf32>
        %add3A_800 = arith.constant 256 : i32
        %add3A_801 = arith.addi %add3A_800, %scan3A_297 : i32
        %get3A_802 = arith.index_cast %add3A_801 : i32 to index
        %get3A_803 = arith.constant 96 : index
        %get3A_804 = tpu.vector_load %arg9[%get3A_802, %get3A_803] {strides = array<i32>} : memref<384x128xf32, #tpu.memory_space<vmem>>, vector<1x16xf32>,
        %get3A_805 = vector.shape_cast %get3A_804 : vector<1x16xf32> to vector<16xf32>
        %add3A_806 = arith.addf %add3A_799, %get3A_805 : vector<16xf32>
        %add3A_807 = arith.constant 288 : i32
        %add3A_808 = arith.addi %add3A_807, %scan3A_297 : i32
        %get3A_809 = arith.index_cast %add3A_808 : i32 to index
        %get3A_810 = arith.constant 96 : index
        %get3A_811 = tpu.vector_load %arg9[%get3A_809, %get3A_810] {strides = array<i32>} : memref<384x128xf32, #tpu.memory_space<vmem>>, vector<1x16xf32>,
        %get3A_812 = vector.shape_cast %get3A_811 : vector<1x16xf32> to vector<16xf32>
        %add3A_813 = arith.addf %add3A_806, %get3A_812 : vector<16xf32>
        %add3A_814 = arith.constant 320 : i32
        %add3A_815 = arith.addi %add3A_814, %scan3A_297 : i32
        %get3A_816 = arith.index_cast %add3A_815 : i32 to index
        %get3A_817 = arith.constant 96 : index
        %get3A_818 = tpu.vector_load %arg9[%get3A_816, %get3A_817] {strides = array<i32>} : memref<384x128xf32, #tpu.memory_space<vmem>>, vector<1x16xf32>,
        %get3A_819 = vector.shape_cast %get3A_818 : vector<1x16xf32> to vector<16xf32>
        %add3A_820 = arith.addf %add3A_813, %get3A_819 : vector<16xf32>
        %swap3A_821 = arith.constant 1 : i32
        %swap3A_822 = arith.index_cast %swap3A_821 : i32 to index
        %swap3A_823 = arith.index_cast %scan3A_297 : i32 to index
        %swap3A_824 = arith.constant 96 : index
        %swap3A_825 = tpu.vector_load %arg10[%swap3A_822, %swap3A_823, %swap3A_824] {strides = array<i32>} : memref<2x32x128xf32, #tpu.memory_space<vmem>>, vector<1x1x16xf32>,
        %swap3A_826 = vector.shape_cast %swap3A_825 : vector<1x1x16xf32> to vector<16xf32>
        %swap3A_827 = vector.shape_cast %add3A_820 : vector<16xf32> to vector<1x1x16xf32>
        tpu.vector_store %arg10[%swap3A_822, %swap3A_823, %swap3A_824], %swap3A_827 {strides = array<i32>} : memref<2x32x128xf32, #tpu.memory_space<vmem>>, vector<1x1x16xf32>,
        %add3A_828 = arith.constant 32 : i32
        %add3A_829 = arith.addi %add3A_828, %scan3A_297 : i32
        %get3A_830 = arith.index_cast %add3A_829 : i32 to index
        %get3A_831 = arith.constant 112 : index
        %get3A_832 = tpu.vector_load %arg9[%get3A_830, %get3A_831] {strides = array<i32>} : memref<384x128xf32, #tpu.memory_space<vmem>>, vector<1x16xf32>,
        %get3A_833 = vector.shape_cast %get3A_832 : vector<1x16xf32> to vector<16xf32>
        %add3A_834 = arith.constant 64 : i32
        %add3A_835 = arith.addi %add3A_834, %scan3A_297 : i32
        %get3A_836 = arith.index_cast %add3A_835 : i32 to index
        %get3A_837 = arith.constant 112 : index
        %get3A_838 = tpu.vector_load %arg9[%get3A_836, %get3A_837] {strides = array<i32>} : memref<384x128xf32, #tpu.memory_space<vmem>>, vector<1x16xf32>,
        %get3A_839 = vector.shape_cast %get3A_838 : vector<1x16xf32> to vector<16xf32>
        %add3A_840 = arith.addf %get3A_833, %get3A_839 : vector<16xf32>
        %add3A_841 = arith.constant 96 : i32
        %add3A_842 = arith.addi %add3A_841, %scan3A_297 : i32
        %get3A_843 = arith.index_cast %add3A_842 : i32 to index
        %get3A_844 = arith.constant 112 : index
        %get3A_845 = tpu.vector_load %arg9[%get3A_843, %get3A_844] {strides = array<i32>} : memref<384x128xf32, #tpu.memory_space<vmem>>, vector<1x16xf32>,
        %get3A_846 = vector.shape_cast %get3A_845 : vector<1x16xf32> to vector<16xf32>
        %add3A_847 = arith.addf %add3A_840, %get3A_846 : vector<16xf32>
        %add3A_848 = arith.constant 128 : i32
        %add3A_849 = arith.addi %add3A_848, %scan3A_297 : i32
        %get3A_850 = arith.index_cast %add3A_849 : i32 to index
        %get3A_851 = arith.constant 112 : index
        %get3A_852 = tpu.vector_load %arg9[%get3A_850, %get3A_851] {strides = array<i32>} : memref<384x128xf32, #tpu.memory_space<vmem>>, vector<1x16xf32>,
        %get3A_853 = vector.shape_cast %get3A_852 : vector<1x16xf32> to vector<16xf32>
        %add3A_854 = arith.addf %add3A_847, %get3A_853 : vector<16xf32>
        %add3A_855 = arith.constant 160 : i32
        %add3A_856 = arith.addi %add3A_855, %scan3A_297 : i32
        %get3A_857 = arith.index_cast %add3A_856 : i32 to index
        %get3A_858 = arith.constant 112 : index
        %get3A_859 = tpu.vector_load %arg9[%get3A_857, %get3A_858] {strides = array<i32>} : memref<384x128xf32, #tpu.memory_space<vmem>>, vector<1x16xf32>,
        %get3A_860 = vector.shape_cast %get3A_859 : vector<1x16xf32> to vector<16xf32>
        %add3A_861 = arith.addf %add3A_854, %get3A_860 : vector<16xf32>
        %add3A_862 = arith.constant 192 : i32
        %add3A_863 = arith.addi %add3A_862, %scan3A_297 : i32
        %get3A_864 = arith.index_cast %add3A_863 : i32 to index
        %get3A_865 = arith.constant 112 : index
        %get3A_866 = tpu.vector_load %arg9[%get3A_864, %get3A_865] {strides = array<i32>} : memref<384x128xf32, #tpu.memory_space<vmem>>, vector<1x16xf32>,
        %get3A_867 = vector.shape_cast %get3A_866 : vector<1x16xf32> to vector<16xf32>
        %add3A_868 = arith.addf %add3A_861, %get3A_867 : vector<16xf32>
        %add3A_869 = arith.constant 224 : i32
        %add3A_870 = arith.addi %add3A_869, %scan3A_297 : i32
        %get3A_871 = arith.index_cast %add3A_870 : i32 to index
        %get3A_872 = arith.constant 112 : index
        %get3A_873 = tpu.vector_load %arg9[%get3A_871, %get3A_872] {strides = array<i32>} : memref<384x128xf32, #tpu.memory_space<vmem>>, vector<1x16xf32>,
        %get3A_874 = vector.shape_cast %get3A_873 : vector<1x16xf32> to vector<16xf32>
        %add3A_875 = arith.addf %add3A_868, %get3A_874 : vector<16xf32>
        %add3A_876 = arith.constant 256 : i32
        %add3A_877 = arith.addi %add3A_876, %scan3A_297 : i32
        %get3A_878 = arith.index_cast %add3A_877 : i32 to index
        %get3A_879 = arith.constant 112 : index
        %get3A_880 = tpu.vector_load %arg9[%get3A_878, %get3A_879] {strides = array<i32>} : memref<384x128xf32, #tpu.memory_space<vmem>>, vector<1x16xf32>,
        %get3A_881 = vector.shape_cast %get3A_880 : vector<1x16xf32> to vector<16xf32>
        %add3A_882 = arith.addf %add3A_875, %get3A_881 : vector<16xf32>
        %add3A_883 = arith.constant 288 : i32
        %add3A_884 = arith.addi %add3A_883, %scan3A_297 : i32
        %get3A_885 = arith.index_cast %add3A_884 : i32 to index
        %get3A_886 = arith.constant 112 : index
        %get3A_887 = tpu.vector_load %arg9[%get3A_885, %get3A_886] {strides = array<i32>} : memref<384x128xf32, #tpu.memory_space<vmem>>, vector<1x16xf32>,
        %get3A_888 = vector.shape_cast %get3A_887 : vector<1x16xf32> to vector<16xf32>
        %add3A_889 = arith.addf %add3A_882, %get3A_888 : vector<16xf32>
        %add3A_890 = arith.constant 320 : i32
        %add3A_891 = arith.addi %add3A_890, %scan3A_297 : i32
        %get3A_892 = arith.index_cast %add3A_891 : i32 to index
        %get3A_893 = arith.constant 112 : index
        %get3A_894 = tpu.vector_load %arg9[%get3A_892, %get3A_893] {strides = array<i32>} : memref<384x128xf32, #tpu.memory_space<vmem>>, vector<1x16xf32>,
        %get3A_895 = vector.shape_cast %get3A_894 : vector<1x16xf32> to vector<16xf32>
        %add3A_896 = arith.addf %add3A_889, %get3A_895 : vector<16xf32>
        %swap3A_897 = arith.constant 1 : i32
        %swap3A_898 = arith.index_cast %swap3A_897 : i32 to index
        %swap3A_899 = arith.index_cast %scan3A_297 : i32 to index
        %swap3A_900 = arith.constant 112 : index
        %swap3A_901 = tpu.vector_load %arg10[%swap3A_898, %swap3A_899, %swap3A_900] {strides = array<i32>} : memref<2x32x128xf32, #tpu.memory_space<vmem>>, vector<1x1x16xf32>,
        %swap3A_902 = vector.shape_cast %swap3A_901 : vector<1x1x16xf32> to vector<16xf32>
        %swap3A_903 = vector.shape_cast %add3A_896 : vector<16xf32> to vector<1x1x16xf32>
        tpu.vector_store %arg10[%swap3A_898, %swap3A_899, %swap3A_900], %swap3A_903 {strides = array<i32>} : memref<2x32x128xf32, #tpu.memory_space<vmem>>, vector<1x1x16xf32>,
      }
      %scan3A_264 = arith.constant 32 : i32
      %dma_wait3A_265 = arith.constant 0 : i32
      %dma_wait3A_266 = arith.constant 0 : i32
      %dma_wait3A_267 = tpu.memref_slice %arg9[%dma_wait3A_265, %dma_wait3A_266] : memref<384x128xf32, #tpu.memory_space<vmem>> -> memref<32x128xf32, #tpu.memory_space<vmem>>
      %dma_wait3A_268 = arith.constant 0 : i32
      %dma_wait3A_269 = arith.constant 0 : i32
      %dma_wait3A_270 = tpu.memref_slice %arg3[%dma_wait3A_268, %dma_wait3A_269] : memref<100000x128xf32, #tpu.memory_space<hbm>> -> memref<32x128xf32, #tpu.memory_space<hbm>>
      %dma_wait3A_271 = arith.constant 0 : i32
      %dma_wait3A_272 = arith.constant 0 : i32
      %dma_wait3A_273 = tpu.memref_slice %arg9[%dma_wait3A_271, %dma_wait3A_272] : memref<384x128xf32, #tpu.memory_space<vmem>> -> memref<32x128xf32, #tpu.memory_space<vmem>>
      %dma_wait3A_274 = arith.constant 0 : i32
      %dma_wait3A_275 = arith.constant 0 : i32
      %dma_wait3A_276 = tpu.memref_slice %arg3[%dma_wait3A_274, %dma_wait3A_275] : memref<100000x128xf32, #tpu.memory_space<hbm>> -> memref<32x128xf32, #tpu.memory_space<hbm>>
      tpu.wait_dma2 semaphore(%arg14 : memref<!tpu.dma_semaphore, #tpu.memory_space<semaphore_mem>>) src(%dma_wait3A_276 : memref<32x128xf32, #tpu.memory_space<hbm>>) dst(%dma_wait3A_273 : memref<32x128xf32, #tpu.memory_space<vmem>>)
      %dma_start3A_277 = arith.constant 1 : i32
      %dma_start3A_278 = arith.constant 0 : i32
      %dma_start3A_279 = arith.constant 0 : i32
      %dma_start3A_280 = tpu.memref_slice %arg10[%dma_start3A_277, %dma_start3A_278, %dma_start3A_279] : memref<2x32x128xf32, #tpu.memory_space<vmem>> -> memref<1x32x128xf32, #tpu.memory_space<vmem>>
      %dma_start3A_281 = tpu.memref_squeeze %dma_start3A_280 : memref<1x32x128xf32, #tpu.memory_space<vmem>> -> memref<32x128xf32, #tpu.memory_space<vmem>>
      %dma_start3A_282 = arith.constant 0 : i32
      %dma_start3A_283 = tpu.memref_slice %arg5[%add3A_200, %dma_start3A_282] : memref<51200x128xf32, #tpu.memory_space<hbm>> -> memref<32x128xf32, #tpu.memory_space<hbm>>
      %dma_start3A_284 = arith.constant 0 : i32
      %dma_start3A_285 = tpu.memref_slice %arg5[%add3A_200, %dma_start3A_284] : memref<51200x128xf32, #tpu.memory_space<hbm>> -> memref<32x128xf32, #tpu.memory_space<hbm>>
      %dma_start3A_286 = arith.constant 0 : i32
      %dma_start3A_287 = arith.constant 0 : i32
      %dma_start3A_288 = tpu.memref_slice %arg10[%dma_start3A_277, %dma_start3A_286, %dma_start3A_287] : memref<2x32x128xf32, #tpu.memory_space<vmem>> -> memref<1x32x128xf32, #tpu.memory_space<vmem>>
      %dma_start3A_289 = tpu.memref_squeeze %dma_start3A_288 : memref<1x32x128xf32, #tpu.memory_space<vmem>> -> memref<32x128xf32, #tpu.memory_space<vmem>>
      tpu.enqueue_dma source(%dma_start3A_289 : memref<32x128xf32, #tpu.memory_space<vmem>>) target(%dma_start3A_285 : memref<32x128xf32, #tpu.memory_space<hbm>>) target_semaphore(%arg14 : memref<!tpu.dma_semaphore, #tpu.memory_space<semaphore_mem>>)
      %add3A_290 = arith.constant 2 : i32
      %add3A_291 = arith.addi %add3A_193, %add3A_290 : i32
      %lt3A_292 = arith.constant 50 : i32
      %lt3A_293 = arith.cmpi slt, %add3A_291, %lt3A_292 : i32
      %convert_element_type3A_294 = arith.extui %lt3A_293 : i1 to i32
      %cond3A_295 = arith.constant 0 : i32
      %cond3A_296 = arith.cmpi ne, %convert_element_type3A_294, %cond3A_295 : i32
      scf.if %cond3A_296 {
        %dma_wait3A_297 = arith.constant 0 : i32
        %dma_wait3A_298 = arith.constant 0 : i32
        %dma_wait3A_299 = arith.constant 0 : i32
        %dma_wait3A_300 = tpu.memref_slice %arg2[%add3A, %dma_wait3A_297, %dma_wait3A_298, %dma_wait3A_299] : memref<32x50x3x128xi32, #tpu.memory_space<hbm>> -> memref<1x1x3x128xi32, #tpu.memory_space<hbm>>
        %dma_wait3A_301 = tpu.memref_squeeze %dma_wait3A_300 : memref<1x1x3x128xi32, #tpu.memory_space<hbm>> -> memref<3x128xi32, #tpu.memory_space<hbm>>
        %dma_wait3A_302 = arith.constant 0 : i32
        %dma_wait3A_303 = arith.constant 0 : i32
        %dma_wait3A_304 = tpu.memref_slice %arg2[%add3A, %dma_wait3A_297, %dma_wait3A_302, %dma_wait3A_303] : memref<32x50x3x128xi32, #tpu.memory_space<hbm>> -> memref<1x1x3x128xi32, #tpu.memory_space<hbm>>
        %dma_wait3A_305 = tpu.memref_squeeze %dma_wait3A_304 : memref<1x1x3x128xi32, #tpu.memory_space<hbm>> -> memref<3x128xi32, #tpu.memory_space<hbm>>
        tpu.wait_dma2 semaphore(%arg16 : memref<!tpu.dma_semaphore, #tpu.memory_space<semaphore_mem>>) src(%dma_wait3A_305 : memref<3x128xi32, #tpu.memory_space<hbm>>) dst(%arg7 : memref<3x128xi32, #tpu.memory_space<vmem>>)
        %dma_start3A_306 = arith.constant 0 : i32
        %dma_start3A_307 = arith.constant 0 : i32
        %dma_start3A_308 = arith.constant 0 : i32
        %dma_start3A_309 = tpu.memref_slice %arg9[%dma_start3A_307, %dma_start3A_308] : memref<384x128xf32, #tpu.memory_space<vmem>> -> memref<128x128xf32, #tpu.memory_space<vmem>>
        %dma_start3A_310 = arith.constant 0 : i32
        %dma_start3A_311 = tpu.memref_slice %arg7[%dma_start3A_306, %dma_start3A_310] : memref<3x128xi32, #tpu.memory_space<vmem>> -> memref<1x128xi32, #tpu.memory_space<vmem>>
        %dma_start3A_312 = tpu.memref_squeeze %dma_start3A_311 : memref<1x128xi32, #tpu.memory_space<vmem>> -> memref<128xi32, #tpu.memory_space<vmem>>
        %dma_start3A_313 = arith.constant 0 : i32
        %dma_start3A_314 = arith.constant 0 : i32
        %dma_start3A_315 = tpu.memref_slice %arg3[%dma_start3A_313, %dma_start3A_314] : memref<100000x128xf32, #tpu.memory_space<hbm>> -> memref<100000x128xf32, #tpu.memory_space<hbm>>
        tpu.enqueue_indirect_dma source(%dma_start3A_315 : memref<100000x128xf32, #tpu.memory_space<hbm>>) target(%dma_start3A_309 : memref<128x128xf32, #tpu.memory_space<vmem>>) offsets(%dma_start3A_312 : memref<128xi32, #tpu.memory_space<vmem>>) semaphore(%arg12 : memref<!tpu.dma_semaphore, #tpu.memory_space<semaphore_mem>>)
        %dma_start3A_316 = arith.constant 1 : i32
        %dma_start3A_317 = arith.constant 128 : i32
        %dma_start3A_318 = arith.constant 0 : i32
        %dma_start3A_319 = tpu.memref_slice %arg9[%dma_start3A_317, %dma_start3A_318] : memref<384x128xf32, #tpu.memory_space<vmem>> -> memref<128x128xf32, #tpu.memory_space<vmem>>
        %dma_start3A_320 = arith.constant 0 : i32
        %dma_start3A_321 = tpu.memref_slice %arg7[%dma_start3A_316, %dma_start3A_320] : memref<3x128xi32, #tpu.memory_space<vmem>> -> memref<1x128xi32, #tpu.memory_space<vmem>>
        %dma_start3A_322 = tpu.memref_squeeze %dma_start3A_321 : memref<1x128xi32, #tpu.memory_space<vmem>> -> memref<128xi32, #tpu.memory_space<vmem>>
        %dma_start3A_323 = arith.constant 0 : i32
        %dma_start3A_324 = arith.constant 0 : i32
        %dma_start3A_325 = tpu.memref_slice %arg3[%dma_start3A_323, %dma_start3A_324] : memref<100000x128xf32, #tpu.memory_space<hbm>> -> memref<100000x128xf32, #tpu.memory_space<hbm>>
        tpu.enqueue_indirect_dma source(%dma_start3A_325 : memref<100000x128xf32, #tpu.memory_space<hbm>>) target(%dma_start3A_319 : memref<128x128xf32, #tpu.memory_space<vmem>>) offsets(%dma_start3A_322 : memref<128xi32, #tpu.memory_space<vmem>>) semaphore(%arg12 : memref<!tpu.dma_semaphore, #tpu.memory_space<semaphore_mem>>)
        %dma_start3A_326 = arith.constant 2 : i32
        %dma_start3A_327 = arith.constant 256 : i32
        %dma_start3A_328 = arith.constant 0 : i32
        %dma_start3A_329 = tpu.memref_slice %arg9[%dma_start3A_327, %dma_start3A_328] : memref<384x128xf32, #tpu.memory_space<vmem>> -> memref<128x128xf32, #tpu.memory_space<vmem>>
        %dma_start3A_330 = arith.constant 0 : i32
        %dma_start3A_331 = tpu.memref_slice %arg7[%dma_start3A_326, %dma_start3A_330] : memref<3x128xi32, #tpu.memory_space<vmem>> -> memref<1x128xi32, #tpu.memory_space<vmem>>
        %dma_start3A_332 = tpu.memref_squeeze %dma_start3A_331 : memref<1x128xi32, #tpu.memory_space<vmem>> -> memref<128xi32, #tpu.memory_space<vmem>>
        %dma_start3A_333 = arith.constant 0 : i32
        %dma_start3A_334 = arith.constant 0 : i32
        %dma_start3A_335 = tpu.memref_slice %arg3[%dma_start3A_333, %dma_start3A_334] : memref<100000x128xf32, #tpu.memory_space<hbm>> -> memref<100000x128xf32, #tpu.memory_space<hbm>>
        tpu.enqueue_indirect_dma source(%dma_start3A_335 : memref<100000x128xf32, #tpu.memory_space<hbm>>) target(%dma_start3A_329 : memref<128x128xf32, #tpu.memory_space<vmem>>) offsets(%dma_start3A_332 : memref<128xi32, #tpu.memory_space<vmem>>) semaphore(%arg12 : memref<!tpu.dma_semaphore, #tpu.memory_space<semaphore_mem>>)
      } else {
      }
    }
    %scan3A_65 = arith.constant 25 : i32
    %dma_wait3A = arith.constant 0 : i32
    %dma_wait3A_66 = arith.constant 0 : i32
    %dma_wait3A_67 = tpu.memref_slice %arg8[%dma_wait3A, %dma_wait3A_66] : memref<384x128xf32, #tpu.memory_space<vmem>> -> memref<32x128xf32, #tpu.memory_space<vmem>>
    %dma_wait3A_68 = arith.constant 0 : i32
    %dma_wait3A_69 = arith.constant 0 : i32
    %dma_wait3A_70 = tpu.memref_slice %arg3[%dma_wait3A_68, %dma_wait3A_69] : memref<100000x128xf32, #tpu.memory_space<hbm>> -> memref<32x128xf32, #tpu.memory_space<hbm>>
    %dma_wait3A_71 = arith.constant 0 : i32
    %dma_wait3A_72 = arith.constant 0 : i32
    %dma_wait3A_73 = tpu.memref_slice %arg8[%dma_wait3A_71, %dma_wait3A_72] : memref<384x128xf32, #tpu.memory_space<vmem>> -> memref<32x128xf32, #tpu.memory_space<vmem>>
    %dma_wait3A_74 = arith.constant 0 : i32
    %dma_wait3A_75 = arith.constant 0 : i32
    %dma_wait3A_76 = tpu.memref_slice %arg3[%dma_wait3A_74, %dma_wait3A_75] : memref<100000x128xf32, #tpu.memory_space<hbm>> -> memref<32x128xf32, #tpu.memory_space<hbm>>
    tpu.wait_dma2 semaphore(%arg13 : memref<!tpu.dma_semaphore, #tpu.memory_space<semaphore_mem>>) src(%dma_wait3A_76 : memref<32x128xf32, #tpu.memory_space<hbm>>) dst(%dma_wait3A_73 : memref<32x128xf32, #tpu.memory_space<vmem>>)
    %dma_wait3A_77 = arith.constant 0 : i32
    %dma_wait3A_78 = arith.constant 0 : i32
    %dma_wait3A_79 = tpu.memref_slice %arg9[%dma_wait3A_77, %dma_wait3A_78] : memref<384x128xf32, #tpu.memory_space<vmem>> -> memref<32x128xf32, #tpu.memory_space<vmem>>
    %dma_wait3A_80 = arith.constant 0 : i32
    %dma_wait3A_81 = arith.constant 0 : i32
    %dma_wait3A_82 = tpu.memref_slice %arg3[%dma_wait3A_80, %dma_wait3A_81] : memref<100000x128xf32, #tpu.memory_space<hbm>> -> memref<32x128xf32, #tpu.memory_space<hbm>>
    %dma_wait3A_83 = arith.constant 0 : i32
    %dma_wait3A_84 = arith.constant 0 : i32
    %dma_wait3A_85 = tpu.memref_slice %arg9[%dma_wait3A_83, %dma_wait3A_84] : memref<384x128xf32, #tpu.memory_space<vmem>> -> memref<32x128xf32, #tpu.memory_space<vmem>>
    %dma_wait3A_86 = arith.constant 0 : i32
    %dma_wait3A_87 = arith.constant 0 : i32
    %dma_wait3A_88 = tpu.memref_slice %arg3[%dma_wait3A_86, %dma_wait3A_87] : memref<100000x128xf32, #tpu.memory_space<hbm>> -> memref<32x128xf32, #tpu.memory_space<hbm>>
    tpu.wait_dma2 semaphore(%arg14 : memref<!tpu.dma_semaphore, #tpu.memory_space<semaphore_mem>>) src(%dma_wait3A_88 : memref<32x128xf32, #tpu.memory_space<hbm>>) dst(%dma_wait3A_85 : memref<32x128xf32, #tpu.memory_space<vmem>>)
    return
  }
}

module attributes {stable_mosaic.version = 14 : i64} {
  func.func @_tc_body(%arg0: i32, %arg1: memref<2000x128xf32, #tpu.memory_space<vmem>>, %arg2: memref<2000x128xf32, #tpu.memory_space<vmem>>, %arg3: memref<128x128xf32, #tpu.memory_space<vmem>>, %arg4: memref<128x128xf32, #tpu.memory_space<vmem>>, %arg5: memref<128x128xf32, #tpu.memory_space<vmem>>, %arg6: memref<128x128xf32, #tpu.memory_space<vmem>>, %arg7: memref<2000x128xf32, #tpu.memory_space<vmem>>) attributes {dimension_semantics = [#tpu.dimension_semantics<arbitrary>], iteration_bounds = array<i64: 25>, scalar_prefetch = 0 : i64, scratch_operands = 0 : i64, tpu.core_type = #tpu.core_type<tc>, window_params = [{transform_indices = @transform_0, window_bounds = array<i64: 2000, 128>}, {transform_indices = @transform_1, window_bounds = array<i64: 2000, 128>}, {pipeline_mode = #tpu.pipeline_mode<synchronous>, transform_indices = @transform_2, window_bounds = array<i64: 128, 128>}, {pipeline_mode = #tpu.pipeline_mode<synchronous>, transform_indices = @transform_3, window_bounds = array<i64: 128, 128>}, {pipeline_mode = #tpu.pipeline_mode<synchronous>, transform_indices = @transform_4, window_bounds = array<i64: 128, 128>}, {pipeline_mode = #tpu.pipeline_mode<synchronous>, transform_indices = @transform_5, window_bounds = array<i64: 128, 128>}, {transform_indices = @transform_6, window_bounds = array<i64: 2000, 128>}]} {
    %get3A = arith.constant 0 : index
    %get3A_0 = arith.constant 0 : index
    %get3A_1 = vector.load %arg1[%get3A, %get3A_0] : memref<2000x128xf32, #tpu.memory_space<vmem>>, vector<2000x128xf32>
    %get3A_2 = arith.constant 0 : index
    %get3A_3 = arith.constant 0 : index
    %get3A_4 = vector.load %arg2[%get3A_2, %get3A_3] : memref<2000x128xf32, #tpu.memory_space<vmem>>, vector<2000x128xf32>
    %mul3A = arith.constant 1.000000e-01 : f32
    %mul3A_5 = vector.broadcast %mul3A : f32 to vector<2000x128xf32>
    %mul3A_6 = arith.mulf %get3A_4, %mul3A_5 : vector<2000x128xf32>
    %get3A_7 = arith.constant 0 : index
    %get3A_8 = arith.constant 0 : index
    %get3A_9 = vector.load %arg3[%get3A_7, %get3A_8] : memref<128x128xf32, #tpu.memory_space<vmem>>, vector<128x128xf32>
    %dot_general3A = arith.constant dense<0.000000e+00> : vector<2000x128xf32>
    %dot_general3A_10 = tpu.matmul %get3A_1, %get3A_9, %dot_general3A {dimension_numbers = #tpu.dot_dimension_numbers<[1], [0], [0], [1], [0, 0, 1, 1], [], []>, transpose_lhs_hint = false} : vector<2000x128xf32>, vector<128x128xf32>, vector<2000x128xf32> -> vector<2000x128xf32>
    %get3A_11 = arith.constant 0 : index
    %get3A_12 = arith.constant 0 : index
    %get3A_13 = vector.load %arg4[%get3A_11, %get3A_12] : memref<128x128xf32, #tpu.memory_space<vmem>>, vector<128x128xf32>
    %dot_general3A_14 = arith.constant dense<0.000000e+00> : vector<2000x128xf32>
    %dot_general3A_15 = tpu.matmul %mul3A_6, %get3A_13, %dot_general3A_14 {dimension_numbers = #tpu.dot_dimension_numbers<[1], [0], [0], [1], [0, 0, 1, 1], [], []>, transpose_lhs_hint = false} : vector<2000x128xf32>, vector<128x128xf32>, vector<2000x128xf32> -> vector<2000x128xf32>
    %add3A = arith.addf %dot_general3A_10, %dot_general3A_15 : vector<2000x128xf32>
    %tanh3A = math.tanh %add3A : vector<2000x128xf32>
    %get3A_16 = arith.constant 0 : index
    %get3A_17 = arith.constant 0 : index
    %get3A_18 = vector.load %arg5[%get3A_16, %get3A_17] : memref<128x128xf32, #tpu.memory_space<vmem>>, vector<128x128xf32>
    %dot_general3A_19 = arith.constant dense<0.000000e+00> : vector<2000x128xf32>
    %dot_general3A_20 = tpu.matmul %get3A_1, %get3A_18, %dot_general3A_19 {dimension_numbers = #tpu.dot_dimension_numbers<[1], [0], [0], [1], [0, 0, 1, 1], [], []>, transpose_lhs_hint = false} : vector<2000x128xf32>, vector<128x128xf32>, vector<2000x128xf32> -> vector<2000x128xf32>
    %get3A_21 = arith.constant 0 : index
    %get3A_22 = arith.constant 0 : index
    %get3A_23 = vector.load %arg6[%get3A_21, %get3A_22] : memref<128x128xf32, #tpu.memory_space<vmem>>, vector<128x128xf32>
    %dot_general3A_24 = arith.constant dense<0.000000e+00> : vector<2000x128xf32>
    %dot_general3A_25 = tpu.matmul %mul3A_6, %get3A_23, %dot_general3A_24 {dimension_numbers = #tpu.dot_dimension_numbers<[1], [0], [0], [1], [0, 0, 1, 1], [], []>, transpose_lhs_hint = false} : vector<2000x128xf32>, vector<128x128xf32>, vector<2000x128xf32> -> vector<2000x128xf32>
    %add3A_26 = arith.addf %dot_general3A_20, %dot_general3A_25 : vector<2000x128xf32>
    %logistic3A = arith.negf %add3A_26 : vector<2000x128xf32>
    %logistic3A_27 = math.exp %logistic3A : vector<2000x128xf32>
    %logistic3A_28 = arith.constant 1.000000e+00 : f32
    %logistic3A_29 = vector.broadcast %logistic3A_28 : f32 to vector<2000x128xf32>
    %logistic3A_30 = arith.addf %logistic3A_29, %logistic3A_27 : vector<2000x128xf32>
    %logistic3A_31 = arith.divf %logistic3A_29, %logistic3A_30 : vector<2000x128xf32>
    %tanh3A_32 = math.tanh %mul3A_6 : vector<2000x128xf32>
    %add3A_33 = arith.addf %tanh3A, %tanh3A_32 : vector<2000x128xf32>
    %mul3A_34 = arith.mulf %logistic3A_31, %add3A_33 : vector<2000x128xf32>
    %swap3A = arith.constant 0 : index
    %swap3A_35 = arith.constant 0 : index
    %swap3A_36 = vector.load %arg7[%swap3A, %swap3A_35] : memref<2000x128xf32, #tpu.memory_space<vmem>>, vector<2000x128xf32>
    tpu.vector_store %arg7[%swap3A, %swap3A_35], %mul3A_34 {strides = array<i32>} : memref<2000x128xf32, #tpu.memory_space<vmem>>, vector<2000x128xf32>,
    return
  }
  func.func @transform_0(%arg0: i32) -> (i32, i32) {
    %c0_i32 = arith.constant 0 : i32
    %c0_i32_0 = arith.constant 0 : i32
    return %arg0, %c0_i32 : i32, i32
  }
  func.func @transform_1(%arg0: i32) -> (i32, i32) {
    %c0_i32 = arith.constant 0 : i32
    %c0_i32_0 = arith.constant 0 : i32
    return %arg0, %c0_i32 : i32, i32
  }
  func.func @transform_2(%arg0: i32) -> (i32, i32) {
    %c0_i32 = arith.constant 0 : i32
    %c0_i32_0 = arith.constant 0 : i32
    %c0_i32_1 = arith.constant 0 : i32
    return %c0_i32, %c0_i32_0 : i32, i32
  }
  func.func @transform_3(%arg0: i32) -> (i32, i32) {
    %c0_i32 = arith.constant 0 : i32
    %c0_i32_0 = arith.constant 0 : i32
    %c0_i32_1 = arith.constant 0 : i32
    return %c0_i32, %c0_i32_0 : i32, i32
  }
  func.func @transform_4(%arg0: i32) -> (i32, i32) {
    %c0_i32 = arith.constant 0 : i32
    %c0_i32_0 = arith.constant 0 : i32
    %c0_i32_1 = arith.constant 0 : i32
    return %c0_i32, %c0_i32_0 : i32, i32
  }
  func.func @transform_5(%arg0: i32) -> (i32, i32) {
    %c0_i32 = arith.constant 0 : i32
    %c0_i32_0 = arith.constant 0 : i32
    %c0_i32_1 = arith.constant 0 : i32
    return %c0_i32, %c0_i32_0 : i32, i32
  }
  func.func @transform_6(%arg0: i32) -> (i32, i32) {
    %c0_i32 = arith.constant 0 : i32
    %c0_i32_0 = arith.constant 0 : i32
    return %arg0, %c0_i32 : i32, i32
  }
}

</mosaic_0001>

<sc_bundles>
// kernel: _run.4.cloned.1.call-start
scs
__scs_entry_jumppad:
0x0: {  	(pc) =	sbr.rel $0x88, $3  }
0x1: {  	(tag) =	ssettag $0x0;
	lr =	simm.s32 $0x1  }
0x2: {  	[smem:$0x3F9C] =	sst lr;
	_ =	strace $0xD0000000  }
0x3: {  	_ = 	snop  }
0x4: {  	_ = 	snop  }
0x5: {  	_ = 	snop  }
0x6: {  	_ = 	snop  }
0x7: {  	_ = 	snop  }
__scs_overlays_trampoline_lowered:
0x8: {  	[smem:$0x3FAB] =	sst s0  }
0x9: {  	[smem:$0x3FAC] =	sst s1  }
0xa: {  	[smem:$0x3FAD] =	sst s2  }
0xb: {  	[smem:$0x3FAE] =	sst s3  }
0xc: {  	[smem:$0x3FAF] =	sst s4  }
0xd: {  	[smem:$0x3FB0] =	sst s5  }
0xe: {  	[smem:$0x3FB1] =	sst s6  }
0xf: {  	[smem:$0x3FB2] =	sst s7  }
0x10: {  	[smem:$0x3FB3] =	sst s8  }
0x11: {  	[smem:$0x3FB4] =	sst s9;
	s0 =	simm.s32 @!p0 $0x0  }
0x12: {  	s1 =	sld [smem:$0x3F9A];
	s0 =	simm.s32 @p0 $0x1  }
0x13: {  	[smem:$0x3FB5] =	sst s0;
	s0 =	simm.s32 @!p1 $0x0  }
0x14: {  	s2 =	sld [smem:$0x3F99];
	s0 =	simm.s32 @p1 $0x1  }
0x15: {  	[smem:$0x3FB6] =	sst s0;
	s0 =	simm.s32 @!p2 $0x0  }
0x16: {  	s3 =	sld [smem:$0x3FDB];
	s0 =	simm.s32 @p2 $0x1  }
0x17: {  	s4 =	simm.s32 $0x1BF5;
	[smem:$0x3FB8] =	sst s0  }
0x18: {  	s0 =	sld [smem:$0x3F9B];
	_ =	swait.ge [sflag:s4], $0x0  }
0x19: {  	s7 =	sld [smem:$0x3F9C]  }
0x1a: {  	s8 =	sadd.s32 $0xFFFFE003, lr  }
0x1b: {  	s9 =	sadd.s32 $0xFFFFFEF7, lr;
	s5 =	simm.s32 $0xFFFFFFFF;
	p2 =	slt.u32 s8, $0xFFFFF086  }
0x1c: {  	p1 =	slt.u32 s9, $0xF7A;
	s5 =	simm.s32 @!p2 $0x0  }
0x1d: {  	s5 =	simm.s32 @p1 $0x1;
	p0 =	seq.s32 s7, s2  }
0x1e: {  	s7 =	smul.u32 @!p0 $0xF7A, s2;
	p2 =	seq.s32 @!p0 s5, $0x0  }
0x1f: {  	s9 =	smul.u32 $0xF7A, s1;
	s8 =	simm.s32 @!p0 $0x1BF5;
	p2 =	por !p2, p0  }
0x20: {  	[sflag:s8] =	ssyncset.s32 @!p0 $0xFFFFF086;
	s6 =	sadd.s32 @!p0 s3, s7;
	s7 =	simm.s32 @!p0 $0x108  }
0x21: {  	s3 =	sadd.s32 s3, s9;
	s6 =	sadd.s32 @!p0 $0x88, s6;
	s7 =	simm.s32 @p2 $0x1082  }
0x22: {  	[simem:s7], [sflag:s8] =	dma.local @!p0 [hbm:s6], $0xF7A  }
0x23: {  	s9 =	sor.u32 $0xD0000000, s2;
	s6 =	simm.s32 $0x108;
	_ =	swait.ge @!p0 [sflag:s8], $0x0  }
0x24: {  	s3 =	sadd.s32 $0x88, s3;
	s6 =	simm.s32 @!p1 $0x1082;
	[sflag:s4] =	ssyncset.s32 $0xFFFFF086  }
0x25: {  	[simem:s6], [sflag:s4] =	dma.local [hbm:s3], $0xF7A  }
0x26: {  	[smem:$0x3F9C] =	sst s1;
	(tag) =	ssettag s2;
	_ =	strace s9  }
0x27: {  	s1 =	sld [smem:$0x3FAC]  }
0x28: {  	s2 =	sld [smem:$0x3FAD]  }
0x29: {  	s4 =	sld [smem:$0x3FAF]  }
0x2a: {  	p0 =	seq.s32 s5, $0x0;
	s5 =	sld [smem:$0x3FB0]  }
0x2b: {  	s6 =	sld [smem:$0x3FB1]  }
0x2c: {  	s7 =	sld [smem:$0x3FB2]  }
0x2d: {  	s3 =	simm.s32 $0x108;
	s8 =	sld [smem:$0x3FB3]  }
0x2e: {  	s3 =	simm.s32 @!p0 $0x1082;
	s9 =	sld [smem:$0x3FB4]  }
0x2f: {  	lr =	sadd.s32 s0, s3;
	s0 =	sld [smem:$0x3FAB]  }
0x30: {  	s3 =	sld [smem:$0x3FAE]  }
0x31: {  	[smem:$0x3FB7] =	sst s10  }
0x32: {  	s10 =	sld [smem:$0x3FB5];
	_ =	sdelay $0x3  }
0x33: {  	p0 =	seq.s32 s10, $0x1;
	s10 =	sld [smem:$0x3FB7];
	_ =	sdelay $0x3  }
0x34: {  	[smem:$0x3FB7] =	sst s10  }
0x35: {  	s10 =	sld [smem:$0x3FB6];
	_ =	sdelay $0x3  }
0x36: {  	p1 =	seq.s32 s10, $0x1;
	s10 =	sld [smem:$0x3FB7];
	_ =	sdelay $0x3  }
0x37: {  	[smem:$0x3FB7] =	sst s10  }
0x38: {  	s10 =	sld [smem:$0x3FB8]  }
0x39: {  	_ = 	snop;
	(pc) =	sbr.ind lr, $3  }
0x3a: {  	_ = 	snop  }
0x3b: {  	_ = 	snop  }
0x3c: {  	p2 =	seq.s32 s10, $0x1;
	s10 =	sld [smem:$0x3FB7]  }
0x3d: {  	_ =	shalt  }
0x3e: {  	_ =	shalt  }
0x3f: {  	_ =	shalt  }
0x40: {  	_ =	shalt  }
0x41: {  	_ =	shalt  }
0x42: {  	_ =	shalt  }
0x43: {  	_ =	shalt  }
0x44: {  	_ =	shalt  }
0x45: {  	_ =	shalt  }
0x46: {  	_ =	shalt  }
0x47: {  	_ =	shalt  }
0x48: {  	_ =	shalt  }
0x49: {  	_ =	shalt  }
0x4a: {  	_ =	shalt  }
0x4b: {  	_ =	shalt  }
0x4c: {  	_ =	shalt  }
0x4d: {  	_ =	shalt  }
0x4e: {  	_ =	shalt  }
0x4f: {  	_ =	shalt  }
0x50: {  	_ =	shalt  }
0x51: {  	_ =	shalt  }
0x52: {  	_ =	shalt  }
0x53: {  	_ =	shalt  }
0x54: {  	_ =	shalt  }
0x55: {  	_ =	shalt  }
0x56: {  	_ =	shalt  }
0x57: {  	_ =	shalt  }
0x58: {  	_ =	shalt  }
0x59: {  	_ =	shalt  }
0x5a: {  	_ =	shalt  }
0x5b: {  	_ =	shalt  }
0x5c: {  	_ =	shalt  }
0x5d: {  	_ =	shalt  }
0x5e: {  	_ =	shalt  }
0x5f: {  	_ =	shalt  }
0x60: {  	_ =	shalt  }
0x61: {  	_ =	shalt  }
0x62: {  	_ =	shalt  }
0x63: {  	_ =	shalt  }
0x64: {  	_ =	shalt  }
0x65: {  	_ =	shalt  }
0x66: {  	_ =	shalt  }
0x67: {  	_ =	shalt  }
0x68: {  	_ =	shalt  }
0x69: {  	_ =	shalt  }
0x6a: {  	_ =	shalt  }
0x6b: {  	_ =	shalt  }
0x6c: {  	_ =	shalt  }
0x6d: {  	_ =	shalt  }
0x6e: {  	_ =	shalt  }
0x6f: {  	_ =	shalt  }
0x70: {  	_ =	shalt  }
0x71: {  	_ =	shalt  }
0x72: {  	_ =	shalt  }
0x73: {  	_ =	shalt  }
0x74: {  	_ =	shalt  }
0x75: {  	_ =	shalt  }
0x76: {  	_ =	shalt  }
0x77: {  	_ =	shalt  }
0x78: {  	_ =	shalt  }
0x79: {  	_ =	shalt  }
0x7a: {  	_ =	shalt  }
0x7b: {  	_ =	shalt  }
0x7c: {  	_ =	shalt  }
0x7d: {  	_ =	shalt  }
0x7e: {  	_ =	shalt  }
0x7f: {  	_ =	shalt  }
0x80: {  	_ =	shalt  }
0x81: {  	_ =	shalt  }
0x82: {  	_ =	shalt  }
0x83: {  	_ =	shalt  }
0x84: {  	_ =	shalt  }
0x85: {  	_ =	shalt  }
0x86: {  	_ =	shalt  }
0x87: {  	_ =	shalt  }
.Lfunc_end0:
.L_simem_size_0:
called_computation_lowered:
.L_overlay_start_0:
0x88: {  	s2 =	sld [smem:$0x3FD9]  }
0x89: {  	s3 =	sld [smem:$0x3FFE];
	_ =	sdelay $0x1  }
0x8a: {  	s1 =	srdreg.scid  }
0x8b: {  	s0 =	sand.u32 $0x1, s1  }
0x8c: {  	s17 =	sshll.u32 s0, $0xA;
	s2 =	sadd.s32 s3, s2  }
0x8d: {  	s2 =	sadd.s32 s2, s17  }
0x8e: {  	[smem:$0x3FC3] =	sst s2  }
0x8f: {  	_ = 	snop  }
0x90: {  	s2 =	sld [smem:$0x3FC7]  }
0x91: {  	s18 =	sld [smem:$0x3FD0];
	(tm) =	ssettm $0x1  }
0x92: {  	s4 =	sld [smem:$0x3FFB];
	_ =	sdelay $0x3  }
0x93: {  	_ =	strace s4  }
0x94: {  	s4 =	sld [smem:$0x3FFC];
	_ =	sdelay $0x3  }
0x95: {  	_ =	strace s4  }
0x96: {  	s4 =	sld [smem:$0x3FFD];
	_ =	sdelay $0x3  }
0x97: {  	_ =	strace s4  }
0x98: {  	_ =	strace $0x8FFFFFFF  }
0x99: {  	s19 =	sld [smem:$0x3FDB];
	_ =	sdelay $0x1  }
0x9a: {  	s5 =	simm.s32 $_scs_section_size  }
0x9b: {  	s6 =	simm.s32 $_size__tile_overlayer_lowered;
	s7 =	simm.s32 $_tile_overlayer_lowered  }
0x9c: {  	s22 =	simm.s32 $0x1BFF;
	s21 =	sshll.u32 s7, $0x1;
	s4 =	sadd.s32 s5, s19  }
0x9d: {  	s8 =	simm.s32 $0x0;
	s20 =	sshll.u32 s6, $0x1;
	s6 =	sadd.s32 s21, s4  }
0x9e: {  	[timem:s8], [sflag:s22] =	dma.local [hbm:s6], s20  }
0x9f: {  	_ =	swait.ge [sflag:s22], s20  }
0xa0: {  	s5 =	ssub.s32 $0x0, s20;
	[sflag:s22] =	ssyncset.done $0x0  }
0xa1: {  	[sflag:s22] =	ssyncadd.s32 s5;
	_ =	sdelay $0x1  }
0xa2: {  	s23 =	simm.s32 $0x1B8B  }
0xa3: {  	_ =	swait.ge [sflag:s23], $0x1  }
0xa4: {  	[sflag:s23] =	ssyncset.done $0x0  }
0xa5: {  	s25 =	simm.s32 $0x1B8E;
	s24 =	sld [smem:$0x3FFE];
	[sflag:s23] =	ssyncadd.s32 $0xFFFFFFFF  }
0xa6: {  	s26 =	simm.s32 $execute0_lowered;
	[smem:$0x3FD2] =	sst s25  }
0xa7: {  	s6 =	sshll.u32 s26, $0x1;
	_ =	strace $0x80000046;
	[dreg:$0x1] =	wrdreg $0xFFFFFFFF  }
0xa8: {  	s28 =	simm.s32 $_size_execute0_lowered;
	s4 =	sadd.s32 s4, s6;
	[dreg:$0x0] =	wrdreg $0x0  }
0xa9: {  	s6 =	sshll.u32 s28, $0x1;
	[dreg:$0x2] =	wrdreg s4  }
0xaa: {  	[dreg:$0x3] =	wrdreg s6  }
0xab: {  	[dreg:$0x4] =	wrdreg $0xC0  }
0xac: {  	_ =	task [dreg:s8], $0x5FFFF  }
0xad: {  	[dreg:$0x1] =	wrdreg $0xFFFFFFFF  }
0xae: {  	[dreg:$0x0] =	wrdreg $0x60  }
0xaf: {  	[dreg:$0x2] =	wrdreg s18  }
0xb0: {  	[dreg:$0x3] =	wrdreg s2  }
0xb1: {  	[dreg:$0x4] =	wrdreg s24  }
0xb2: {  	[dreg:$0x5] =	wrdreg $0x9  }
0xb3: {  	_ =	task.clear_ibuf [dreg:s8], $0x6FFFF;
	_ =	strace $0x90000046  }
0xb4: {  	s29 =	simm.s32 $0x9;
	_ =	strace $0x80000048  }
0xb5: {  	_ =	swait.ge [sflag:s29], $0x1  }
0xb6: {  	[sflag:s29] =	ssyncadd.s32 $0xFFFFFFFF  }
0xb7: {  	_ =	strace $0x90000048  }
0xb8: {  	_ =	sfence  }
0xb9: {  	s30 =	sld [smem:$0x0];
	_ =	sdelay $0x2  }
0xba: {  	s31 =	sshll.u32 s1, $0xD;
	s1 =	sshrl.u32 s1, $0x2  }
0xbb: {  	s3 =	sand.u32 $0x4000, s31;
	s1 =	sadd.s32 s1, s30  }
0xbc: {  	s0 =	sor.u32 s3, s0;
	s1 =	sshll.u32 s1, $0x11  }
0xbd: {  	s0 =	sor.u32 s1, s0  }
0xbe: {  	s0 =	sadd.s32 $0x8F2B, s0  }
0xbf: {  	[sflag:s0] =	ssyncadd.remote.s32 $0x1  }
0xc0: {  	_ =	sfence.sel $0xFFFF  }
0xc1: {  	[dreg:$0x0] =	wrdreg $0xFFFFFFFF;
	(pc) =	sbr.abs _section_cstart, $3  }
0xc2: {  	[dreg:$0x1] =	wrdreg $0xFFFFFFFF  }
0xc3: {  	_ =	task.clear_ibuf [dreg:s8], $0x2FFFF;
	_ =	strace $0x9FFFFFFF  }
0xc4: {  	(tm) =	ssettm $0x7FFFFFFF  }
0xc5: {  	_ =	shalt  }
tec
execute0_lowered:
.L_overlay_start_1:
0x0: {  	(tag) =	ssettag $0x1  }
0x1: {  	s1 =	rddreg [dreg:$0x0]  }
0x2: {  	s0 =	srdreg.scid;
	s3 =	rddreg [dreg:$0x1]  }
0x3: {  	s2 =	stileid.u32;
	s6 =	rddreg [dreg:$0x2];
	s4 =	simm.s32 $0x0  }
0x4: {  	s14 =	simm.s32 $0x7;
	s15 =	simm.s32 $0x200;
	s16 =	simm.s32 $0x80  }
0x5: {  	s17 =	simm.s32 $0x400;
	s21 =	simm.s32 $0xC400;
	s22 =	simm.s32 $0x280  }
0x6: {  	s23 =	simm.s32 $0x10400;
	s24 =	simm.s32 $0x300;
	s25 =	simm.s32 $0x14400  }
0x7: {  	s28 =	simm.s32 $0x3;
	s0 =	sand.u32 $0x1, s0;
	s2 =	sshll.u32 s2, $0x1  }
0x8: {  	s29 =	simm.s32 $0x18400;
	s30 =	simm.s32 $0x4;
	s2 =	sor.u32 s0, s2  }
0x9: {  	s31 =	simm.s32 $0x19400;
	s0 =	ssub.s32 $0x2, s0;
	s8 =	smul.u32 $0x6400, s2  }
0xa: {  	[smem:$0x7FF] =	sst s4;
	s5 =	sadd.s32 $0x1000, s6;
	s9 =	sshrl.u32 s0, $0x1  }
0xb: {  	_ =	strace $0x80000047;
	s0 =	ssub.s32 s0, s9;
	s7 =	sshrl.u32 s8, $0x3  }
.Ltmp0:
0xc: {  	s9 =	sadd.s32 $0x400, s8;
	s11 =	sadd.s32 $0x600, s8;
	(pc) =	sbr.rel .LBB2_1-.Ltmp0, $4  }
0xd: {  	s0 =	smax.u32 s0, $0x1;
	s13 =	sor.u32 $0x200, s8;
	s10 =	sadd.s32 s1, s7  }
0xe: {  	s7 =	sadd.s32 $0xC9000, s6;
	[dreg:$0x6] =	wrdreg s0;
	s0 =	simm.s32 $0x0  }
0xf: {  	[dreg:$0x4] =	wrdreg s10;
	s26 =	sadd.s32 $0x40, s10;
	s10 =	smul.u32 $0x32000, s2  }
0x10: {  	s2 =	simm.s32 $0x6;
	[dreg:$0x5] =	wrdreg s26;
	s26 =	simm.s32 $0x1  }
.LBB2_11:
0x11: {  	_ =	swait.ge [sflag:s28], $0x1000  }
0x12: {  	[sflag:s28] =	ssyncset.done $0x0  }
0x13: {  	[sflag:s28] =	ssyncadd.s32 $0xFFFFF000  }
0x14: {  	_ =	swait.ge [sflag:s30], $0x1000  }
0x15: {  	s0 =	sadd.s32 $0x1, s0;
	s6 =	rddreg [dreg:$0x6]  }
0x16: {  	p0 =	sne.s32 s0, s6  }
.Ltmp1:
0x17: {  	_ = 	snop;
	(pc) =	sbr.rel @!p0 .LBB2_12-.Ltmp1, $3  }
0x18: {  	_ =	sdelay $0x1  }
0x19: {  	[sflag:s30] =	ssyncset.done $0x0  }
0x1a: {  	[sflag:s30] =	ssyncadd.s32 $0xFFFFF000  }
.LBB2_1:
0x1b: {  	s6 =	rddreg [dreg:$0x4]  }
0x1c: {  	[tilespmem:s4], [sflag:$0x7] =	stream.linear.gather [hbm4b:s6+s4], $0x180, $0x38;
	[tilespmem:$0x1A400] =	vst v63  }
0x1d: {  	_ =	swait.ge [sflag:s14], $0x180  }
0x1e: {  	[sflag:s14] =	ssyncset.done $0x0  }
0x1f: {  	s18 =	rddreg [dreg:$0x5];
	[sflag:s14] =	ssyncadd.s32 $0xFFFFFE80  }
0x20: {  	[tilespmem:s15], [sflag:$0x7] =	stream.linear.gather [hbm4b:s18+s4], $0x180, $0x38;
	[tilespmem:$0x1A400] =	vst v63  }
0x21: {  	_ =	swait.ge [sflag:s14], $0x180  }
0x22: {  	[sflag:s14] =	ssyncset.done $0x0  }
0x23: {  	[sflag:s14] =	ssyncadd.s32 $0xFFFFFE80  }
0x24: {  	[tilespmem:s17], [sflag:$0x1] =	stream.indirect.gather [hbm4b:s3+s16], $0x80, s4, s16, $0xb8;
	[tilespmem:$0x1A400] =	vst v63  }
0x25: {  	s19 =	simm.s32 $0x4400  }
0x26: {  	[tilespmem:s19], [sflag:$0x1] =	stream.indirect.gather [hbm4b:s3+s16], $0x80, s16, s16, $0xb8;
	[tilespmem:$0x1A400] =	vst v63  }
0x27: {  	s20 =	simm.s32 $0x100;
	s8 =	simm.s32 $0x8400  }
0x28: {  	[tilespmem:s8], [sflag:$0x1] =	stream.indirect.gather [hbm4b:s3+s16], $0x80, s20, s16, $0xb8;
	[tilespmem:$0x1A400] =	vst v63  }
0x29: {  	_ = 	snop  }
0x2a: {  	[tilespmem:s21], [sflag:$0x2] =	stream.indirect.gather [hbm4b:s3+s16], $0x80, s15, s16, $0xb8;
	[tilespmem:$0x1A400] =	vst v63  }
0x2b: {  	_ = 	snop  }
0x2c: {  	[tilespmem:s23], [sflag:$0x2] =	stream.indirect.gather [hbm4b:s3+s16], $0x80, s22, s16, $0xb8;
	[tilespmem:$0x1A400] =	vst v63  }
0x2d: {  	s18 =	simm.s32 $0x0  }
0x2e: {  	[tilespmem:s25], [sflag:$0x2] =	stream.indirect.gather [hbm4b:s3+s16], $0x80, s24, s16, $0xb8;
	[tilespmem:$0x1A400] =	vst v63  }
.LBB2_2:
0x2f: {  	_ =	swait.ge [sflag:s26], $0x4000  }
0x30: {  	[sflag:s26] =	ssyncset.done $0x0  }
0x31: {  	p0 =	seq.s32 s18, $0x18;
	[sflag:s26] =	ssyncadd.s32 $0xFFFFC000  }
0x32: {  	p1 =	seq.s32 @!p0 s18, $0x0;
	_ =	swait.ge [sflag:s26], $0x4000  }
0x33: {  	p1 =	por p0, !p1;
	[sflag:s26] =	ssyncset.done $0x0  }
.Ltmp2:
0x34: {  	s19 =	sshll.u32 s18, $0xA;
	[sflag:s26] =	ssyncadd.s32 $0xFFFFC000;
	(pc) =	sbr.rel @!p1 .LBB2_3-.Ltmp2, $4  }
0x35: {  	s6 =	sadd.s32 @!p0 s19, s9;
	_ =	swait.ge [sflag:s26], $0x4000  }
0x36: {  	s6 =	sshrl.u32 @!p0 s6, $0x3;
	[sflag:s26] =	ssyncset.done $0x0  }
0x37: {  	s8 =	simm.s32 @!p0 $0x0;
	s6 =	sadd.s32 @!p0 s1, s6;
	[sflag:s26] =	ssyncadd.s32 $0xFFFFC000  }
0x38: {  	[tilespmem:s8], [sflag:$0x5] =	stream.linear.gather @!p0 [hbm4b:s6+s8], $0x180, $0x38;
	[tilespmem:$0x1A400] =	vst v63  }
.Ltmp3:
0x39: {  	(pc) =	sbr.rel .LBB2_5-.Ltmp3, $4  }
0x3a: {  	_ = 	snop  }
0x3b: {  	_ =	swait.ge [sflag:s28], $0x1000  }
0x3c: {  	[sflag:s28] =	ssyncset.done $0x0  }
0x3d: {  	p1 =	por $0x0, $0x0;
	[sflag:s28] =	ssyncadd.s32 $0xFFFFF000  }
.LBB2_3:
0x3e: {  	p1 =	por @!p0 $0x1, $0x1  }
.LBB2_5:
0x3f: {  	s6 =	sshll.u32 s18, $0xD  }
0x40: {  	s6 =	sadd.s32 s10, s6  }
0x41: {  	s20 =	sshrl.u32 s6, $0x3  }
0x42: {  	s8 =	simm.s32 $0x0;
	s6 =	sadd.s32 s5, s20  }
0x43: {  	[hbm4b:s6+s8] =	stream.linear.scatter [tilespmem:s17], [sflag:$0x3], $0x1000, $0x38;
	[tilespmem:$0x1A400] =	vst v63  }
0x44: {  	s8 =	simm.s32 $0x0  }
0x45: {  	v0 =	vld [tilespmem:s8+$0x1470]  }
0x46: {  	v1 =	vld [tilespmem:s8+$0x2470]  }
0x47: {  	v2 =	vld [tilespmem:s8+$0x1400]  }
0x48: {  	v3 =	vld [tilespmem:s8+$0x3470]  }
0x49: {  	v4 =	vld [tilespmem:s8+$0x2400]  }
0x4a: {  	v5 =	vld [tilespmem:s8+$0x4470]  }
0x4b: {  	v6 =	vld [tilespmem:s8+$0x1410]  }
0x4c: {  	v7 =	vld [tilespmem:s8+$0x2410]  }
0x4d: {  	v8 =	vld [tilespmem:s8+$0x1420]  }
0x4e: {  	v9 =	vld [tilespmem:s8+$0x2420]  }
0x4f: {  	v10 =	vld [tilespmem:s8+$0x1430]  }
0x50: {  	v11 =	vld [tilespmem:s8+$0x2430]  }
0x51: {  	v12 =	vld [tilespmem:s8+$0x1440]  }
0x52: {  	v13 =	vld [tilespmem:s8+$0x1450]  }
0x53: {  	v14 =	vld [tilespmem:s8+$0x1460]  }
0x54: {  	v15 =	vld [tilespmem:s8+$0x3400]  }
0x55: {  	v16 =	vld [tilespmem:s8+$0x3420]  }
0x56: {  	v17 =	vld [tilespmem:s8+$0x3430]  }
0x57: {  	v18 =	vld [tilespmem:s8+$0x3440]  }
0x58: {  	v19 =	vld [tilespmem:s8+$0x3450]  }
0x59: {  	v20 =	vld [tilespmem:s8+$0x3460]  }
0x5a: {  	v21 =	vld [tilespmem:s8+$0x4400]  }
0x5b: {  	v22 =	vld [tilespmem:s8+$0x4410]  }
0x5c: {  	v23 =	vld [tilespmem:s8+$0x4420]  }
0x5d: {  	v24 =	vld [tilespmem:s8+$0x4430]  }
0x5e: {  	v25 =	vld [tilespmem:s8+$0x4440]  }
0x5f: {  	v26 =	vld [tilespmem:s8+$0x4450]  }
0x60: {  	v27 =	vld [tilespmem:s8+$0x4460]  }
0x61: {  	v28 =	vld [tilespmem:s8+$0x5400]  }
0x62: {  	v29 =	vld [tilespmem:s8+$0x5410]  }
0x63: {  	v30 =	vld [tilespmem:s8+$0x5420]  }
0x64: {  	v31 =	vld [tilespmem:s8+$0x5430]  }
0x65: {  	v32 =	vld [tilespmem:s8+$0x5440]  }
0x66: {  	v33 =	vld [tilespmem:s8+$0x5450]  }
0x67: {  	v34 =	vld [tilespmem:s8+$0x5460]  }
0x68: {  	v35 =	vld [tilespmem:s8+$0x6400]  }
0x69: {  	v36 =	vld [tilespmem:s8+$0x6410]  }
0x6a: {  	v37 =	vld [tilespmem:s8+$0x6420]  }
0x6b: {  	v38 =	vld [tilespmem:s8+$0x6430]  }
0x6c: {  	v39 =	vld [tilespmem:s8+$0x6440]  }
0x6d: {  	v40 =	vld [tilespmem:s8+$0x6450]  }
0x6e: {  	v41 =	vld [tilespmem:s8+$0x6460]  }
0x6f: {  	v44 =	vld [tilespmem:s8+$0x7450];
	v0 =	vadd.f32 v1, v0  }
0x70: {  	v1 =	vld [tilespmem:s8+$0x5470]  }
0x71: {  	v45 =	vld [tilespmem:s8+$0x7460];
	v2 =	vadd.f32 v4, v2;
	v0 =	vadd.f32 v3, v0  }
0x72: {  	v6 =	vadd.f32 v7, v6;
	v7 =	vadd.f32 v9, v8;
	v3 =	vld [tilespmem:s8+$0x6470]  }
0x73: {  	v4 =	vld [tilespmem:s8+$0x7400];
	v9 =	vadd.f32 v11, v10;
	v0 =	vadd.f32 v5, v0  }
0x74: {  	v2 =	vadd.f32 v15, v2;
	v7 =	vadd.f32 v16, v7;
	v5 =	vld [tilespmem:s8+$0x7470]  }
0x75: {  	v10 =	vld [tilespmem:s8+$0x7420];
	v9 =	vadd.f32 v17, v9;
	v0 =	vadd.f32 v1, v0  }
0x76: {  	v2 =	vadd.f32 v21, v2;
	v7 =	vadd.f32 v23, v7;
	v1 =	vld [tilespmem:s8+$0x8470]  }
0x77: {  	v11 =	vld [tilespmem:s8+$0x7430];
	v9 =	vadd.f32 v24, v9;
	v0 =	vadd.f32 v3, v0  }
0x78: {  	v2 =	vadd.f32 v28, v2;
	v7 =	vadd.f32 v30, v7;
	v3 =	vld [tilespmem:s8+$0x9470]  }
0x79: {  	v46 =	vld [tilespmem:s8+$0x8400];
	v9 =	vadd.f32 v31, v9;
	v0 =	vadd.f32 v5, v0  }
0x7a: {  	v2 =	vadd.f32 v35, v2;
	v7 =	vadd.f32 v37, v7;
	v5 =	vld [tilespmem:s8+$0xA470]  }
0x7b: {  	v49 =	vld [tilespmem:s8+$0x8430];
	v9 =	vadd.f32 v38, v9;
	v0 =	vadd.f32 v1, v0  }
0x7c: {  	v53 =	vld [tilespmem:s8+$0x9400];
	v2 =	vadd.f32 v4, v2;
	v4 =	vadd.f32 v10, v7  }
0x7d: {  	v7 =	vadd.f32 v11, v9;
	v11 =	vld [tilespmem:s8+$0xA400];
	v0 =	vadd.f32 v3, v0  }
0x7e: {  	v1 =	vld [tilespmem:s8+$0x2440]  }
0x7f: {  	v3 =	vld [tilespmem:s8+$0x2450];
	v0 =	vadd.f32 v5, v0  }
0x80: {  	v2 =	vadd.f32 v46, v2;
	v5 =	vld [tilespmem:s8+$0x2460]  }
0x81: {  	[tilespmem:s8+$0x18470] =	vst v0;
	v0 =	vld [tilespmem:s8+$0x3410]  }
0x82: {  	v47 =	vld [tilespmem:s8+$0x8410];
	v61 =	vadd.f32 v53, v2  }
0x83: {  	v48 =	vld [tilespmem:s8+$0x8420];
	v58 =	vadd.f32 v49, v7;
	v1 =	vadd.f32 v1, v12  }
0x84: {  	v50 =	vld [tilespmem:s8+$0x8440];
	v11 =	vadd.f32 v11, v61;
	v3 =	vadd.f32 v3, v13  }
0x85: {  	v51 =	vld [tilespmem:s8+$0x8450];
	v1 =	vadd.f32 v18, v1;
	v5 =	vadd.f32 v5, v14  }
0x86: {  	v52 =	vld [tilespmem:s8+$0x8460];
	v3 =	vadd.f32 v19, v3;
	v0 =	vadd.f32 v0, v6  }
0x87: {  	v54 =	vld [tilespmem:s8+$0x9410];
	v1 =	vadd.f32 v25, v1;
	v5 =	vadd.f32 v20, v5  }
0x88: {  	v6 =	vld [tilespmem:s8+$0x7440];
	v3 =	vadd.f32 v26, v3;
	v0 =	vadd.f32 v22, v0  }
0x89: {  	v8 =	vld [tilespmem:s8+$0x7410];
	v1 =	vadd.f32 v32, v1;
	v5 =	vadd.f32 v27, v5  }
0x8a: {  	v55 =	vld [tilespmem:s8+$0x9420];
	v3 =	vadd.f32 v33, v3;
	v0 =	vadd.f32 v29, v0  }
0x8b: {  	v56 =	vld [tilespmem:s8+$0x9430];
	v1 =	vadd.f32 v39, v1;
	v5 =	vadd.f32 v34, v5  }
0x8c: {  	v57 =	vld [tilespmem:s8+$0xA410];
	v3 =	vadd.f32 v40, v3;
	v0 =	vadd.f32 v36, v0  }
0x8d: {  	v59 =	vld [tilespmem:s8+$0xA420];
	v1 =	vadd.f32 v6, v1;
	v6 =	vadd.f32 v48, v4  }
0x8e: {  	v9 =	vld [tilespmem:s8+$0x9450];
	v5 =	vadd.f32 v41, v5;
	v0 =	vadd.f32 v8, v0  }
0x8f: {  	v3 =	vadd.f32 v44, v3;
	v1 =	vadd.f32 v50, v1;
	v8 =	vld [tilespmem:s8+$0x9440]  }
0x90: {  	v10 =	vld [tilespmem:s8+$0x9460];
	v63 =	vadd.f32 v55, v6;
	v0 =	vadd.f32 v47, v0  }
0x91: {  	v7 =	vld [tilespmem:s8+$0xA430];
	v5 =	vadd.f32 v45, v5;
	v3 =	vadd.f32 v51, v3  }
0x92: {  	v4 =	vld [tilespmem:s8+$0xA440];
	v6 =	vadd.f32 v56, v58;
	v62 =	vadd.f32 v54, v0  }
0x93: {  	v60 =	vadd.f32 v52, v5;
	v5 =	vld [tilespmem:s8+$0xA450];
	v3 =	vadd.f32 v9, v3  }
0x94: {  	s6 =	simm.s32 $0x80;
	v2 =	vadd.f32 v8, v1;
	v8 =	vld [tilespmem:s8+$0xA460];
	v9 =	vadd.f32 v57, v62  }
0x95: {  	s12 =	simm.s32 $0x400;
	v0 =	vadd.f32 v10, v60;
	v10 =	vadd.f32 v59, v63;
	v1 =	vld [tilespmem:s6+$0x1470];
	[tilespmem:s8+$0x18400] =	vst v11  }
.LBB2_6:
0x96: {  	p2 =	sne.s32 s12, $0x3E00;
	v11 =	vld [tilespmem:s6+$0x2470];
	[tilespmem:s8+$0x18410] =	vst v9;
	v6 =	vadd.f32 v7, v6  }
0x97: {  	v7 =	vld [tilespmem:s6+$0x1400];
	[tilespmem:s8+$0x18420] =	vst v10;
	v2 =	vadd.f32 v4, v2  }
0x98: {  	v4 =	vld [tilespmem:s6+$0x3470];
	[tilespmem:s8+$0x18430] =	vst v6;
	v3 =	vadd.f32 v5, v3  }
0x99: {  	v5 =	vld [tilespmem:s6+$0x2400];
	[tilespmem:s8+$0x18440] =	vst v2;
	v0 =	vadd.f32 v8, v0  }
0x9a: {  	v2 =	vld [tilespmem:s6+$0x4470];
	[tilespmem:s8+$0x18450] =	vst v3  }
0x9b: {  	v3 =	vld [tilespmem:s6+$0x1410];
	v1 =	vadd.f32 v11, v1;
	[tilespmem:s8+$0x18460] =	vst v0;
	s8 =	smov.u32 s6  }
0x9c: {  	v0 =	vld [tilespmem:s8+$0x5470]  }
0x9d: {  	v6 =	vld [tilespmem:s8+$0x2410];
	v1 =	vadd.f32 v4, v1  }
0x9e: {  	v4 =	vadd.f32 v5, v7;
	v5 =	vld [tilespmem:s8+$0x6470]  }
0x9f: {  	v7 =	vld [tilespmem:s8+$0x1420];
	v1 =	vadd.f32 v2, v1  }
0xa0: {  	v2 =	vld [tilespmem:s8+$0x7470]  }
0xa1: {  	v8 =	vld [tilespmem:s8+$0x2420];
	v0 =	vadd.f32 v0, v1  }
0xa2: {  	v1 =	vadd.f32 v6, v3;
	v3 =	vld [tilespmem:s8+$0x8470]  }
0xa3: {  	v6 =	vld [tilespmem:s8+$0x1430];
	v0 =	vadd.f32 v5, v0  }
0xa4: {  	v5 =	vld [tilespmem:s8+$0x9470]  }
0xa5: {  	v9 =	vld [tilespmem:s8+$0x2430];
	v0 =	vadd.f32 v2, v0  }
0xa6: {  	v2 =	vadd.f32 v8, v7;
	v7 =	vld [tilespmem:s8+$0xA470]  }
0xa7: {  	v8 =	vld [tilespmem:s8+$0x1440];
	v0 =	vadd.f32 v3, v0  }
0xa8: {  	v3 =	vld [tilespmem:s8+$0x2440]  }
0xa9: {  	v10 =	vld [tilespmem:s8+$0x1450];
	v0 =	vadd.f32 v5, v0  }
0xaa: {  	v5 =	vadd.f32 v9, v6;
	v6 =	vld [tilespmem:s8+$0x2450]  }
0xab: {  	v9 =	vld [tilespmem:s8+$0x1460];
	v0 =	vadd.f32 v7, v0  }
0xac: {  	v7 =	vld [tilespmem:s8+$0x2460]  }
0xad: {  	v11 =	vld [tilespmem:s8+$0x3400];
	v3 =	vadd.f32 v3, v8;
	[tilespmem:s8+$0x18470] =	vst v0  }
0xae: {  	v0 =	vld [tilespmem:s8+$0x3410]  }
0xaf: {  	v8 =	vld [tilespmem:s8+$0x3420];
	v6 =	vadd.f32 v6, v10  }
0xb0: {  	v10 =	vld [tilespmem:s8+$0x3430]  }
0xb1: {  	v12 =	vld [tilespmem:s8+$0x3440];
	v7 =	vadd.f32 v7, v9  }
0xb2: {  	v4 =	vadd.f32 v11, v4;
	v9 =	vld [tilespmem:s8+$0x3450]  }
0xb3: {  	v0 =	vadd.f32 v0, v1;
	v1 =	vld [tilespmem:s8+$0x3460]  }
0xb4: {  	v11 =	vld [tilespmem:s8+$0x4400];
	v2 =	vadd.f32 v8, v2  }
0xb5: {  	v8 =	vld [tilespmem:s8+$0x4410];
	v5 =	vadd.f32 v10, v5  }
0xb6: {  	v10 =	vld [tilespmem:s8+$0x4420];
	v3 =	vadd.f32 v12, v3  }
0xb7: {  	v12 =	vld [tilespmem:s8+$0x4430];
	v6 =	vadd.f32 v9, v6  }
0xb8: {  	v9 =	vld [tilespmem:s8+$0x4440];
	v1 =	vadd.f32 v1, v7  }
0xb9: {  	v4 =	vadd.f32 v11, v4;
	v7 =	vld [tilespmem:s8+$0x4450]  }
0xba: {  	v0 =	vadd.f32 v8, v0;
	v8 =	vld [tilespmem:s8+$0x4460]  }
0xbb: {  	v11 =	vld [tilespmem:s8+$0x5400];
	v2 =	vadd.f32 v10, v2  }
0xbc: {  	v10 =	vld [tilespmem:s8+$0x5410];
	v5 =	vadd.f32 v12, v5  }
0xbd: {  	v12 =	vld [tilespmem:s8+$0x5420];
	v3 =	vadd.f32 v9, v3  }
0xbe: {  	v9 =	vld [tilespmem:s8+$0x5430];
	v6 =	vadd.f32 v7, v6  }
0xbf: {  	v7 =	vld [tilespmem:s8+$0x5440];
	v1 =	vadd.f32 v8, v1  }
0xc0: {  	v4 =	vadd.f32 v11, v4;
	v8 =	vld [tilespmem:s8+$0x5450]  }
0xc1: {  	v0 =	vadd.f32 v10, v0;
	v10 =	vld [tilespmem:s8+$0x5460]  }
0xc2: {  	v11 =	vld [tilespmem:s8+$0x6400];
	v2 =	vadd.f32 v12, v2  }
0xc3: {  	v12 =	vld [tilespmem:s8+$0x6410];
	v5 =	vadd.f32 v9, v5  }
0xc4: {  	v9 =	vld [tilespmem:s8+$0x6420];
	v3 =	vadd.f32 v7, v3  }
0xc5: {  	v7 =	vld [tilespmem:s8+$0x6430];
	v6 =	vadd.f32 v8, v6  }
0xc6: {  	v8 =	vld [tilespmem:s8+$0x6440];
	v1 =	vadd.f32 v10, v1  }
0xc7: {  	v4 =	vadd.f32 v11, v4;
	v10 =	vld [tilespmem:s8+$0x6450]  }
0xc8: {  	v0 =	vadd.f32 v12, v0;
	v11 =	vld [tilespmem:s8+$0x6460]  }
0xc9: {  	v12 =	vld [tilespmem:s8+$0x7400];
	v2 =	vadd.f32 v9, v2  }
0xca: {  	v9 =	vld [tilespmem:s8+$0x7410];
	v5 =	vadd.f32 v7, v5  }
0xcb: {  	v7 =	vld [tilespmem:s8+$0x7420];
	v3 =	vadd.f32 v8, v3  }
0xcc: {  	v8 =	vld [tilespmem:s8+$0x7430];
	v6 =	vadd.f32 v10, v6  }
0xcd: {  	v10 =	vld [tilespmem:s8+$0x7440];
	v1 =	vadd.f32 v11, v1  }
0xce: {  	v4 =	vadd.f32 v12, v4;
	v11 =	vld [tilespmem:s8+$0x7450]  }
0xcf: {  	v0 =	vadd.f32 v9, v0;
	v9 =	vld [tilespmem:s8+$0x7460]  }
0xd0: {  	v12 =	vld [tilespmem:s8+$0x8400];
	v2 =	vadd.f32 v7, v2  }
0xd1: {  	v7 =	vld [tilespmem:s8+$0x8410];
	v5 =	vadd.f32 v8, v5  }
0xd2: {  	v8 =	vld [tilespmem:s8+$0x8420];
	v3 =	vadd.f32 v10, v3  }
0xd3: {  	v10 =	vld [tilespmem:s8+$0x8430];
	v6 =	vadd.f32 v11, v6  }
0xd4: {  	v11 =	vld [tilespmem:s8+$0x8440];
	v1 =	vadd.f32 v9, v1  }
0xd5: {  	v4 =	vadd.f32 v12, v4;
	v9 =	vld [tilespmem:s8+$0x8450]  }
0xd6: {  	v0 =	vadd.f32 v7, v0;
	v7 =	vld [tilespmem:s8+$0x8460]  }
0xd7: {  	v12 =	vld [tilespmem:s8+$0x9400];
	v2 =	vadd.f32 v8, v2  }
0xd8: {  	v8 =	vld [tilespmem:s8+$0x9410];
	v5 =	vadd.f32 v10, v5  }
0xd9: {  	v10 =	vld [tilespmem:s8+$0x9420];
	v3 =	vadd.f32 v11, v3  }
0xda: {  	v11 =	vld [tilespmem:s8+$0x9430];
	v9 =	vadd.f32 v9, v6  }
0xdb: {  	v13 =	vld [tilespmem:s8+$0x9440];
	v1 =	vadd.f32 v7, v1  }
0xdc: {  	v12 =	vadd.f32 v12, v4;
	v4 =	vld [tilespmem:s8+$0x9450]  }
0xdd: {  	v8 =	vadd.f32 v8, v0;
	v0 =	vld [tilespmem:s8+$0x9460]  }
0xde: {  	v14 =	vld [tilespmem:s8+$0xA400];
	v10 =	vadd.f32 v10, v2  }
0xdf: {  	v15 =	vld [tilespmem:s8+$0xA410];
	v6 =	vadd.f32 v11, v5  }
0xe0: {  	v11 =	vld [tilespmem:s8+$0xA420];
	v2 =	vadd.f32 v13, v3  }
.Ltmp4:
0xe1: {  	v7 =	vld [tilespmem:s8+$0xA430];
	v3 =	vadd.f32 v4, v9;
	(pc) =	sbr.rel @p2 .LBB2_6-.Ltmp4, $4  }
0xe2: {  	v4 =	vld [tilespmem:s8+$0xA440];
	v0 =	vadd.f32 v0, v1  }
0xe3: {  	v12 =	vadd.f32 v14, v12;
	v5 =	vld [tilespmem:s8+$0xA450]  }
0xe4: {  	s6 =	sshra.s32 s12, $0x2;
	v9 =	vadd.f32 v15, v8;
	v8 =	vld [tilespmem:s8+$0xA460]  }
0xe5: {  	s12 =	sadd.s32 $0x200, s12;
	v1 =	vld [tilespmem:s6+$0x1470];
	[tilespmem:s8+$0x18400] =	vst v12;
	v10 =	vadd.f32 v11, v10  }
0xe6: {  	v11 =	vld [tilespmem:s6+$0x2470];
	[tilespmem:s8+$0x18410] =	vst v9;
	v6 =	vadd.f32 v7, v6  }
0xe7: {  	v9 =	vld [tilespmem:s6+$0x1400];
	[tilespmem:s8+$0x18420] =	vst v10;
	v2 =	vadd.f32 v4, v2  }
0xe8: {  	v7 =	vld [tilespmem:s6+$0x3470];
	[tilespmem:s8+$0x18430] =	vst v6;
	v3 =	vadd.f32 v5, v3  }
0xe9: {  	v4 =	vld [tilespmem:s6+$0x2400];
	[tilespmem:s8+$0x18440] =	vst v2;
	v0 =	vadd.f32 v8, v0  }
0xea: {  	v2 =	vld [tilespmem:s6+$0x4470];
	[tilespmem:s8+$0x18450] =	vst v3  }
0xeb: {  	v3 =	vld [tilespmem:s6+$0x1410];
	[tilespmem:s8+$0x18460] =	vst v0  }
0xec: {  	v0 =	vadd.f32 v11, v1;
	v1 =	vld [tilespmem:s6+$0x5470]  }
0xed: {  	v5 =	vld [tilespmem:s6+$0x2410]  }
0xee: {  	v6 =	vld [tilespmem:s6+$0x6470]  }
0xef: {  	v8 =	vld [tilespmem:s6+$0x2420]  }
0xf0: {  	v10 =	vld [tilespmem:s6+$0x1430]  }
0xf1: {  	v11 =	vld [tilespmem:s6+$0x2430]  }
0xf2: {  	v12 =	vld [tilespmem:s6+$0x1440]  }
0xf3: {  	v13 =	vld [tilespmem:s6+$0x1450]  }
0xf4: {  	v14 =	vld [tilespmem:s6+$0x1460]  }
0xf5: {  	v15 =	vld [tilespmem:s6+$0x3400]  }
0xf6: {  	v16 =	vld [tilespmem:s6+$0x3420]  }
0xf7: {  	v17 =	vld [tilespmem:s6+$0x3430]  }
0xf8: {  	v18 =	vld [tilespmem:s6+$0x3440]  }
0xf9: {  	v19 =	vld [tilespmem:s6+$0x3450]  }
0xfa: {  	v20 =	vld [tilespmem:s6+$0x3460]  }
0xfb: {  	v21 =	vld [tilespmem:s6+$0x4400]  }
0xfc: {  	v22 =	vld [tilespmem:s6+$0x4410]  }
0xfd: {  	v23 =	vld [tilespmem:s6+$0x4420]  }
0xfe: {  	v24 =	vld [tilespmem:s6+$0x4430]  }
0xff: {  	v25 =	vld [tilespmem:s6+$0x4440]  }
0x100: {  	v26 =	vld [tilespmem:s6+$0x4450]  }
0x101: {  	v27 =	vld [tilespmem:s6+$0x4460]  }
0x102: {  	v28 =	vld [tilespmem:s6+$0x5400]  }
0x103: {  	v29 =	vld [tilespmem:s6+$0x5410]  }
0x104: {  	v30 =	vld [tilespmem:s6+$0x5420]  }
0x105: {  	v31 =	vld [tilespmem:s6+$0x5430]  }
0x106: {  	v32 =	vld [tilespmem:s6+$0x5440]  }
0x107: {  	v33 =	vld [tilespmem:s6+$0x5450]  }
0x108: {  	v34 =	vld [tilespmem:s6+$0x5460]  }
0x109: {  	v35 =	vld [tilespmem:s6+$0x6400]  }
0x10a: {  	v36 =	vld [tilespmem:s6+$0x6410]  }
0x10b: {  	v37 =	vld [tilespmem:s6+$0x6420]  }
0x10c: {  	v38 =	vld [tilespmem:s6+$0x6430]  }
0x10d: {  	v39 =	vld [tilespmem:s6+$0x6440]  }
0x10e: {  	v40 =	vld [tilespmem:s6+$0x6450]  }
0x10f: {  	v41 =	vld [tilespmem:s6+$0x6460]  }
0x110: {  	v58 =	vld [tilespmem:s6+$0x7450]  }
0x111: {  	v59 =	vld [tilespmem:s6+$0x7460];
	v0 =	vadd.f32 v7, v0  }
0x112: {  	v60 =	vld [tilespmem:s6+$0x8400]  }
0x113: {  	v7 =	vld [tilespmem:s6+$0x1420];
	v0 =	vadd.f32 v2, v0  }
0x114: {  	v2 =	vld [tilespmem:s6+$0x7470]  }
0x115: {  	v61 =	vld [tilespmem:s6+$0x8410];
	v0 =	vadd.f32 v1, v0  }
0x116: {  	v4 =	vadd.f32 v4, v9;
	v1 =	vld [tilespmem:s6+$0x8470]  }
0x117: {  	v62 =	vld [tilespmem:s6+$0x8420];
	v3 =	vadd.f32 v5, v3;
	v0 =	vadd.f32 v6, v0  }
0x118: {  	v4 =	vadd.f32 v15, v4;
	v5 =	vadd.f32 v8, v7;
	v6 =	vld [tilespmem:s6+$0x9470]  }
0x119: {  	v9 =	vld [tilespmem:s6+$0x7400];
	v8 =	vadd.f32 v11, v10;
	v0 =	vadd.f32 v2, v0  }
0x11a: {  	v4 =	vadd.f32 v21, v4;
	v5 =	vadd.f32 v16, v5;
	v2 =	vld [tilespmem:s6+$0xA470]  }
0x11b: {  	v10 =	vld [tilespmem:s6+$0x7420];
	v8 =	vadd.f32 v17, v8;
	v0 =	vadd.f32 v1, v0  }
0x11c: {  	v11 =	vld [tilespmem:s6+$0x7430];
	v4 =	vadd.f32 v28, v4;
	v5 =	vadd.f32 v23, v5  }
0x11d: {  	v8 =	vadd.f32 v24, v8;
	v1 =	vld [tilespmem:s6+$0x2440];
	v0 =	vadd.f32 v6, v0  }
0x11e: {  	v4 =	vadd.f32 v35, v4;
	v35 =	vld [tilespmem:s6+$0x9400];
	v5 =	vadd.f32 v30, v5  }
0x11f: {  	v8 =	vadd.f32 v31, v8;
	v6 =	vld [tilespmem:s6+$0x2450];
	v0 =	vadd.f32 v2, v0  }
0x120: {  	v63 =	vld [tilespmem:s6+$0x8430];
	v4 =	vadd.f32 v9, v4  }
0x121: {  	v5 =	vadd.f32 v37, v5;
	v8 =	vadd.f32 v38, v8;
	[tilespmem:s6+$0x18470] =	vst v0;
	v0 =	vld [tilespmem:s6+$0x3410]  }
0x122: {  	v2 =	vld [tilespmem:s6+$0x2460];
	v4 =	vadd.f32 v60, v4;
	v1 =	vadd.f32 v1, v12  }
0x123: {  	v42 =	vld [tilespmem:s6+$0xA430];
	v5 =	vadd.f32 v10, v5;
	v8 =	vadd.f32 v11, v8  }
0x124: {  	v43 =	vld [tilespmem:s6+$0xA440];
	v4 =	vadd.f32 v35, v4;
	v6 =	vadd.f32 v6, v13  }
0x125: {  	v7 =	vld [tilespmem:s6+$0x7410];
	v1 =	vadd.f32 v18, v1;
	v5 =	vadd.f32 v62, v5  }
0x126: {  	v31 =	vld [tilespmem:s6+$0x8450];
	v8 =	vadd.f32 v63, v8;
	v0 =	vadd.f32 v0, v3  }
0x127: {  	v37 =	vld [tilespmem:s6+$0x9410];
	v2 =	vadd.f32 v2, v14;
	v6 =	vadd.f32 v19, v6  }
0x128: {  	v10 =	vld [tilespmem:s6+$0xA400];
	v1 =	vadd.f32 v25, v1;
	v0 =	vadd.f32 v22, v0  }
0x129: {  	v11 =	vld [tilespmem:s6+$0xA410];
	v2 =	vadd.f32 v20, v2;
	v6 =	vadd.f32 v26, v6  }
0x12a: {  	v3 =	vld [tilespmem:s6+$0x7440];
	v1 =	vadd.f32 v32, v1;
	v0 =	vadd.f32 v29, v0  }
0x12b: {  	v2 =	vadd.f32 v27, v2;
	v6 =	vadd.f32 v33, v6;
	v33 =	vld [tilespmem:s6+$0x8460]  }
0x12c: {  	v1 =	vadd.f32 v39, v1;
	v39 =	vld [tilespmem:s6+$0x9420];
	v0 =	vadd.f32 v36, v0  }
0x12d: {  	v4 =	vadd.f32 v10, v4;
	v29 =	vld [tilespmem:s6+$0x8440];
	v2 =	vadd.f32 v34, v2  }
0x12e: {  	v6 =	vadd.f32 v40, v6;
	v40 =	vld [tilespmem:s6+$0x9430];
	v0 =	vadd.f32 v7, v0  }
0x12f: {  	v1 =	vadd.f32 v3, v1;
	v2 =	vadd.f32 v41, v2;
	v41 =	vld [tilespmem:s6+$0xA420]  }
0x130: {  	v3 =	vadd.f32 v58, v6;
	v7 =	vld [tilespmem:s6+$0x9440];
	v0 =	vadd.f32 v61, v0  }
0x131: {  	v9 =	vld [tilespmem:s6+$0x9450];
	v5 =	vadd.f32 v39, v5;
	v2 =	vadd.f32 v59, v2  }
0x132: {  	v6 =	vld [tilespmem:s6+$0x9460];
	v3 =	vadd.f32 v31, v3;
	v0 =	vadd.f32 v37, v0  }
0x133: {  	v10 =	vld [tilespmem:s6+$0xA450];
	v1 =	vadd.f32 v29, v1;
	v8 =	vadd.f32 v40, v8  }
0x134: {  	v2 =	vadd.f32 v33, v2;
	v0 =	vadd.f32 v11, v0;
	v11 =	vld [tilespmem:s6+$0xA460]  }
0x135: {  	[tilespmem:s6+$0x18400] =	vst v4;
	v4 =	vadd.f32 v41, v5;
	v1 =	vadd.f32 v7, v1  }
0x136: {  	v3 =	vadd.f32 v9, v3;
	[tilespmem:s6+$0x18410] =	vst v0;
	v0 =	vadd.f32 v42, v8  }
0x137: {  	v2 =	vadd.f32 v6, v2;
	[tilespmem:s6+$0x18420] =	vst v4;
	v1 =	vadd.f32 v43, v1  }
0x138: {  	[tilespmem:s6+$0x18430] =	vst v0;
	v0 =	vadd.f32 v10, v3  }
0x139: {  	[tilespmem:s6+$0x18440] =	vst v1;
	v1 =	vadd.f32 v11, v2  }
0x13a: {  	[tilespmem:s6+$0x18450] =	vst v0  }
0x13b: {  	[tilespmem:s6+$0x18460] =	vst v1  }
0x13c: {  	_ =	swait.ge [sflag:s28], $0x1000  }
0x13d: {  	[sflag:s28] =	ssyncset.done $0x0  }
0x13e: {  	s8 =	sadd.s32 s7, s20;
	s6 =	simm.s32 @p0 $0x2;
	[sflag:s28] =	ssyncadd.s32 $0xFFFFF000  }
0x13f: {  	[hbm4b:s8+s4] =	stream.linear.scatter [tilespmem:s29], [sflag:$0x3], $0x1000, $0x38;
	[tilespmem:$0x1A400] =	vst v63  }
0x140: {  	_ =	swait.ge @p0 [sflag:s6], $0x4000  }
0x141: {  	[sflag:s6] =	ssyncset.done @p0 $0x0  }
0x142: {  	[sflag:s6] =	ssyncadd.s32 @p0 $0xFFFFC000  }
0x143: {  	_ =	swait.ge @p0 [sflag:s6], $0x4000  }
0x144: {  	[sflag:s6] =	ssyncset.done @p0 $0x0  }
0x145: {  	[sflag:s6] =	ssyncadd.s32 @p0 $0xFFFFC000  }
0x146: {  	_ =	swait.ge @p0 [sflag:s6], $0x4000  }
0x147: {  	[sflag:s6] =	ssyncset.done @p0 $0x0  }
0x148: {  	[sflag:s6] =	ssyncadd.s32 @p0 $0xFFFFC000;
	s6 =	simm.s32 @!p0 $0x5  }
0x149: {  	_ =	swait.ge @!p0 [sflag:s6], $0x180  }
0x14a: {  	s12 =	simm.s32 @!p0 $0x400;
	[sflag:s6] =	ssyncset.done @!p0 $0x0  }
0x14b: {  	s8 =	simm.s32 @!p0 $0x0;
	[sflag:s6] =	ssyncadd.s32 @!p0 $0xFFFFFE80;
	s6 =	simm.s32 @!p0 $0x80  }
0x14c: {  	[tilespmem:s12], [sflag:$0x1] =	stream.indirect.gather @!p0 [hbm4b:s3+s6], $0x80, s8, s6, $0xb8;
	[tilespmem:$0x1A400] =	vst v63  }
0x14d: {  	s12 =	simm.s32 @!p0 $0x4400  }
0x14e: {  	[tilespmem:s12], [sflag:$0x1] =	stream.indirect.gather @!p0 [hbm4b:s3+s6], $0x80, s6, s6, $0xb8;
	[tilespmem:$0x1A400] =	vst v63  }
0x14f: {  	s20 =	simm.s32 @!p0 $0x8400;
	s12 =	simm.s32 @!p0 $0x100  }
0x150: {  	[tilespmem:s20], [sflag:$0x1] =	stream.indirect.gather @!p0 [hbm4b:s3+s6], $0x80, s12, s6, $0xb8;
	[tilespmem:$0x1A400] =	vst v63  }
0x151: {  	s6 =	simm.s32 @!p0 $0x2  }
0x152: {  	_ =	swait.ge @!p0 [sflag:s6], $0x4000  }
0x153: {  	[sflag:s6] =	ssyncset.done @!p0 $0x0  }
0x154: {  	[sflag:s6] =	ssyncadd.s32 @!p0 $0xFFFFC000  }
0x155: {  	_ =	swait.ge @!p0 [sflag:s6], $0x4000  }
0x156: {  	[sflag:s6] =	ssyncset.done @!p0 $0x0  }
0x157: {  	[sflag:s6] =	ssyncadd.s32 @!p0 $0xFFFFC000  }
0x158: {  	s12 =	sadd.s32 @!p0 s19, s11;
	_ =	swait.ge @!p0 [sflag:s6], $0x4000  }
0x159: {  	s12 =	sshrl.u32 @!p0 s12, $0x3;
	[sflag:s6] =	ssyncset.done @!p0 $0x0  }
0x15a: {  	[sflag:s6] =	ssyncadd.s32 @!p0 $0xFFFFC000;
	s6 =	sadd.s32 @!p0 s1, s12;
	s12 =	simm.s32 @!p0 $0x200  }
0x15b: {  	[tilespmem:s12], [sflag:$0x6] =	stream.linear.gather @!p0 [hbm4b:s6+s8], $0x180, $0x38;
	[tilespmem:$0x1A400] =	vst v63  }
0x15c: {  	s6 =	simm.s32 @!p1 $0x4  }
0x15d: {  	_ =	swait.ge @!p1 [sflag:s6], $0x1000  }
0x15e: {  	s19 =	sadd.s32 s13, s19;
	s20 =	simm.s32 $0x0;
	[sflag:s6] =	ssyncset.done @!p1 $0x0  }
0x15f: {  	s12 =	sadd.s32 s5, s19;
	s8 =	simm.s32 $0x0;
	[sflag:s6] =	ssyncadd.s32 @!p1 $0xFFFFF000  }
0x160: {  	[hbm4b:s12+s20] =	stream.linear.scatter [tilespmem:s21], [sflag:$0x4], $0x1000, $0x38;
	[tilespmem:$0x1A400] =	vst v63  }
0x161: {  	v0 =	vld [tilespmem:s8+$0xD470]  }
0x162: {  	v1 =	vld [tilespmem:s8+$0xE470]  }
0x163: {  	v2 =	vld [tilespmem:s8+$0xD400]  }
0x164: {  	v3 =	vld [tilespmem:s8+$0xF470]  }
0x165: {  	v4 =	vld [tilespmem:s8+$0xE400]  }
0x166: {  	v5 =	vld [tilespmem:s8+$0x10470]  }
0x167: {  	v6 =	vld [tilespmem:s8+$0xD410]  }
0x168: {  	v7 =	vld [tilespmem:s8+$0xE410]  }
0x169: {  	v8 =	vld [tilespmem:s8+$0xD420]  }
0x16a: {  	v9 =	vld [tilespmem:s8+$0xE420]  }
0x16b: {  	v10 =	vld [tilespmem:s8+$0xD430]  }
0x16c: {  	v11 =	vld [tilespmem:s8+$0xE430]  }
0x16d: {  	v12 =	vld [tilespmem:s8+$0xD440]  }
0x16e: {  	v13 =	vld [tilespmem:s8+$0xD450]  }
0x16f: {  	v14 =	vld [tilespmem:s8+$0xD460]  }
0x170: {  	v15 =	vld [tilespmem:s8+$0xF400]  }
0x171: {  	v16 =	vld [tilespmem:s8+$0xF420]  }
0x172: {  	v44 =	vld [tilespmem:s8+$0xF430]  }
0x173: {  	v18 =	vld [tilespmem:s8+$0xF440]  }
0x174: {  	v45 =	vld [tilespmem:s8+$0xF450]  }
0x175: {  	v20 =	vld [tilespmem:s8+$0xF460]  }
0x176: {  	v46 =	vld [tilespmem:s8+$0x10400]  }
0x177: {  	v22 =	vld [tilespmem:s8+$0x10410]  }
0x178: {  	v47 =	vld [tilespmem:s8+$0x10420]  }
0x179: {  	v24 =	vld [tilespmem:s8+$0x10430]  }
0x17a: {  	v48 =	vld [tilespmem:s8+$0x10440]  }
0x17b: {  	v26 =	vld [tilespmem:s8+$0x10450]  }
0x17c: {  	v49 =	vld [tilespmem:s8+$0x10460]  }
0x17d: {  	v50 =	vld [tilespmem:s8+$0x11400]  }
0x17e: {  	v51 =	vld [tilespmem:s8+$0x11410]  }
0x17f: {  	v52 =	vld [tilespmem:s8+$0x11420]  }
0x180: {  	v53 =	vld [tilespmem:s8+$0x11430]  }
0x181: {  	v54 =	vld [tilespmem:s8+$0x11440]  }
0x182: {  	v55 =	vld [tilespmem:s8+$0x11450]  }
0x183: {  	v56 =	vld [tilespmem:s8+$0x11460]  }
0x184: {  	v57 =	vld [tilespmem:s8+$0x12400]  }
0x185: {  	v58 =	vld [tilespmem:s8+$0x12410]  }
0x186: {  	v59 =	vld [tilespmem:s8+$0x12420]  }
0x187: {  	v60 =	vld [tilespmem:s8+$0x12430]  }
0x188: {  	v61 =	vld [tilespmem:s8+$0x12440]  }
0x189: {  	v62 =	vld [tilespmem:s8+$0x12450]  }
0x18a: {  	v63 =	vld [tilespmem:s8+$0x12460];
	v0 =	vadd.f32 v1, v0  }
0x18b: {  	v1 =	vld [tilespmem:s8+$0x11470]  }
0x18c: {  	v2 =	vadd.f32 v4, v2;
	v4 =	vld [tilespmem:s8+$0x13400];
	v0 =	vadd.f32 v3, v0  }
0x18d: {  	v6 =	vadd.f32 v7, v6;
	v3 =	vld [tilespmem:s8+$0x12470]  }
0x18e: {  	v7 =	vadd.f32 v9, v8;
	v8 =	vld [tilespmem:s8+$0x13410];
	v0 =	vadd.f32 v5, v0  }
0x18f: {  	v5 =	vld [tilespmem:s8+$0x13470]  }
0x190: {  	v9 =	vadd.f32 v11, v10;
	v10 =	vld [tilespmem:s8+$0x13420];
	v0 =	vadd.f32 v1, v0  }
0x191: {  	v1 =	vld [tilespmem:s8+$0x14470]  }
0x192: {  	v11 =	vld [tilespmem:s8+$0x13430];
	v0 =	vadd.f32 v3, v0  }
0x193: {  	v2 =	vadd.f32 v15, v2;
	v3 =	vld [tilespmem:s8+$0x15470]  }
0x194: {  	v9 =	vadd.f32 v44, v9;
	v44 =	vld [tilespmem:s8+$0x13450];
	v0 =	vadd.f32 v5, v0  }
0x195: {  	v7 =	vadd.f32 v16, v7;
	v5 =	vld [tilespmem:s8+$0x16470]  }
0x196: {  	v2 =	vadd.f32 v46, v2;
	v46 =	vld [tilespmem:s8+$0x14400];
	v0 =	vadd.f32 v1, v0  }
0x197: {  	v7 =	vadd.f32 v47, v7;
	v47 =	vld [tilespmem:s8+$0x14410];
	v9 =	vadd.f32 v24, v9  }
0x198: {  	v2 =	vadd.f32 v50, v2;
	v1 =	vld [tilespmem:s8+$0xE440];
	v0 =	vadd.f32 v3, v0  }
0x199: {  	v7 =	vadd.f32 v52, v7;
	v9 =	vadd.f32 v53, v9;
	v3 =	vld [tilespmem:s8+$0xE450]  }
0x19a: {  	v50 =	vld [tilespmem:s8+$0x14440];
	v2 =	vadd.f32 v57, v2;
	v0 =	vadd.f32 v5, v0  }
0x19b: {  	v7 =	vadd.f32 v59, v7;
	v5 =	vld [tilespmem:s8+$0xE460]  }
0x19c: {  	v9 =	vadd.f32 v60, v9;
	v2 =	vadd.f32 v4, v2;
	[tilespmem:s8+$0x19470] =	vst v0;
	v0 =	vld [tilespmem:s8+$0xF410]  }
0x19d: {  	v52 =	vld [tilespmem:s8+$0x14460];
	v4 =	vadd.f32 v10, v7;
	v1 =	vadd.f32 v1, v12  }
0x19e: {  	v53 =	vld [tilespmem:s8+$0x15400];
	v7 =	vadd.f32 v11, v9;
	v3 =	vadd.f32 v3, v13  }
0x19f: {  	v57 =	vld [tilespmem:s8+$0x16410];
	v2 =	vadd.f32 v46, v2;
	v1 =	vadd.f32 v18, v1  }
0x1a0: {  	v59 =	vld [tilespmem:s8+$0x16420];
	v5 =	vadd.f32 v5, v14;
	v3 =	vadd.f32 v45, v3  }
0x1a1: {  	v11 =	vld [tilespmem:s8+$0x16400];
	v1 =	vadd.f32 v48, v1;
	v0 =	vadd.f32 v0, v6  }
0x1a2: {  	v45 =	vld [tilespmem:s8+$0x13460];
	v5 =	vadd.f32 v20, v5;
	v3 =	vadd.f32 v26, v3  }
0x1a3: {  	v6 =	vld [tilespmem:s8+$0x13440];
	v1 =	vadd.f32 v54, v1;
	v0 =	vadd.f32 v22, v0  }
0x1a4: {  	v48 =	vld [tilespmem:s8+$0x14420];
	v5 =	vadd.f32 v49, v5;
	v3 =	vadd.f32 v55, v3  }
0x1a5: {  	v54 =	vld [tilespmem:s8+$0x15410];
	v1 =	vadd.f32 v61, v1;
	v61 =	vadd.f32 v53, v2  }
0x1a6: {  	v49 =	vld [tilespmem:s8+$0x14430];
	v0 =	vadd.f32 v51, v0;
	v5 =	vadd.f32 v56, v5  }
0x1a7: {  	v55 =	vld [tilespmem:s8+$0x15420];
	v3 =	vadd.f32 v62, v3;
	v11 =	vadd.f32 v11, v61  }
0x1a8: {  	v51 =	vld [tilespmem:s8+$0x14450];
	v1 =	vadd.f32 v6, v1;
	v0 =	vadd.f32 v58, v0  }
0x1a9: {  	v56 =	vld [tilespmem:s8+$0x15430];
	v6 =	vadd.f32 v48, v4;
	v5 =	vadd.f32 v63, v5  }
0x1aa: {  	v9 =	vld [tilespmem:s8+$0x15450];
	v3 =	vadd.f32 v44, v3;
	v0 =	vadd.f32 v8, v0  }
0x1ab: {  	v58 =	vadd.f32 v49, v7;
	v1 =	vadd.f32 v50, v1;
	v8 =	vld [tilespmem:s8+$0x15440]  }
0x1ac: {  	v10 =	vld [tilespmem:s8+$0x15460];
	v63 =	vadd.f32 v55, v6;
	v0 =	vadd.f32 v47, v0  }
0x1ad: {  	v7 =	vld [tilespmem:s8+$0x16430];
	v5 =	vadd.f32 v45, v5;
	v3 =	vadd.f32 v51, v3  }
0x1ae: {  	v4 =	vld [tilespmem:s8+$0x16440];
	v6 =	vadd.f32 v56, v58;
	v62 =	vadd.f32 v54, v0  }
0x1af: {  	v60 =	vadd.f32 v52, v5;
	v5 =	vld [tilespmem:s8+$0x16450];
	v3 =	vadd.f32 v9, v3  }
0x1b0: {  	s6 =	simm.s32 $0x80;
	v2 =	vadd.f32 v8, v1;
	v8 =	vld [tilespmem:s8+$0x16460];
	v9 =	vadd.f32 v57, v62  }
0x1b1: {  	s12 =	simm.s32 $0x400;
	v0 =	vadd.f32 v10, v60;
	v10 =	vadd.f32 v59, v63;
	v1 =	vld [tilespmem:s6+$0xD470];
	[tilespmem:s8+$0x19400] =	vst v11  }
.LBB2_8:
0x1b2: {  	p1 =	sne.s32 s12, $0x3E00;
	v11 =	vld [tilespmem:s6+$0xE470];
	[tilespmem:s8+$0x19410] =	vst v9;
	v6 =	vadd.f32 v7, v6  }
0x1b3: {  	v7 =	vld [tilespmem:s6+$0xD400];
	[tilespmem:s8+$0x19420] =	vst v10;
	v2 =	vadd.f32 v4, v2  }
0x1b4: {  	v4 =	vld [tilespmem:s6+$0xF470];
	[tilespmem:s8+$0x19430] =	vst v6;
	v3 =	vadd.f32 v5, v3  }
0x1b5: {  	v5 =	vld [tilespmem:s6+$0xE400];
	[tilespmem:s8+$0x19440] =	vst v2;
	v0 =	vadd.f32 v8, v0  }
0x1b6: {  	v2 =	vld [tilespmem:s6+$0x10470];
	[tilespmem:s8+$0x19450] =	vst v3  }
0x1b7: {  	v3 =	vld [tilespmem:s6+$0xD410];
	v1 =	vadd.f32 v11, v1;
	[tilespmem:s8+$0x19460] =	vst v0;
	s8 =	smov.u32 s6  }
0x1b8: {  	v0 =	vld [tilespmem:s8+$0x11470]  }
0x1b9: {  	v6 =	vld [tilespmem:s8+$0xE410];
	v1 =	vadd.f32 v4, v1  }
0x1ba: {  	v4 =	vadd.f32 v5, v7;
	v5 =	vld [tilespmem:s8+$0x12470]  }
0x1bb: {  	v7 =	vld [tilespmem:s8+$0xD420];
	v1 =	vadd.f32 v2, v1  }
0x1bc: {  	v2 =	vld [tilespmem:s8+$0x13470]  }
0x1bd: {  	v8 =	vld [tilespmem:s8+$0xE420];
	v0 =	vadd.f32 v0, v1  }
0x1be: {  	v1 =	vadd.f32 v6, v3;
	v3 =	vld [tilespmem:s8+$0x14470]  }
0x1bf: {  	v6 =	vld [tilespmem:s8+$0xD430];
	v0 =	vadd.f32 v5, v0  }
0x1c0: {  	v5 =	vld [tilespmem:s8+$0x15470]  }
0x1c1: {  	v9 =	vld [tilespmem:s8+$0xE430];
	v0 =	vadd.f32 v2, v0  }
0x1c2: {  	v2 =	vadd.f32 v8, v7;
	v7 =	vld [tilespmem:s8+$0x16470]  }
0x1c3: {  	v8 =	vld [tilespmem:s8+$0xD440];
	v0 =	vadd.f32 v3, v0  }
0x1c4: {  	v3 =	vld [tilespmem:s8+$0xE440]  }
0x1c5: {  	v10 =	vld [tilespmem:s8+$0xD450];
	v0 =	vadd.f32 v5, v0  }
0x1c6: {  	v5 =	vadd.f32 v9, v6;
	v6 =	vld [tilespmem:s8+$0xE450]  }
0x1c7: {  	v9 =	vld [tilespmem:s8+$0xD460];
	v0 =	vadd.f32 v7, v0  }
0x1c8: {  	v7 =	vld [tilespmem:s8+$0xE460]  }
0x1c9: {  	v11 =	vld [tilespmem:s8+$0xF400];
	v3 =	vadd.f32 v3, v8;
	[tilespmem:s8+$0x19470] =	vst v0  }
0x1ca: {  	v0 =	vld [tilespmem:s8+$0xF410]  }
0x1cb: {  	v8 =	vld [tilespmem:s8+$0xF420];
	v6 =	vadd.f32 v6, v10  }
0x1cc: {  	v10 =	vld [tilespmem:s8+$0xF430]  }
0x1cd: {  	v12 =	vld [tilespmem:s8+$0xF440];
	v7 =	vadd.f32 v7, v9  }
0x1ce: {  	v4 =	vadd.f32 v11, v4;
	v9 =	vld [tilespmem:s8+$0xF450]  }
0x1cf: {  	v0 =	vadd.f32 v0, v1;
	v1 =	vld [tilespmem:s8+$0xF460]  }
0x1d0: {  	v11 =	vld [tilespmem:s8+$0x10400];
	v2 =	vadd.f32 v8, v2  }
0x1d1: {  	v8 =	vld [tilespmem:s8+$0x10410];
	v5 =	vadd.f32 v10, v5  }
0x1d2: {  	v10 =	vld [tilespmem:s8+$0x10420];
	v3 =	vadd.f32 v12, v3  }
0x1d3: {  	v12 =	vld [tilespmem:s8+$0x10430];
	v6 =	vadd.f32 v9, v6  }
0x1d4: {  	v9 =	vld [tilespmem:s8+$0x10440];
	v1 =	vadd.f32 v1, v7  }
0x1d5: {  	v4 =	vadd.f32 v11, v4;
	v7 =	vld [tilespmem:s8+$0x10450]  }
0x1d6: {  	v0 =	vadd.f32 v8, v0;
	v8 =	vld [tilespmem:s8+$0x10460]  }
0x1d7: {  	v11 =	vld [tilespmem:s8+$0x11400];
	v2 =	vadd.f32 v10, v2  }
0x1d8: {  	v10 =	vld [tilespmem:s8+$0x11410];
	v5 =	vadd.f32 v12, v5  }
0x1d9: {  	v12 =	vld [tilespmem:s8+$0x11420];
	v3 =	vadd.f32 v9, v3  }
0x1da: {  	v9 =	vld [tilespmem:s8+$0x11430];
	v6 =	vadd.f32 v7, v6  }
0x1db: {  	v7 =	vld [tilespmem:s8+$0x11440];
	v1 =	vadd.f32 v8, v1  }
0x1dc: {  	v4 =	vadd.f32 v11, v4;
	v8 =	vld [tilespmem:s8+$0x11450]  }
0x1dd: {  	v0 =	vadd.f32 v10, v0;
	v10 =	vld [tilespmem:s8+$0x11460]  }
0x1de: {  	v11 =	vld [tilespmem:s8+$0x12400];
	v2 =	vadd.f32 v12, v2  }
0x1df: {  	v12 =	vld [tilespmem:s8+$0x12410];
	v5 =	vadd.f32 v9, v5  }
0x1e0: {  	v9 =	vld [tilespmem:s8+$0x12420];
	v3 =	vadd.f32 v7, v3  }
0x1e1: {  	v7 =	vld [tilespmem:s8+$0x12430];
	v6 =	vadd.f32 v8, v6  }
0x1e2: {  	v8 =	vld [tilespmem:s8+$0x12440];
	v1 =	vadd.f32 v10, v1  }
0x1e3: {  	v4 =	vadd.f32 v11, v4;
	v10 =	vld [tilespmem:s8+$0x12450]  }
0x1e4: {  	v0 =	vadd.f32 v12, v0;
	v11 =	vld [tilespmem:s8+$0x12460]  }
0x1e5: {  	v12 =	vld [tilespmem:s8+$0x13400];
	v2 =	vadd.f32 v9, v2  }
0x1e6: {  	v9 =	vld [tilespmem:s8+$0x13410];
	v5 =	vadd.f32 v7, v5  }
0x1e7: {  	v7 =	vld [tilespmem:s8+$0x13420];
	v3 =	vadd.f32 v8, v3  }
0x1e8: {  	v8 =	vld [tilespmem:s8+$0x13430];
	v6 =	vadd.f32 v10, v6  }
0x1e9: {  	v10 =	vld [tilespmem:s8+$0x13440];
	v1 =	vadd.f32 v11, v1  }
0x1ea: {  	v4 =	vadd.f32 v12, v4;
	v11 =	vld [tilespmem:s8+$0x13450]  }
0x1eb: {  	v0 =	vadd.f32 v9, v0;
	v9 =	vld [tilespmem:s8+$0x13460]  }
0x1ec: {  	v12 =	vld [tilespmem:s8+$0x14400];
	v2 =	vadd.f32 v7, v2  }
0x1ed: {  	v7 =	vld [tilespmem:s8+$0x14410];
	v5 =	vadd.f32 v8, v5  }
0x1ee: {  	v8 =	vld [tilespmem:s8+$0x14420];
	v3 =	vadd.f32 v10, v3  }
0x1ef: {  	v10 =	vld [tilespmem:s8+$0x14430];
	v6 =	vadd.f32 v11, v6  }
0x1f0: {  	v11 =	vld [tilespmem:s8+$0x14440];
	v1 =	vadd.f32 v9, v1  }
0x1f1: {  	v4 =	vadd.f32 v12, v4;
	v9 =	vld [tilespmem:s8+$0x14450]  }
0x1f2: {  	v0 =	vadd.f32 v7, v0;
	v7 =	vld [tilespmem:s8+$0x14460]  }
0x1f3: {  	v12 =	vld [tilespmem:s8+$0x15400];
	v2 =	vadd.f32 v8, v2  }
0x1f4: {  	v8 =	vld [tilespmem:s8+$0x15410];
	v5 =	vadd.f32 v10, v5  }
0x1f5: {  	v10 =	vld [tilespmem:s8+$0x15420];
	v3 =	vadd.f32 v11, v3  }
0x1f6: {  	v11 =	vld [tilespmem:s8+$0x15430];
	v9 =	vadd.f32 v9, v6  }
0x1f7: {  	v13 =	vld [tilespmem:s8+$0x15440];
	v1 =	vadd.f32 v7, v1  }
0x1f8: {  	v12 =	vadd.f32 v12, v4;
	v4 =	vld [tilespmem:s8+$0x15450]  }
0x1f9: {  	v8 =	vadd.f32 v8, v0;
	v0 =	vld [tilespmem:s8+$0x15460]  }
0x1fa: {  	v14 =	vld [tilespmem:s8+$0x16400];
	v10 =	vadd.f32 v10, v2  }
0x1fb: {  	v15 =	vld [tilespmem:s8+$0x16410];
	v6 =	vadd.f32 v11, v5  }
0x1fc: {  	v11 =	vld [tilespmem:s8+$0x16420];
	v2 =	vadd.f32 v13, v3  }
.Ltmp5:
0x1fd: {  	v7 =	vld [tilespmem:s8+$0x16430];
	v3 =	vadd.f32 v4, v9;
	(pc) =	sbr.rel @p1 .LBB2_8-.Ltmp5, $4  }
0x1fe: {  	v4 =	vld [tilespmem:s8+$0x16440];
	v0 =	vadd.f32 v0, v1  }
0x1ff: {  	v12 =	vadd.f32 v14, v12;
	v5 =	vld [tilespmem:s8+$0x16450]  }
0x200: {  	s6 =	sshra.s32 s12, $0x2;
	v9 =	vadd.f32 v15, v8;
	v8 =	vld [tilespmem:s8+$0x16460]  }
0x201: {  	s12 =	sadd.s32 $0x200, s12;
	v1 =	vld [tilespmem:s6+$0xD470];
	[tilespmem:s8+$0x19400] =	vst v12;
	v10 =	vadd.f32 v11, v10  }
0x202: {  	v11 =	vld [tilespmem:s6+$0xE470];
	[tilespmem:s8+$0x19410] =	vst v9;
	v6 =	vadd.f32 v7, v6  }
0x203: {  	v9 =	vld [tilespmem:s6+$0xD400];
	[tilespmem:s8+$0x19420] =	vst v10;
	v2 =	vadd.f32 v4, v2  }
0x204: {  	v56 =	vld [tilespmem:s6+$0xF470];
	[tilespmem:s8+$0x19430] =	vst v6;
	v3 =	vadd.f32 v5, v3  }
0x205: {  	v57 =	vld [tilespmem:s6+$0xE400];
	[tilespmem:s8+$0x19440] =	vst v2;
	v0 =	vadd.f32 v8, v0  }
0x206: {  	v2 =	vld [tilespmem:s6+$0x10470];
	[tilespmem:s8+$0x19450] =	vst v3  }
0x207: {  	v3 =	vld [tilespmem:s6+$0xD410];
	[tilespmem:s8+$0x19460] =	vst v0  }
0x208: {  	v59 =	vld [tilespmem:s6+$0x11470]  }
0x209: {  	v60 =	vld [tilespmem:s6+$0xE410]  }
0x20a: {  	v6 =	vld [tilespmem:s6+$0x12470]  }
0x20b: {  	v61 =	vld [tilespmem:s6+$0xD420]  }
0x20c: {  	v62 =	vld [tilespmem:s6+$0x13470]  }
0x20d: {  	v63 =	vld [tilespmem:s6+$0xE420]  }
0x20e: {  	v43 =	vld [tilespmem:s6+$0x14470]  }
0x20f: {  	v10 =	vld [tilespmem:s6+$0xD430]  }
0x210: {  	v44 =	vld [tilespmem:s6+$0x15470]  }
0x211: {  	v45 =	vld [tilespmem:s6+$0xE430]  }
0x212: {  	v46 =	vld [tilespmem:s6+$0x16470]  }
0x213: {  	v12 =	vld [tilespmem:s6+$0xD440]  }
0x214: {  	v47 =	vld [tilespmem:s6+$0xE440]  }
0x215: {  	v13 =	vld [tilespmem:s6+$0xD450]  }
0x216: {  	v48 =	vld [tilespmem:s6+$0xE450]  }
0x217: {  	v14 =	vld [tilespmem:s6+$0xD460]  }
0x218: {  	v49 =	vld [tilespmem:s6+$0xE460]  }
0x219: {  	v15 =	vld [tilespmem:s6+$0xF400]  }
0x21a: {  	v50 =	vld [tilespmem:s6+$0xF410]  }
0x21b: {  	v16 =	vld [tilespmem:s6+$0xF420]  }
0x21c: {  	v17 =	vld [tilespmem:s6+$0xF430]  }
0x21d: {  	v18 =	vld [tilespmem:s6+$0xF440]  }
0x21e: {  	v19 =	vld [tilespmem:s6+$0xF450]  }
0x21f: {  	v20 =	vld [tilespmem:s6+$0xF460]  }
0x220: {  	v21 =	vld [tilespmem:s6+$0x10400]  }
0x221: {  	v22 =	vld [tilespmem:s6+$0x10410]  }
0x222: {  	v23 =	vld [tilespmem:s6+$0x10420]  }
0x223: {  	v24 =	vld [tilespmem:s6+$0x10430]  }
0x224: {  	v25 =	vld [tilespmem:s6+$0x10440]  }
0x225: {  	v26 =	vld [tilespmem:s6+$0x10450]  }
0x226: {  	v27 =	vld [tilespmem:s6+$0x10460]  }
0x227: {  	v28 =	vld [tilespmem:s6+$0x11400]  }
0x228: {  	v29 =	vld [tilespmem:s6+$0x11410]  }
0x229: {  	v30 =	vld [tilespmem:s6+$0x11420]  }
0x22a: {  	v31 =	vld [tilespmem:s6+$0x11430]  }
0x22b: {  	v32 =	vld [tilespmem:s6+$0x11440]  }
0x22c: {  	v33 =	vld [tilespmem:s6+$0x11450]  }
0x22d: {  	v58 =	vadd.f32 v11, v1;
	v34 =	vld [tilespmem:s6+$0x11460]  }
0x22e: {  	v35 =	vld [tilespmem:s6+$0x12400]  }
0x22f: {  	v36 =	vld [tilespmem:s6+$0x12410];
	v0 =	vadd.f32 v56, v58  }
0x230: {  	v37 =	vld [tilespmem:s6+$0x12420]  }
0x231: {  	v38 =	vld [tilespmem:s6+$0x12430];
	v0 =	vadd.f32 v2, v0  }
0x232: {  	v39 =	vld [tilespmem:s6+$0x12440];
	v4 =	vadd.f32 v57, v9  }
0x233: {  	v40 =	vld [tilespmem:s6+$0x12450];
	v0 =	vadd.f32 v59, v0;
	v3 =	vadd.f32 v60, v3  }
0x234: {  	v41 =	vld [tilespmem:s6+$0x12460];
	v52 =	vadd.f32 v63, v61;
	v54 =	vadd.f32 v45, v10  }
0x235: {  	v51 =	vld [tilespmem:s6+$0x13400];
	v1 =	vadd.f32 v47, v12;
	v2 =	vadd.f32 v49, v14  }
0x236: {  	v53 =	vld [tilespmem:s6+$0x13410];
	v4 =	vadd.f32 v15, v4;
	v0 =	vadd.f32 v6, v0  }
0x237: {  	v55 =	vld [tilespmem:s6+$0x13420];
	v6 =	vadd.f32 v48, v13;
	v5 =	vadd.f32 v16, v52  }
0x238: {  	v42 =	vld [tilespmem:s6+$0x14440];
	v8 =	vadd.f32 v17, v54;
	v1 =	vadd.f32 v18, v1  }
0x239: {  	v56 =	vld [tilespmem:s6+$0x13430];
	v2 =	vadd.f32 v20, v2;
	v4 =	vadd.f32 v21, v4  }
0x23a: {  	v58 =	vld [tilespmem:s6+$0x13450];
	v0 =	vadd.f32 v62, v0;
	v6 =	vadd.f32 v19, v6  }
0x23b: {  	v57 =	vld [tilespmem:s6+$0x13440];
	v5 =	vadd.f32 v23, v5;
	v8 =	vadd.f32 v24, v8  }
0x23c: {  	v59 =	vld [tilespmem:s6+$0x13460];
	v1 =	vadd.f32 v25, v1;
	v2 =	vadd.f32 v27, v2  }
0x23d: {  	v60 =	vld [tilespmem:s6+$0x14400];
	v4 =	vadd.f32 v28, v4;
	v0 =	vadd.f32 v43, v0  }
0x23e: {  	v61 =	vld [tilespmem:s6+$0x14410];
	v6 =	vadd.f32 v26, v6;
	v5 =	vadd.f32 v30, v5  }
0x23f: {  	v63 =	vld [tilespmem:s6+$0x14430];
	v8 =	vadd.f32 v31, v8;
	v1 =	vadd.f32 v32, v1  }
0x240: {  	v45 =	vld [tilespmem:s6+$0x15400];
	v2 =	vadd.f32 v34, v2;
	v4 =	vadd.f32 v35, v4  }
0x241: {  	v47 =	vld [tilespmem:s6+$0x15420];
	v0 =	vadd.f32 v44, v0;
	v6 =	vadd.f32 v33, v6  }
0x242: {  	v49 =	vld [tilespmem:s6+$0x15440];
	v5 =	vadd.f32 v37, v5;
	v8 =	vadd.f32 v38, v8  }
0x243: {  	v48 =	vld [tilespmem:s6+$0x15430];
	v1 =	vadd.f32 v39, v1;
	v2 =	vadd.f32 v41, v2  }
0x244: {  	v62 =	vld [tilespmem:s6+$0x14420];
	v4 =	vadd.f32 v51, v4;
	v0 =	vadd.f32 v46, v0  }
0x245: {  	v52 =	vld [tilespmem:s6+$0x15460];
	v6 =	vadd.f32 v40, v6;
	v5 =	vadd.f32 v55, v5  }
0x246: {  	v44 =	vld [tilespmem:s6+$0x14460];
	v8 =	vadd.f32 v56, v8;
	v1 =	vadd.f32 v57, v1  }
0x247: {  	v43 =	vld [tilespmem:s6+$0x14450];
	v2 =	vadd.f32 v59, v2;
	[tilespmem:s6+$0x19470] =	vst v0;
	v0 =	vadd.f32 v50, v3  }
0x248: {  	v46 =	vld [tilespmem:s6+$0x15410];
	v4 =	vadd.f32 v60, v4;
	v51 =	vadd.f32 v58, v6  }
0x249: {  	v55 =	vld [tilespmem:s6+$0x16420];
	v5 =	vadd.f32 v62, v5;
	v0 =	vadd.f32 v22, v0  }
0x24a: {  	v57 =	vld [tilespmem:s6+$0x16440];
	v8 =	vadd.f32 v63, v8;
	v1 =	vadd.f32 v42, v1  }
0x24b: {  	v50 =	vld [tilespmem:s6+$0x15450];
	v2 =	vadd.f32 v44, v2;
	v0 =	vadd.f32 v29, v0  }
0x24c: {  	v59 =	vld [tilespmem:s6+$0x16460];
	v3 =	vadd.f32 v43, v51;
	v5 =	vadd.f32 v47, v5  }
0x24d: {  	v58 =	vld [tilespmem:s6+$0x16450];
	v8 =	vadd.f32 v48, v8;
	v0 =	vadd.f32 v36, v0  }
0x24e: {  	v56 =	vld [tilespmem:s6+$0x16430];
	v1 =	vadd.f32 v49, v1;
	v2 =	vadd.f32 v52, v2  }
0x24f: {  	v60 =	vadd.f32 v55, v5;
	v0 =	vadd.f32 v53, v0;
	v53 =	vld [tilespmem:s6+$0x16400]  }
0x250: {  	v54 =	vld [tilespmem:s6+$0x16410];
	v1 =	vadd.f32 v57, v1;
	v3 =	vadd.f32 v50, v3  }
0x251: {  	v63 =	vadd.f32 v59, v2;
	[tilespmem:s6+$0x19420] =	vst v60;
	v0 =	vadd.f32 v61, v0  }
0x252: {  	v4 =	vadd.f32 v45, v4;
	[tilespmem:s6+$0x19440] =	vst v1;
	v62 =	vadd.f32 v58, v3  }
0x253: {  	[tilespmem:s6+$0x19460] =	vst v63;
	v61 =	vadd.f32 v56, v8;
	v0 =	vadd.f32 v46, v0  }
0x254: {  	[tilespmem:s6+$0x19450] =	vst v62;
	v4 =	vadd.f32 v53, v4  }
0x255: {  	[tilespmem:s6+$0x19430] =	vst v61;
	v0 =	vadd.f32 v54, v0  }
0x256: {  	[tilespmem:s6+$0x19400] =	vst v4  }
.Ltmp6:
0x257: {  	[tilespmem:s6+$0x19410] =	vst v0;
	(pc) =	sbr.rel @p0 .LBB2_11-.Ltmp6, $4  }
0x258: {  	_ =	swait.ge [sflag:s30], $0x1000  }
0x259: {  	[sflag:s30] =	ssyncset.done $0x0  }
0x25a: {  	s20 =	sadd.s32 s7, s19;
	[sflag:s30] =	ssyncadd.s32 $0xFFFFF000  }
0x25b: {  	[hbm4b:s20+s4] =	stream.linear.scatter [tilespmem:s31], [sflag:$0x4], $0x1000, $0x38;
	[tilespmem:$0x1A400] =	vst v63  }
0x25c: {  	_ =	swait.ge [sflag:s2], $0x180  }
0x25d: {  	[sflag:s2] =	ssyncset.done $0x0  }
0x25e: {  	[sflag:s2] =	ssyncadd.s32 $0xFFFFFE80  }
0x25f: {  	[tilespmem:s21], [sflag:$0x2] =	stream.indirect.gather [hbm4b:s3+s16], $0x80, s15, s16, $0xb8;
	[tilespmem:$0x1A400] =	vst v63  }
.Ltmp7:
0x260: {  	_ = 	snop;
	(pc) =	sbr.rel .LBB2_2-.Ltmp7, $4  }
0x261: {  	_ = 	snop  }
0x262: {  	[tilespmem:s23], [sflag:$0x2] =	stream.indirect.gather [hbm4b:s3+s16], $0x80, s22, s16, $0xb8;
	[tilespmem:$0x1A400] =	vst v63  }
0x263: {  	s18 =	sadd.s32 $0x1, s18  }
0x264: {  	[tilespmem:s25], [sflag:$0x2] =	stream.indirect.gather [hbm4b:s3+s16], $0x80, s24, s16, $0xb8;
	[tilespmem:$0x1A400] =	vst v63  }
.LBB2_12:
0x265: {  	_ =	sfence.sel $0x180000  }
0x266: {  	[bflag:$0x0] =	sbarrier.arrive $0xFFFF  }
0x267: {  	_ =	strace $0x90000047  }
0x268: {  	s0 =	stileid.u32;
	[bflag:$0x2] =	sbarrier.arrive $0xFFFF  }
0x269: {  	p0 =	sne.s32 s0, $0x0;
	s0 =	rddreg [dreg:$0x3]  }
0x26a: {  	s0 =	sadd.s32 @!p0 $0x100000, s0  }
0x26b: {  	[sflag:s0] =	ssyncadd.tile.s32 @!p0 $0x1;
	_ =	shalt  }
.Lfunc_end2:
_tile_overlayer_lowered:
.L_overlay_start_2:
0x26c: {  	(tag) =	ssettag $0x2  }
0x26d: {  	s0 =	rddreg [dreg:$0x0];
	s2 =	stileid.u32  }
0x26e: {  	s1 =	rddreg [dreg:$0x1];
	p0 =	sne.s32 s2, $0x0  }
0x26f: {  	s3 =	rddreg [dreg:$0x2];
	[bflag:$0x3] =	sbarrier.arrive $0xFFFF;
	s2 =	simm.s32 @!p0 $0x1C07  }
0x270: {  	[timem:s3], [sflag:s2] =	dma.local @!p0 [hbm:s0], s1  }
0x271: {  	s0 =	simm.s32 @!p0 $0x7  }
0x272: {  	_ =	swait.ge @!p0 [sflag:s0], s1  }
0x273: {  	s1 =	ssub.s32 @!p0 $0x0, s1;
	[sflag:s0] =	ssyncset.done @!p0 $0x0  }
0x274: {  	[sflag:s0] =	ssyncadd.s32 @!p0 s1  }
0x275: {  	[bflag:$0x3] =	sbarrier.arrive $0xFFFF  }
0x276: {  	_ =	shalt  }

</sc_bundles>
